<compile_context>
chip_gen: v7x
topology: tpu7x:2x2x1
jax: 0.10.2.dev20260603
libtpu: 0.0.44.dev20260713+nightly
codegen_flags: <defaults>
</compile_context>

<pallas_src>
import dataclasses

import jax
import jax.numpy as jnp
from jax import lax
from jax.experimental import pallas as pl
from jax.experimental.pallas import tpu as pltpu
from jax.experimental.pallas import tpu_sc as plsc

N = 2048
D = 512
E = 32768
NN = N * N
NTEC = 16
ET = E // NTEC
CH = 512
SPDUMP = CH * N
DUMPW = NTEC * 1024
NWIN = 33
NENT = NWIN * 128
DIAG_PER_TEC = CH // NTEC


def _rsqrt16(x):
    i = plsc.bitcast(x, jnp.int32)
    i = 0x5F3759DF - lax.shift_right_logical(i, 1)
    y = plsc.bitcast(i, jnp.float32)
    for _ in range(3):
        y = y * (1.5 - 0.5 * x * y * y)
    return y


def _p_body(x_ref, w_ref, b_ref, o_ref):
    xb = x_ref[...].astype(jnp.bfloat16).astype(jnp.float32)
    wb = w_ref[...].astype(jnp.bfloat16).astype(jnp.float32)
    o_ref[...] = jnp.sum(xb * wb, axis=1) + b_ref[0, 0]


BR = 512


def _final_body(p1_ref, o_ref):
    i = pl.program_id(0)
    r = lax.broadcasted_iota(jnp.int32, (BR, N), 0) + i * BR
    c = lax.broadcasted_iota(jnp.int32, (BR, N), 1)
    z = jnp.zeros((BR, N), jnp.float32)
    o_ref[0, 0] = jnp.where(r == c, 1.0, 0.0).astype(jnp.float32)
    o_ref[0, 1] = p1_ref[...].reshape(BR, N)
    o_ref[1, 0] = z
    o_ref[1, 1] = z


def _sc_body(u_ref, v_ref, p_ref, zeros_ref, out_ref,
             u_buf, v_buf, val_buf, p_loc, dinv_loc, dacc, red_loc, dred,
             lidx_b0, val_b0, lidx_b1, val_b1, z_b,
             dstage, dinv_sh, spbuf, sem_z):
    core = lax.axis_index("c")
    s = lax.axis_index("s")
    iota16 = lax.iota(jnp.int32, 16)
    zeros16 = jnp.zeros((16,), jnp.float32)
    rows_off = s * (CH // NTEC) * N
    rows_w = (CH // NTEC) * N

    with jax.named_scope("ph_stage"):
        pltpu.sync_copy(u_ref.at[pl.ds(s * ET, ET)], u_buf)
        pltpu.sync_copy(v_ref.at[pl.ds(s * ET, ET)], v_buf)
        pltpu.sync_copy(p_ref, p_loc)
        zin = pltpu.async_copy(zeros_ref,
                               spbuf.at[pl.ds(rows_off, rows_w)], sem_z)

        @pl.loop(0, N // 16)
        def _(i):
            dacc[pl.ds(i * 16, 16)] = zeros16

        @pl.loop(0, NENT // 16)
        def _(i):
            z_b[pl.ds(i * 16, 16)] = zeros16

    with jax.named_scope("ph_degree"):
        @pl.loop(0, ET // 16)
        def _(i):
            sl = pl.ds(i * 16, 16)
            u16 = u_buf[sl]
            v16 = v_buf[sl]
            pu = plsc.load_gather(p_loc, [u16])
            pv = plsc.load_gather(p_loc, [v16])
            valr = jnp.maximum(pu - pv, 0.0)
            val_buf[sl] = valr
            w = 1.0 + valr
            plsc.addupdate_scatter(dacc, [u16], w)
            plsc.addupdate_scatter(dacc, [v16], w)

    with jax.named_scope("ph_dreduce"):
        for b in range(NTEC):
            pltpu.sync_copy(dacc.at[pl.ds(b * 128, 128)], dstage.at[b, s])
        plsc.subcore_barrier()
        pltpu.sync_copy(dstage.at[s], red_loc)
        for k in range(8):
            acc = red_loc[0, pl.ds(k * 16, 16)]
            for t in range(1, NTEC):
                acc = acc + red_loc[t, pl.ds(k * 16, 16)]
            dred[pl.ds(k * 16, 16)] = _rsqrt16(acc + 1.0)
        pltpu.sync_copy(dred, dinv_sh.at[pl.ds(s * 128, 128)])
        plsc.subcore_barrier()
        pltpu.sync_copy(dinv_sh, dinv_loc)

    for j, (lidx_b, val_b) in enumerate(((lidx_b0, val_b0), (lidx_b1, val_b1))):
        chunk = core * 2 + j
        rowbase = chunk * CH

        for t in range(8):
            k16 = iota16 + (t & 1) * 16
            n16 = rowbase + s * DIAG_PER_TEC + k16
            dn = plsc.load_gather(dinv_loc, [n16])
            vv = -dn * dn if t < 2 else zeros16
            sl = pl.ds(2 * ET + t * 16, 16)
            lidx_b[sl] = (s * DIAG_PER_TEC + k16) * N + n16
            val_b[sl] = vv

        gen_scope = jax.named_scope("ph_gen")
        gen_scope.__enter__()

        @pl.loop(0, ET // 16)
        def _(i):
            sl = pl.ds(i * 16, 16)
            u16 = u_buf[sl]
            v16 = v_buf[sl]
            valr = val_buf[sl]
            zero = valr == 0.0
            w = 1.0 + valr
            du = plsc.load_gather(dinv_loc, [u16])
            dv = plsc.load_gather(dinv_loc, [v16])
            duv = du * dv
            for (r16, c16, vv, base) in (
                (u16, jnp.where(zero, u16, v16), -w * jnp.where(zero, du * du, duv), 0),
                (v16, jnp.where(zero, v16, u16), -w * jnp.where(zero, dv * dv, duv), ET),
            ):
                inm = lax.shift_right_logical(r16, 9) == chunk
                e16 = iota16 + i * 16 + base
                lidx = jnp.where(inm, (r16 - rowbase) * N + c16,
                                 SPDUMP + s * 1024 + (e16 & 1023))
                sl2 = pl.ds(base + i * 16, 16)
                lidx_b[sl2] = lidx
                val_b[sl2] = vv

        gen_scope.__exit__(None, None, None)

    with jax.named_scope("ph_spzero"):
        zin.wait()
        plsc.subcore_barrier()
    with jax.named_scope("ph_spadd"):
        pltpu.sync_copy(val_b0, spbuf.at[lidx_b0], add=True)
        plsc.subcore_barrier()
    with jax.named_scope("ph_out"):
        pltpu.sync_copy(spbuf.at[pl.ds(rows_off, rows_w)],
                        out_ref.at[pl.ds(core * 2 * CH * N + rows_off, rows_w)])
        plsc.subcore_barrier()

    with jax.named_scope("ph_spzero"):
        pltpu.sync_copy(z_b, spbuf.at[lidx_b0])
        plsc.subcore_barrier()
    with jax.named_scope("ph_spadd"):
        pltpu.sync_copy(val_b1, spbuf.at[lidx_b1], add=True)
        plsc.subcore_barrier()
    with jax.named_scope("ph_out"):
        pltpu.sync_copy(spbuf.at[pl.ds(rows_off, rows_w)],
                        out_ref.at[pl.ds((core * 2 + 1) * CH * N + rows_off, rows_w)])


def kernel(featuers, Edges, W_e1, b_e1):
    p2 = pl.pallas_call(
        _p_body,
        out_shape=jax.ShapeDtypeStruct((N,), jnp.float32),
    )(featuers, W_e1.reshape(1, D), b_e1.reshape(1, 1))

    cp = pltpu.CompilerParams()
    if "needs_layout_passes" in pltpu.CompilerParams.__dataclass_fields__:
        cp = dataclasses.replace(cp, needs_layout_passes=False)
    mesh = plsc.VectorSubcoreMesh(core_axis_name="c", subcore_axis_name="s")
    sc_kern = pl.kernel(
        _sc_body,
        out_type=jax.ShapeDtypeStruct((NN,), jnp.float32),
        mesh=mesh,
        compiler_params=cp,
        scratch_types=[
            pltpu.VMEM((ET,), jnp.int32),
            pltpu.VMEM((ET,), jnp.int32),
            pltpu.VMEM((ET,), jnp.float32),
            pltpu.VMEM((N,), jnp.float32),
            pltpu.VMEM((N,), jnp.float32),
            pltpu.VMEM((N,), jnp.float32),
            pltpu.VMEM((NTEC, 128), jnp.float32),
            pltpu.VMEM((128,), jnp.float32),
            pltpu.VMEM((NENT,), jnp.int32),
            pltpu.VMEM((NENT,), jnp.float32),
            pltpu.VMEM((NENT,), jnp.int32),
            pltpu.VMEM((NENT,), jnp.float32),
            pltpu.VMEM((NENT,), jnp.float32),
            pltpu.VMEM_SHARED((NTEC, NTEC, 128), jnp.float32),
            pltpu.VMEM_SHARED((N,), jnp.float32),
            pltpu.VMEM_SHARED((SPDUMP + DUMPW,), jnp.float32),
            pltpu.SemaphoreType.DMA,
        ],
    )

    zeros_chunk = jnp.zeros(((CH // NTEC) * N,), jnp.float32)
    plane1 = sc_kern(Edges[0], Edges[1], p2, zeros_chunk)

    return pl.pallas_call(
        _final_body,
        grid=(N // BR,),
        in_specs=[pl.BlockSpec((BR * N,), lambda i: (i,))],
        out_specs=pl.BlockSpec((2, 2, BR, N), lambda i: (0, 0, i, 0)),
        out_shape=jax.ShapeDtypeStruct((2, 2, N, N), jnp.float32),
    )(plane1)

# --- scband reference (transcript-rebuilt; emitter-appended) ---
"""Pipeline reference for scband-graph-directed-a-29978871726196 (READ-ONLY COPY).

The authoritative reference and input builder live on the scoring server;
editing this copy changes nothing except your own understanding.
"""

import jax, jax.numpy as jnp
import numpy as np

N = 2048
D = 512
E = 32768
K = 1
Q = 0.25
MAX_EIGEN = 2.0


def setup_inputs(seed: int = 0) -> dict:
    key = jax.random.key(seed)
    k1, k2, k3, k4 = jax.random.split(key, 4)
    featuers = jax.random.normal(k1, (N, D), dtype=jnp.float32)
    Edges = jax.random.randint(k2, (2, E), 0, N, dtype=jnp.int32)
    W_e1 = jax.random.normal(k3, (D, 1), dtype=jnp.float32) * (1.0 / np.sqrt(D))
    b_e1 = jax.random.normal(k4, (1,), dtype=jnp.float32) * (1.0 / np.sqrt(D))
    return {"featuers": featuers, "Edges": Edges, "W_e1": W_e1, "b_e1": b_e1}


def reference(featuers, Edges, W_e1, b_e1):
    # e1 linear: per-node scalar potential
    m1 = featuers @ W_e1 + b_e1            # [N, 1]
    p = m1[:, 0]                            # [N]

    u = Edges[0]
    v = Edges[1]
    # Laplacian_Nonlinear_torch: val = max(p[u]-p[v], 0)
    val = jnp.maximum(p[u] - p[v], 0.0)     # [E]
    zero = (val == 0.0)
    w = 1.0 + val
    # val==0: add weight to (u,u) and (v,v); else to (u,v) and (v,u).
    r1 = u
    c1 = jnp.where(zero, u, v)
    r2 = v
    c2 = jnp.where(zero, v, u)
    # dict-accumulated weights over deduped edges == scatter-add into dense A
    A = jnp.zeros((N, N), dtype=jnp.float32)
    A = A.at[r1, c1].add(w)
    A = A.at[r2, c2].add(w)
    # calc_adjacency: adj = adj + unit-weight self loops
    A = A + jnp.eye(N, dtype=jnp.float32)

    # calculate_new_laplcians (norm=True, laplacian=True, gcn_appr=False)
    A_sym = 0.5 * (A + A.T)
    d = A_sym.sum(axis=0)
    d = jnp.where(d == 0.0, 1.0, d)
    d = d ** (-0.5)
    A_sym = d[:, None] * A_sym * d[None, :]

    Theta = jnp.exp(2.0 * jnp.pi * Q * 1j * (A - A.T))   # complex64 [N,N]
    eye_c = jnp.eye(N, dtype=Theta.dtype)
    L = eye_c - Theta * A_sym                            # D - Theta.*A_sym with D=I (norm)
    L = (2.0 / MAX_EIGEN) * L - eye_c                    # norm rescale

    # cheb_poly(L, K=1) -> [I (cfloat), L]
    L_real = jnp.stack([jnp.real(eye_c), jnp.real(L)])   # [2, N, N]
    L_imag = jnp.stack([jnp.imag(eye_c), jnp.imag(L)])   # [2, N, N]
    return jnp.stack([L_real, L_imag])                    # [2, 2, N, N]

if __name__ == "__main__":
    import jax
    _d = setup_inputs()
    print(jax.jit(kernel)(*tuple(_d.values())))

</pallas_src>

<mosaic_0001>
#map = affine_map<(d0, d1) -> (0)>
module attributes {stable_mosaic.version = 14 : i64} {
  func.func @_sc_body(%arg0: i32, %arg1: i32, %arg2: memref<32768xi32, #tpu.memory_space<hbm>>, %arg3: memref<32768xi32, #tpu.memory_space<hbm>>, %arg4: memref<2048xf32, #tpu.memory_space<hbm>>, %arg5: memref<65536xf32, #tpu.memory_space<hbm>>, %arg6: memref<4194304xf32, #tpu.memory_space<hbm>>, %arg7: memref<2048xi32, #tpu.memory_space<vmem>>, %arg8: memref<2048xi32, #tpu.memory_space<vmem>>, %arg9: memref<2048xf32, #tpu.memory_space<vmem>>, %arg10: memref<2048xf32, #tpu.memory_space<vmem>>, %arg11: memref<2048xf32, #tpu.memory_space<vmem>>, %arg12: memref<2048xf32, #tpu.memory_space<vmem>>, %arg13: memref<16x128xf32, #tpu.memory_space<vmem>>, %arg14: memref<128xf32, #tpu.memory_space<vmem>>, %arg15: memref<4224xi32, #tpu.memory_space<vmem>>, %arg16: memref<4224xf32, #tpu.memory_space<vmem>>, %arg17: memref<4224xi32, #tpu.memory_space<vmem>>, %arg18: memref<4224xf32, #tpu.memory_space<vmem>>, %arg19: memref<4224xf32, #tpu.memory_space<vmem>>, %arg20: memref<16x16x128xf32, #tpu.memory_space<vmem_shared>>, %arg21: memref<2048xf32, #tpu.memory_space<vmem_shared>>, %arg22: memref<1064960xf32, #tpu.memory_space<vmem_shared>>, %arg23: memref<!tpu.dma_semaphore, #tpu.memory_space<semaphore_mem>>) attributes {dimension_semantics = [#tpu.dimension_semantics<core_parallel>, #tpu.dimension_semantics<subcore_parallel>], iteration_bounds = array<i64: 2, 16>, scalar_prefetch = 0 : i64, scratch_operands = 17 : i64, tpu.core_type = #tpu.core_type<sc_vector_subcore>, window_params = [{transform_indices = #map}, {transform_indices = #map}, {transform_indices = #map}, {transform_indices = #map}, {transform_indices = #map}]} {
    %iota3A = tpu.iota {dimensions = array<i32: 0>} : vector<16xi32>
    %broadcast_in_dim3A = arith.constant 0.000000e+00 : f32
    %broadcast_in_dim3A_0 = vector.broadcast %broadcast_in_dim3A : f32 to vector<16xf32>
    %mul3A = arith.constant 32 : i32
    %mul3A_1 = arith.muli %arg1, %mul3A : i32
    %mul3A_2 = arith.constant 2048 : i32
    %mul3A_3 = arith.muli %mul3A_1, %mul3A_2 : i32
    "tpu.trace_start"() <{level = 10 : i32, message = "ph_stage"}> : () -> ()
    %mul3A_4 = arith.constant 2048 : i32
    %mul3A_5 = arith.muli %arg1, %mul3A_4 : i32
    "tpu.region"() ({
      %run_scoped3A_1379 = tpu.sem_alloc : memref<!tpu.dma_semaphore, #tpu.memory_space<semaphore_mem>>
      %dma_start3A_1380 = tpu.memref_slice %arg2[%mul3A_5] : memref<32768xi32, #tpu.memory_space<hbm>> -> memref<2048xi32, #tpu.memory_space<hbm>>
      %dma_start3A_1381 = tpu.memref_slice %arg2[%mul3A_5] : memref<32768xi32, #tpu.memory_space<hbm>> -> memref<2048xi32, #tpu.memory_space<hbm>>
      tpu.enqueue_dma source(%dma_start3A_1381 : memref<2048xi32, #tpu.memory_space<hbm>>) target(%arg7 : memref<2048xi32, #tpu.memory_space<vmem>>) target_semaphore(%run_scoped3A_1379 : memref<!tpu.dma_semaphore, #tpu.memory_space<semaphore_mem>>)
      %dma_wait3A_1382 = tpu.memref_slice %arg2[%mul3A_5] : memref<32768xi32, #tpu.memory_space<hbm>> -> memref<2048xi32, #tpu.memory_space<hbm>>
      %dma_wait3A_1383 = tpu.memref_slice %arg2[%mul3A_5] : memref<32768xi32, #tpu.memory_space<hbm>> -> memref<2048xi32, #tpu.memory_space<hbm>>
      tpu.wait_dma2 semaphore(%run_scoped3A_1379 : memref<!tpu.dma_semaphore, #tpu.memory_space<semaphore_mem>>) src(%dma_wait3A_1383 : memref<2048xi32, #tpu.memory_space<hbm>>) dst(%arg7 : memref<2048xi32, #tpu.memory_space<vmem>>)
      tpu.yield
    }) : () -> ()
    %mul3A_6 = arith.constant 2048 : i32
    %mul3A_7 = arith.muli %arg1, %mul3A_6 : i32
    "tpu.region"() ({
      %run_scoped3A_1379 = tpu.sem_alloc : memref<!tpu.dma_semaphore, #tpu.memory_space<semaphore_mem>>
      %dma_start3A_1380 = tpu.memref_slice %arg3[%mul3A_7] : memref<32768xi32, #tpu.memory_space<hbm>> -> memref<2048xi32, #tpu.memory_space<hbm>>
      %dma_start3A_1381 = tpu.memref_slice %arg3[%mul3A_7] : memref<32768xi32, #tpu.memory_space<hbm>> -> memref<2048xi32, #tpu.memory_space<hbm>>
      tpu.enqueue_dma source(%dma_start3A_1381 : memref<2048xi32, #tpu.memory_space<hbm>>) target(%arg8 : memref<2048xi32, #tpu.memory_space<vmem>>) target_semaphore(%run_scoped3A_1379 : memref<!tpu.dma_semaphore, #tpu.memory_space<semaphore_mem>>)
      %dma_wait3A_1382 = tpu.memref_slice %arg3[%mul3A_7] : memref<32768xi32, #tpu.memory_space<hbm>> -> memref<2048xi32, #tpu.memory_space<hbm>>
      %dma_wait3A_1383 = tpu.memref_slice %arg3[%mul3A_7] : memref<32768xi32, #tpu.memory_space<hbm>> -> memref<2048xi32, #tpu.memory_space<hbm>>
      tpu.wait_dma2 semaphore(%run_scoped3A_1379 : memref<!tpu.dma_semaphore, #tpu.memory_space<semaphore_mem>>) src(%dma_wait3A_1383 : memref<2048xi32, #tpu.memory_space<hbm>>) dst(%arg8 : memref<2048xi32, #tpu.memory_space<vmem>>)
      tpu.yield
    }) : () -> ()
    "tpu.region"() ({
      %run_scoped3A_1379 = tpu.sem_alloc : memref<!tpu.dma_semaphore, #tpu.memory_space<semaphore_mem>>
      tpu.enqueue_dma source(%arg4 : memref<2048xf32, #tpu.memory_space<hbm>>) target(%arg10 : memref<2048xf32, #tpu.memory_space<vmem>>) target_semaphore(%run_scoped3A_1379 : memref<!tpu.dma_semaphore, #tpu.memory_space<semaphore_mem>>)
      tpu.wait_dma2 semaphore(%run_scoped3A_1379 : memref<!tpu.dma_semaphore, #tpu.memory_space<semaphore_mem>>) src(%arg4 : memref<2048xf32, #tpu.memory_space<hbm>>) dst(%arg10 : memref<2048xf32, #tpu.memory_space<vmem>>)
      tpu.yield
    }) : () -> ()
    %dma_start3A = tpu.memref_slice %arg22[%mul3A_3] : memref<1064960xf32, #tpu.memory_space<vmem_shared>> -> memref<65536xf32, #tpu.memory_space<vmem_shared>>
    tpu.enqueue_dma source(%arg5 : memref<65536xf32, #tpu.memory_space<hbm>>) target(%dma_start3A : memref<65536xf32, #tpu.memory_space<vmem_shared>>) target_semaphore(%arg23 : memref<!tpu.dma_semaphore, #tpu.memory_space<semaphore_mem>>)
    %scan3A = arith.constant 0 : i32
    %scan3A_8 = arith.constant 128 : i32
    %scan3A_9 = arith.addi %scan3A, %scan3A_8 : i32
    %scan3A_10 = arith.constant 1 : i32
    scf.for %scan3A_1379 = %scan3A to %scan3A_9 step %scan3A_10  : i32 {
      %mul3A_1380 = arith.constant 1 : i32
      %mul3A_1381 = arith.muli %scan3A_1379, %mul3A_1380 : i32
      %add3A_1382 = arith.constant 0 : i32
      %add3A_1383 = arith.addi %add3A_1382, %mul3A_1381 : i32
      %mul3A_1384 = arith.constant 16 : i32
      %mul3A_1385 = arith.muli %add3A_1383, %mul3A_1384 : i32
      %swap3A_1386 = arith.index_cast %mul3A_1385 : i32 to index
      %swap3A_1387 = tpu.vector_load %arg12[%swap3A_1386] {strides = array<i32>} : memref<2048xf32, #tpu.memory_space<vmem>>, vector<16xf32>,
      tpu.vector_store %arg12[%swap3A_1386], %broadcast_in_dim3A_0 {strides = array<i32>} : memref<2048xf32, #tpu.memory_space<vmem>>, vector<16xf32>,
    }
    %scan3A_11 = arith.constant 128 : i32
    %scan3A_12 = arith.constant 0 : i32
    %scan3A_13 = arith.constant 264 : i32
    %scan3A_14 = arith.addi %scan3A_12, %scan3A_13 : i32
    %scan3A_15 = arith.constant 1 : i32
    scf.for %scan3A_1379 = %scan3A_12 to %scan3A_14 step %scan3A_15  : i32 {
      %mul3A_1380 = arith.constant 1 : i32
      %mul3A_1381 = arith.muli %scan3A_1379, %mul3A_1380 : i32
      %add3A_1382 = arith.constant 0 : i32
      %add3A_1383 = arith.addi %add3A_1382, %mul3A_1381 : i32
      %mul3A_1384 = arith.constant 16 : i32
      %mul3A_1385 = arith.muli %add3A_1383, %mul3A_1384 : i32
      %swap3A_1386 = arith.index_cast %mul3A_1385 : i32 to index
      %swap3A_1387 = tpu.vector_load %arg19[%swap3A_1386] {strides = array<i32>} : memref<4224xf32, #tpu.memory_space<vmem>>, vector<16xf32>,
      tpu.vector_store %arg19[%swap3A_1386], %broadcast_in_dim3A_0 {strides = array<i32>} : memref<4224xf32, #tpu.memory_space<vmem>>, vector<16xf32>,
    }
    %scan3A_16 = arith.constant 264 : i32
    "tpu.trace_stop"() : () -> ()
    "tpu.trace_start"() <{level = 10 : i32, message = "ph_degree"}> : () -> ()
    %scan3A_17 = arith.constant 0 : i32
    %scan3A_18 = arith.constant 128 : i32
    %scan3A_19 = arith.addi %scan3A_17, %scan3A_18 : i32
    %scan3A_20 = arith.constant 1 : i32
    scf.for %scan3A_1379 = %scan3A_17 to %scan3A_19 step %scan3A_20  : i32 {
      %mul3A_1380 = arith.constant 1 : i32
      %mul3A_1381 = arith.muli %scan3A_1379, %mul3A_1380 : i32
      %add3A_1382 = arith.constant 0 : i32
      %add3A_1383 = arith.addi %add3A_1382, %mul3A_1381 : i32
      %mul3A_1384 = arith.constant 16 : i32
      %mul3A_1385 = arith.muli %add3A_1383, %mul3A_1384 : i32
      %get3A_1386 = arith.index_cast %mul3A_1385 : i32 to index
      %get3A_1387 = tpu.vector_load %arg7[%get3A_1386] {strides = array<i32>} : memref<2048xi32, #tpu.memory_space<vmem>>, vector<16xi32>,
      %get3A_1388 = arith.index_cast %mul3A_1385 : i32 to index
      %get3A_1389 = tpu.vector_load %arg8[%get3A_1388] {strides = array<i32>} : memref<2048xi32, #tpu.memory_space<vmem>>, vector<16xi32>,
      %gather3A_1390 = tpu.vector_load_idx %arg10[%get3A_1387] : memref<2048xf32, #tpu.memory_space<vmem>>[vector<16xi32>], vector<16xf32>,
      %gather3A_1391 = tpu.vector_load_idx %arg10[%get3A_1389] : memref<2048xf32, #tpu.memory_space<vmem>>[vector<16xi32>], vector<16xf32>,
      %sub3A_1392 = arith.subf %gather3A_1390, %gather3A_1391 : vector<16xf32>
      %max3A = arith.constant 0.000000e+00 : f32
      %max3A_1393 = vector.broadcast %max3A : f32 to vector<16xf32>
      %max3A_1394 = arith.maximumf %sub3A_1392, %max3A_1393 : vector<16xf32>
      %swap3A_1395 = arith.index_cast %mul3A_1385 : i32 to index
      %swap3A_1396 = tpu.vector_load %arg9[%swap3A_1395] {strides = array<i32>} : memref<2048xf32, #tpu.memory_space<vmem>>, vector<16xf32>,
      tpu.vector_store %arg9[%swap3A_1395], %max3A_1394 {strides = array<i32>} : memref<2048xf32, #tpu.memory_space<vmem>>, vector<16xf32>,
      %add3A_1397 = arith.constant 1.000000e+00 : f32
      %add3A_1398 = vector.broadcast %add3A_1397 : f32 to vector<16xf32>
      %add3A_1399 = arith.addf %add3A_1398, %max3A_1394 : vector<16xf32>
      tpu.vector_store_idx %arg12[%get3A_1387], %add3A_1399 {add = true} : memref<2048xf32, #tpu.memory_space<vmem>>[vector<16xi32>], vector<16xf32>,
      tpu.vector_store_idx %arg12[%get3A_1389], %add3A_1399 {add = true} : memref<2048xf32, #tpu.memory_space<vmem>>[vector<16xi32>], vector<16xf32>,
    }
    %scan3A_21 = arith.constant 128 : i32
    %run_scoped3A = arith.constant 0 : i32
    "tpu.trace_stop"() : () -> ()
    "tpu.trace_start"() <{level = 10 : i32, message = "ph_dreduce"}> : () -> ()
    "tpu.region"() ({
      %run_scoped3A_1379 = tpu.sem_alloc : memref<!tpu.dma_semaphore, #tpu.memory_space<semaphore_mem>>
      %dma_start3A_1380 = arith.constant 0 : i32
      %dma_start3A_1381 = tpu.memref_slice %arg12[%dma_start3A_1380] : memref<2048xf32, #tpu.memory_space<vmem>> -> memref<128xf32, #tpu.memory_space<vmem>>
      %dma_start3A_1382 = arith.constant 0 : i32
      %dma_start3A_1383 = tpu.memref_slice %arg20[%run_scoped3A, %arg1, %dma_start3A_1382] : memref<16x16x128xf32, #tpu.memory_space<vmem_shared>> -> memref<1x1x128xf32, #tpu.memory_space<vmem_shared>>
      %dma_start3A_1384 = tpu.memref_squeeze %dma_start3A_1383 : memref<1x1x128xf32, #tpu.memory_space<vmem_shared>> -> memref<128xf32, #tpu.memory_space<vmem_shared>>
      %dma_start3A_1385 = arith.constant 0 : i32
      %dma_start3A_1386 = tpu.memref_slice %arg20[%run_scoped3A, %arg1, %dma_start3A_1385] : memref<16x16x128xf32, #tpu.memory_space<vmem_shared>> -> memref<1x1x128xf32, #tpu.memory_space<vmem_shared>>
      %dma_start3A_1387 = tpu.memref_squeeze %dma_start3A_1386 : memref<1x1x128xf32, #tpu.memory_space<vmem_shared>> -> memref<128xf32, #tpu.memory_space<vmem_shared>>
      %dma_start3A_1388 = arith.constant 0 : i32
      %dma_start3A_1389 = tpu.memref_slice %arg12[%dma_start3A_1388] : memref<2048xf32, #tpu.memory_space<vmem>> -> memref<128xf32, #tpu.memory_space<vmem>>
      tpu.enqueue_dma source(%dma_start3A_1389 : memref<128xf32, #tpu.memory_space<vmem>>) target(%dma_start3A_1387 : memref<128xf32, #tpu.memory_space<vmem_shared>>) target_semaphore(%run_scoped3A_1379 : memref<!tpu.dma_semaphore, #tpu.memory_space<semaphore_mem>>)
      %dma_wait3A_1390 = arith.constant 0 : i32
      %dma_wait3A_1391 = tpu.memref_slice %arg12[%dma_wait3A_1390] : memref<2048xf32, #tpu.memory_space<vmem>> -> memref<128xf32, #tpu.memory_space<vmem>>
      %dma_wait3A_1392 = arith.constant 0 : i32
      %dma_wait3A_1393 = tpu.memref_slice %arg20[%run_scoped3A, %arg1, %dma_wait3A_1392] : memref<16x16x128xf32, #tpu.memory_space<vmem_shared>> -> memref<1x1x128xf32, #tpu.memory_space<vmem_shared>>
      %dma_wait3A_1394 = tpu.memref_squeeze %dma_wait3A_1393 : memref<1x1x128xf32, #tpu.memory_space<vmem_shared>> -> memref<128xf32, #tpu.memory_space<vmem_shared>>
      %dma_wait3A_1395 = arith.constant 0 : i32
      %dma_wait3A_1396 = tpu.memref_slice %arg20[%run_scoped3A, %arg1, %dma_wait3A_1395] : memref<16x16x128xf32, #tpu.memory_space<vmem_shared>> -> memref<1x1x128xf32, #tpu.memory_space<vmem_shared>>
      %dma_wait3A_1397 = tpu.memref_squeeze %dma_wait3A_1396 : memref<1x1x128xf32, #tpu.memory_space<vmem_shared>> -> memref<128xf32, #tpu.memory_space<vmem_shared>>
      %dma_wait3A_1398 = arith.constant 0 : i32
      %dma_wait3A_1399 = tpu.memref_slice %arg12[%dma_wait3A_1398] : memref<2048xf32, #tpu.memory_space<vmem>> -> memref<128xf32, #tpu.memory_space<vmem>>
      tpu.wait_dma2 semaphore(%run_scoped3A_1379 : memref<!tpu.dma_semaphore, #tpu.memory_space<semaphore_mem>>) src(%dma_wait3A_1399 : memref<128xf32, #tpu.memory_space<vmem>>) dst(%dma_wait3A_1397 : memref<128xf32, #tpu.memory_space<vmem_shared>>)
      tpu.yield
    }) : () -> ()
    %run_scoped3A_22 = arith.constant 1 : i32
    "tpu.region"() ({
      %run_scoped3A_1379 = tpu.sem_alloc : memref<!tpu.dma_semaphore, #tpu.memory_space<semaphore_mem>>
      %dma_start3A_1380 = arith.constant 128 : i32
      %dma_start3A_1381 = tpu.memref_slice %arg12[%dma_start3A_1380] : memref<2048xf32, #tpu.memory_space<vmem>> -> memref<128xf32, #tpu.memory_space<vmem>>
      %dma_start3A_1382 = arith.constant 0 : i32
      %dma_start3A_1383 = tpu.memref_slice %arg20[%run_scoped3A_22, %arg1, %dma_start3A_1382] : memref<16x16x128xf32, #tpu.memory_space<vmem_shared>> -> memref<1x1x128xf32, #tpu.memory_space<vmem_shared>>
      %dma_start3A_1384 = tpu.memref_squeeze %dma_start3A_1383 : memref<1x1x128xf32, #tpu.memory_space<vmem_shared>> -> memref<128xf32, #tpu.memory_space<vmem_shared>>
      %dma_start3A_1385 = arith.constant 0 : i32
      %dma_start3A_1386 = tpu.memref_slice %arg20[%run_scoped3A_22, %arg1, %dma_start3A_1385] : memref<16x16x128xf32, #tpu.memory_space<vmem_shared>> -> memref<1x1x128xf32, #tpu.memory_space<vmem_shared>>
      %dma_start3A_1387 = tpu.memref_squeeze %dma_start3A_1386 : memref<1x1x128xf32, #tpu.memory_space<vmem_shared>> -> memref<128xf32, #tpu.memory_space<vmem_shared>>
      %dma_start3A_1388 = arith.constant 128 : i32
      %dma_start3A_1389 = tpu.memref_slice %arg12[%dma_start3A_1388] : memref<2048xf32, #tpu.memory_space<vmem>> -> memref<128xf32, #tpu.memory_space<vmem>>
      tpu.enqueue_dma source(%dma_start3A_1389 : memref<128xf32, #tpu.memory_space<vmem>>) target(%dma_start3A_1387 : memref<128xf32, #tpu.memory_space<vmem_shared>>) target_semaphore(%run_scoped3A_1379 : memref<!tpu.dma_semaphore, #tpu.memory_space<semaphore_mem>>)
      %dma_wait3A_1390 = arith.constant 128 : i32
      %dma_wait3A_1391 = tpu.memref_slice %arg12[%dma_wait3A_1390] : memref<2048xf32, #tpu.memory_space<vmem>> -> memref<128xf32, #tpu.memory_space<vmem>>
      %dma_wait3A_1392 = arith.constant 0 : i32
      %dma_wait3A_1393 = tpu.memref_slice %arg20[%run_scoped3A_22, %arg1, %dma_wait3A_1392] : memref<16x16x128xf32, #tpu.memory_space<vmem_shared>> -> memref<1x1x128xf32, #tpu.memory_space<vmem_shared>>
      %dma_wait3A_1394 = tpu.memref_squeeze %dma_wait3A_1393 : memref<1x1x128xf32, #tpu.memory_space<vmem_shared>> -> memref<128xf32, #tpu.memory_space<vmem_shared>>
      %dma_wait3A_1395 = arith.constant 0 : i32
      %dma_wait3A_1396 = tpu.memref_slice %arg20[%run_scoped3A_22, %arg1, %dma_wait3A_1395] : memref<16x16x128xf32, #tpu.memory_space<vmem_shared>> -> memref<1x1x128xf32, #tpu.memory_space<vmem_shared>>
      %dma_wait3A_1397 = tpu.memref_squeeze %dma_wait3A_1396 : memref<1x1x128xf32, #tpu.memory_space<vmem_shared>> -> memref<128xf32, #tpu.memory_space<vmem_shared>>
      %dma_wait3A_1398 = arith.constant 128 : i32
      %dma_wait3A_1399 = tpu.memref_slice %arg12[%dma_wait3A_1398] : memref<2048xf32, #tpu.memory_space<vmem>> -> memref<128xf32, #tpu.memory_space<vmem>>
      tpu.wait_dma2 semaphore(%run_scoped3A_1379 : memref<!tpu.dma_semaphore, #tpu.memory_space<semaphore_mem>>) src(%dma_wait3A_1399 : memref<128xf32, #tpu.memory_space<vmem>>) dst(%dma_wait3A_1397 : memref<128xf32, #tpu.memory_space<vmem_shared>>)
      tpu.yield
    }) : () -> ()
    %run_scoped3A_23 = arith.constant 2 : i32
    "tpu.region"() ({
      %run_scoped3A_1379 = tpu.sem_alloc : memref<!tpu.dma_semaphore, #tpu.memory_space<semaphore_mem>>
      %dma_start3A_1380 = arith.constant 256 : i32
      %dma_start3A_1381 = tpu.memref_slice %arg12[%dma_start3A_1380] : memref<2048xf32, #tpu.memory_space<vmem>> -> memref<128xf32, #tpu.memory_space<vmem>>
      %dma_start3A_1382 = arith.constant 0 : i32
      %dma_start3A_1383 = tpu.memref_slice %arg20[%run_scoped3A_23, %arg1, %dma_start3A_1382] : memref<16x16x128xf32, #tpu.memory_space<vmem_shared>> -> memref<1x1x128xf32, #tpu.memory_space<vmem_shared>>
      %dma_start3A_1384 = tpu.memref_squeeze %dma_start3A_1383 : memref<1x1x128xf32, #tpu.memory_space<vmem_shared>> -> memref<128xf32, #tpu.memory_space<vmem_shared>>
      %dma_start3A_1385 = arith.constant 0 : i32
      %dma_start3A_1386 = tpu.memref_slice %arg20[%run_scoped3A_23, %arg1, %dma_start3A_1385] : memref<16x16x128xf32, #tpu.memory_space<vmem_shared>> -> memref<1x1x128xf32, #tpu.memory_space<vmem_shared>>
      %dma_start3A_1387 = tpu.memref_squeeze %dma_start3A_1386 : memref<1x1x128xf32, #tpu.memory_space<vmem_shared>> -> memref<128xf32, #tpu.memory_space<vmem_shared>>
      %dma_start3A_1388 = arith.constant 256 : i32
      %dma_start3A_1389 = tpu.memref_slice %arg12[%dma_start3A_1388] : memref<2048xf32, #tpu.memory_space<vmem>> -> memref<128xf32, #tpu.memory_space<vmem>>
      tpu.enqueue_dma source(%dma_start3A_1389 : memref<128xf32, #tpu.memory_space<vmem>>) target(%dma_start3A_1387 : memref<128xf32, #tpu.memory_space<vmem_shared>>) target_semaphore(%run_scoped3A_1379 : memref<!tpu.dma_semaphore, #tpu.memory_space<semaphore_mem>>)
      %dma_wait3A_1390 = arith.constant 256 : i32
      %dma_wait3A_1391 = tpu.memref_slice %arg12[%dma_wait3A_1390] : memref<2048xf32, #tpu.memory_space<vmem>> -> memref<128xf32, #tpu.memory_space<vmem>>
      %dma_wait3A_1392 = arith.constant 0 : i32
      %dma_wait3A_1393 = tpu.memref_slice %arg20[%run_scoped3A_23, %arg1, %dma_wait3A_1392] : memref<16x16x128xf32, #tpu.memory_space<vmem_shared>> -> memref<1x1x128xf32, #tpu.memory_space<vmem_shared>>
      %dma_wait3A_1394 = tpu.memref_squeeze %dma_wait3A_1393 : memref<1x1x128xf32, #tpu.memory_space<vmem_shared>> -> memref<128xf32, #tpu.memory_space<vmem_shared>>
      %dma_wait3A_1395 = arith.constant 0 : i32
      %dma_wait3A_1396 = tpu.memref_slice %arg20[%run_scoped3A_23, %arg1, %dma_wait3A_1395] : memref<16x16x128xf32, #tpu.memory_space<vmem_shared>> -> memref<1x1x128xf32, #tpu.memory_space<vmem_shared>>
      %dma_wait3A_1397 = tpu.memref_squeeze %dma_wait3A_1396 : memref<1x1x128xf32, #tpu.memory_space<vmem_shared>> -> memref<128xf32, #tpu.memory_space<vmem_shared>>
      %dma_wait3A_1398 = arith.constant 256 : i32
      %dma_wait3A_1399 = tpu.memref_slice %arg12[%dma_wait3A_1398] : memref<2048xf32, #tpu.memory_space<vmem>> -> memref<128xf32, #tpu.memory_space<vmem>>
      tpu.wait_dma2 semaphore(%run_scoped3A_1379 : memref<!tpu.dma_semaphore, #tpu.memory_space<semaphore_mem>>) src(%dma_wait3A_1399 : memref<128xf32, #tpu.memory_space<vmem>>) dst(%dma_wait3A_1397 : memref<128xf32, #tpu.memory_space<vmem_shared>>)
      tpu.yield
    }) : () -> ()
    %run_scoped3A_24 = arith.constant 3 : i32
    "tpu.region"() ({
      %run_scoped3A_1379 = tpu.sem_alloc : memref<!tpu.dma_semaphore, #tpu.memory_space<semaphore_mem>>
      %dma_start3A_1380 = arith.constant 384 : i32
      %dma_start3A_1381 = tpu.memref_slice %arg12[%dma_start3A_1380] : memref<2048xf32, #tpu.memory_space<vmem>> -> memref<128xf32, #tpu.memory_space<vmem>>
      %dma_start3A_1382 = arith.constant 0 : i32
      %dma_start3A_1383 = tpu.memref_slice %arg20[%run_scoped3A_24, %arg1, %dma_start3A_1382] : memref<16x16x128xf32, #tpu.memory_space<vmem_shared>> -> memref<1x1x128xf32, #tpu.memory_space<vmem_shared>>
      %dma_start3A_1384 = tpu.memref_squeeze %dma_start3A_1383 : memref<1x1x128xf32, #tpu.memory_space<vmem_shared>> -> memref<128xf32, #tpu.memory_space<vmem_shared>>
      %dma_start3A_1385 = arith.constant 0 : i32
      %dma_start3A_1386 = tpu.memref_slice %arg20[%run_scoped3A_24, %arg1, %dma_start3A_1385] : memref<16x16x128xf32, #tpu.memory_space<vmem_shared>> -> memref<1x1x128xf32, #tpu.memory_space<vmem_shared>>
      %dma_start3A_1387 = tpu.memref_squeeze %dma_start3A_1386 : memref<1x1x128xf32, #tpu.memory_space<vmem_shared>> -> memref<128xf32, #tpu.memory_space<vmem_shared>>
      %dma_start3A_1388 = arith.constant 384 : i32
      %dma_start3A_1389 = tpu.memref_slice %arg12[%dma_start3A_1388] : memref<2048xf32, #tpu.memory_space<vmem>> -> memref<128xf32, #tpu.memory_space<vmem>>
      tpu.enqueue_dma source(%dma_start3A_1389 : memref<128xf32, #tpu.memory_space<vmem>>) target(%dma_start3A_1387 : memref<128xf32, #tpu.memory_space<vmem_shared>>) target_semaphore(%run_scoped3A_1379 : memref<!tpu.dma_semaphore, #tpu.memory_space<semaphore_mem>>)
      %dma_wait3A_1390 = arith.constant 384 : i32
      %dma_wait3A_1391 = tpu.memref_slice %arg12[%dma_wait3A_1390] : memref<2048xf32, #tpu.memory_space<vmem>> -> memref<128xf32, #tpu.memory_space<vmem>>
      %dma_wait3A_1392 = arith.constant 0 : i32
      %dma_wait3A_1393 = tpu.memref_slice %arg20[%run_scoped3A_24, %arg1, %dma_wait3A_1392] : memref<16x16x128xf32, #tpu.memory_space<vmem_shared>> -> memref<1x1x128xf32, #tpu.memory_space<vmem_shared>>
      %dma_wait3A_1394 = tpu.memref_squeeze %dma_wait3A_1393 : memref<1x1x128xf32, #tpu.memory_space<vmem_shared>> -> memref<128xf32, #tpu.memory_space<vmem_shared>>
      %dma_wait3A_1395 = arith.constant 0 : i32
      %dma_wait3A_1396 = tpu.memref_slice %arg20[%run_scoped3A_24, %arg1, %dma_wait3A_1395] : memref<16x16x128xf32, #tpu.memory_space<vmem_shared>> -> memref<1x1x128xf32, #tpu.memory_space<vmem_shared>>
      %dma_wait3A_1397 = tpu.memref_squeeze %dma_wait3A_1396 : memref<1x1x128xf32, #tpu.memory_space<vmem_shared>> -> memref<128xf32, #tpu.memory_space<vmem_shared>>
      %dma_wait3A_1398 = arith.constant 384 : i32
      %dma_wait3A_1399 = tpu.memref_slice %arg12[%dma_wait3A_1398] : memref<2048xf32, #tpu.memory_space<vmem>> -> memref<128xf32, #tpu.memory_space<vmem>>
      tpu.wait_dma2 semaphore(%run_scoped3A_1379 : memref<!tpu.dma_semaphore, #tpu.memory_space<semaphore_mem>>) src(%dma_wait3A_1399 : memref<128xf32, #tpu.memory_space<vmem>>) dst(%dma_wait3A_1397 : memref<128xf32, #tpu.memory_space<vmem_shared>>)
      tpu.yield
    }) : () -> ()
    %run_scoped3A_25 = arith.constant 4 : i32
    "tpu.region"() ({
      %run_scoped3A_1379 = tpu.sem_alloc : memref<!tpu.dma_semaphore, #tpu.memory_space<semaphore_mem>>
      %dma_start3A_1380 = arith.constant 512 : i32
      %dma_start3A_1381 = tpu.memref_slice %arg12[%dma_start3A_1380] : memref<2048xf32, #tpu.memory_space<vmem>> -> memref<128xf32, #tpu.memory_space<vmem>>
      %dma_start3A_1382 = arith.constant 0 : i32
      %dma_start3A_1383 = tpu.memref_slice %arg20[%run_scoped3A_25, %arg1, %dma_start3A_1382] : memref<16x16x128xf32, #tpu.memory_space<vmem_shared>> -> memref<1x1x128xf32, #tpu.memory_space<vmem_shared>>
      %dma_start3A_1384 = tpu.memref_squeeze %dma_start3A_1383 : memref<1x1x128xf32, #tpu.memory_space<vmem_shared>> -> memref<128xf32, #tpu.memory_space<vmem_shared>>
      %dma_start3A_1385 = arith.constant 0 : i32
      %dma_start3A_1386 = tpu.memref_slice %arg20[%run_scoped3A_25, %arg1, %dma_start3A_1385] : memref<16x16x128xf32, #tpu.memory_space<vmem_shared>> -> memref<1x1x128xf32, #tpu.memory_space<vmem_shared>>
      %dma_start3A_1387 = tpu.memref_squeeze %dma_start3A_1386 : memref<1x1x128xf32, #tpu.memory_space<vmem_shared>> -> memref<128xf32, #tpu.memory_space<vmem_shared>>
      %dma_start3A_1388 = arith.constant 512 : i32
      %dma_start3A_1389 = tpu.memref_slice %arg12[%dma_start3A_1388] : memref<2048xf32, #tpu.memory_space<vmem>> -> memref<128xf32, #tpu.memory_space<vmem>>
      tpu.enqueue_dma source(%dma_start3A_1389 : memref<128xf32, #tpu.memory_space<vmem>>) target(%dma_start3A_1387 : memref<128xf32, #tpu.memory_space<vmem_shared>>) target_semaphore(%run_scoped3A_1379 : memref<!tpu.dma_semaphore, #tpu.memory_space<semaphore_mem>>)
      %dma_wait3A_1390 = arith.constant 512 : i32
      %dma_wait3A_1391 = tpu.memref_slice %arg12[%dma_wait3A_1390] : memref<2048xf32, #tpu.memory_space<vmem>> -> memref<128xf32, #tpu.memory_space<vmem>>
      %dma_wait3A_1392 = arith.constant 0 : i32
      %dma_wait3A_1393 = tpu.memref_slice %arg20[%run_scoped3A_25, %arg1, %dma_wait3A_1392] : memref<16x16x128xf32, #tpu.memory_space<vmem_shared>> -> memref<1x1x128xf32, #tpu.memory_space<vmem_shared>>
      %dma_wait3A_1394 = tpu.memref_squeeze %dma_wait3A_1393 : memref<1x1x128xf32, #tpu.memory_space<vmem_shared>> -> memref<128xf32, #tpu.memory_space<vmem_shared>>
      %dma_wait3A_1395 = arith.constant 0 : i32
      %dma_wait3A_1396 = tpu.memref_slice %arg20[%run_scoped3A_25, %arg1, %dma_wait3A_1395] : memref<16x16x128xf32, #tpu.memory_space<vmem_shared>> -> memref<1x1x128xf32, #tpu.memory_space<vmem_shared>>
      %dma_wait3A_1397 = tpu.memref_squeeze %dma_wait3A_1396 : memref<1x1x128xf32, #tpu.memory_space<vmem_shared>> -> memref<128xf32, #tpu.memory_space<vmem_shared>>
      %dma_wait3A_1398 = arith.constant 512 : i32
      %dma_wait3A_1399 = tpu.memref_slice %arg12[%dma_wait3A_1398] : memref<2048xf32, #tpu.memory_space<vmem>> -> memref<128xf32, #tpu.memory_space<vmem>>
      tpu.wait_dma2 semaphore(%run_scoped3A_1379 : memref<!tpu.dma_semaphore, #tpu.memory_space<semaphore_mem>>) src(%dma_wait3A_1399 : memref<128xf32, #tpu.memory_space<vmem>>) dst(%dma_wait3A_1397 : memref<128xf32, #tpu.memory_space<vmem_shared>>)
      tpu.yield
    }) : () -> ()
    %run_scoped3A_26 = arith.constant 5 : i32
    "tpu.region"() ({
      %run_scoped3A_1379 = tpu.sem_alloc : memref<!tpu.dma_semaphore, #tpu.memory_space<semaphore_mem>>
      %dma_start3A_1380 = arith.constant 640 : i32
      %dma_start3A_1381 = tpu.memref_slice %arg12[%dma_start3A_1380] : memref<2048xf32, #tpu.memory_space<vmem>> -> memref<128xf32, #tpu.memory_space<vmem>>
      %dma_start3A_1382 = arith.constant 0 : i32
      %dma_start3A_1383 = tpu.memref_slice %arg20[%run_scoped3A_26, %arg1, %dma_start3A_1382] : memref<16x16x128xf32, #tpu.memory_space<vmem_shared>> -> memref<1x1x128xf32, #tpu.memory_space<vmem_shared>>
      %dma_start3A_1384 = tpu.memref_squeeze %dma_start3A_1383 : memref<1x1x128xf32, #tpu.memory_space<vmem_shared>> -> memref<128xf32, #tpu.memory_space<vmem_shared>>
      %dma_start3A_1385 = arith.constant 0 : i32
      %dma_start3A_1386 = tpu.memref_slice %arg20[%run_scoped3A_26, %arg1, %dma_start3A_1385] : memref<16x16x128xf32, #tpu.memory_space<vmem_shared>> -> memref<1x1x128xf32, #tpu.memory_space<vmem_shared>>
      %dma_start3A_1387 = tpu.memref_squeeze %dma_start3A_1386 : memref<1x1x128xf32, #tpu.memory_space<vmem_shared>> -> memref<128xf32, #tpu.memory_space<vmem_shared>>
      %dma_start3A_1388 = arith.constant 640 : i32
      %dma_start3A_1389 = tpu.memref_slice %arg12[%dma_start3A_1388] : memref<2048xf32, #tpu.memory_space<vmem>> -> memref<128xf32, #tpu.memory_space<vmem>>
      tpu.enqueue_dma source(%dma_start3A_1389 : memref<128xf32, #tpu.memory_space<vmem>>) target(%dma_start3A_1387 : memref<128xf32, #tpu.memory_space<vmem_shared>>) target_semaphore(%run_scoped3A_1379 : memref<!tpu.dma_semaphore, #tpu.memory_space<semaphore_mem>>)
      %dma_wait3A_1390 = arith.constant 640 : i32
      %dma_wait3A_1391 = tpu.memref_slice %arg12[%dma_wait3A_1390] : memref<2048xf32, #tpu.memory_space<vmem>> -> memref<128xf32, #tpu.memory_space<vmem>>
      %dma_wait3A_1392 = arith.constant 0 : i32
      %dma_wait3A_1393 = tpu.memref_slice %arg20[%run_scoped3A_26, %arg1, %dma_wait3A_1392] : memref<16x16x128xf32, #tpu.memory_space<vmem_shared>> -> memref<1x1x128xf32, #tpu.memory_space<vmem_shared>>
      %dma_wait3A_1394 = tpu.memref_squeeze %dma_wait3A_1393 : memref<1x1x128xf32, #tpu.memory_space<vmem_shared>> -> memref<128xf32, #tpu.memory_space<vmem_shared>>
      %dma_wait3A_1395 = arith.constant 0 : i32
      %dma_wait3A_1396 = tpu.memref_slice %arg20[%run_scoped3A_26, %arg1, %dma_wait3A_1395] : memref<16x16x128xf32, #tpu.memory_space<vmem_shared>> -> memref<1x1x128xf32, #tpu.memory_space<vmem_shared>>
      %dma_wait3A_1397 = tpu.memref_squeeze %dma_wait3A_1396 : memref<1x1x128xf32, #tpu.memory_space<vmem_shared>> -> memref<128xf32, #tpu.memory_space<vmem_shared>>
      %dma_wait3A_1398 = arith.constant 640 : i32
      %dma_wait3A_1399 = tpu.memref_slice %arg12[%dma_wait3A_1398] : memref<2048xf32, #tpu.memory_space<vmem>> -> memref<128xf32, #tpu.memory_space<vmem>>
      tpu.wait_dma2 semaphore(%run_scoped3A_1379 : memref<!tpu.dma_semaphore, #tpu.memory_space<semaphore_mem>>) src(%dma_wait3A_1399 : memref<128xf32, #tpu.memory_space<vmem>>) dst(%dma_wait3A_1397 : memref<128xf32, #tpu.memory_space<vmem_shared>>)
      tpu.yield
    }) : () -> ()
    %run_scoped3A_27 = arith.constant 6 : i32
    "tpu.region"() ({
      %run_scoped3A_1379 = tpu.sem_alloc : memref<!tpu.dma_semaphore, #tpu.memory_space<semaphore_mem>>
      %dma_start3A_1380 = arith.constant 768 : i32
      %dma_start3A_1381 = tpu.memref_slice %arg12[%dma_start3A_1380] : memref<2048xf32, #tpu.memory_space<vmem>> -> memref<128xf32, #tpu.memory_space<vmem>>
      %dma_start3A_1382 = arith.constant 0 : i32
      %dma_start3A_1383 = tpu.memref_slice %arg20[%run_scoped3A_27, %arg1, %dma_start3A_1382] : memref<16x16x128xf32, #tpu.memory_space<vmem_shared>> -> memref<1x1x128xf32, #tpu.memory_space<vmem_shared>>
      %dma_start3A_1384 = tpu.memref_squeeze %dma_start3A_1383 : memref<1x1x128xf32, #tpu.memory_space<vmem_shared>> -> memref<128xf32, #tpu.memory_space<vmem_shared>>
      %dma_start3A_1385 = arith.constant 0 : i32
      %dma_start3A_1386 = tpu.memref_slice %arg20[%run_scoped3A_27, %arg1, %dma_start3A_1385] : memref<16x16x128xf32, #tpu.memory_space<vmem_shared>> -> memref<1x1x128xf32, #tpu.memory_space<vmem_shared>>
      %dma_start3A_1387 = tpu.memref_squeeze %dma_start3A_1386 : memref<1x1x128xf32, #tpu.memory_space<vmem_shared>> -> memref<128xf32, #tpu.memory_space<vmem_shared>>
      %dma_start3A_1388 = arith.constant 768 : i32
      %dma_start3A_1389 = tpu.memref_slice %arg12[%dma_start3A_1388] : memref<2048xf32, #tpu.memory_space<vmem>> -> memref<128xf32, #tpu.memory_space<vmem>>
      tpu.enqueue_dma source(%dma_start3A_1389 : memref<128xf32, #tpu.memory_space<vmem>>) target(%dma_start3A_1387 : memref<128xf32, #tpu.memory_space<vmem_shared>>) target_semaphore(%run_scoped3A_1379 : memref<!tpu.dma_semaphore, #tpu.memory_space<semaphore_mem>>)
      %dma_wait3A_1390 = arith.constant 768 : i32
      %dma_wait3A_1391 = tpu.memref_slice %arg12[%dma_wait3A_1390] : memref<2048xf32, #tpu.memory_space<vmem>> -> memref<128xf32, #tpu.memory_space<vmem>>
      %dma_wait3A_1392 = arith.constant 0 : i32
      %dma_wait3A_1393 = tpu.memref_slice %arg20[%run_scoped3A_27, %arg1, %dma_wait3A_1392] : memref<16x16x128xf32, #tpu.memory_space<vmem_shared>> -> memref<1x1x128xf32, #tpu.memory_space<vmem_shared>>
      %dma_wait3A_1394 = tpu.memref_squeeze %dma_wait3A_1393 : memref<1x1x128xf32, #tpu.memory_space<vmem_shared>> -> memref<128xf32, #tpu.memory_space<vmem_shared>>
      %dma_wait3A_1395 = arith.constant 0 : i32
      %dma_wait3A_1396 = tpu.memref_slice %arg20[%run_scoped3A_27, %arg1, %dma_wait3A_1395] : memref<16x16x128xf32, #tpu.memory_space<vmem_shared>> -> memref<1x1x128xf32, #tpu.memory_space<vmem_shared>>
      %dma_wait3A_1397 = tpu.memref_squeeze %dma_wait3A_1396 : memref<1x1x128xf32, #tpu.memory_space<vmem_shared>> -> memref<128xf32, #tpu.memory_space<vmem_shared>>
      %dma_wait3A_1398 = arith.constant 768 : i32
      %dma_wait3A_1399 = tpu.memref_slice %arg12[%dma_wait3A_1398] : memref<2048xf32, #tpu.memory_space<vmem>> -> memref<128xf32, #tpu.memory_space<vmem>>
      tpu.wait_dma2 semaphore(%run_scoped3A_1379 : memref<!tpu.dma_semaphore, #tpu.memory_space<semaphore_mem>>) src(%dma_wait3A_1399 : memref<128xf32, #tpu.memory_space<vmem>>) dst(%dma_wait3A_1397 : memref<128xf32, #tpu.memory_space<vmem_shared>>)
      tpu.yield
    }) : () -> ()
    %run_scoped3A_28 = arith.constant 7 : i32
    "tpu.region"() ({
      %run_scoped3A_1379 = tpu.sem_alloc : memref<!tpu.dma_semaphore, #tpu.memory_space<semaphore_mem>>
      %dma_start3A_1380 = arith.constant 896 : i32
      %dma_start3A_1381 = tpu.memref_slice %arg12[%dma_start3A_1380] : memref<2048xf32, #tpu.memory_space<vmem>> -> memref<128xf32, #tpu.memory_space<vmem>>
      %dma_start3A_1382 = arith.constant 0 : i32
      %dma_start3A_1383 = tpu.memref_slice %arg20[%run_scoped3A_28, %arg1, %dma_start3A_1382] : memref<16x16x128xf32, #tpu.memory_space<vmem_shared>> -> memref<1x1x128xf32, #tpu.memory_space<vmem_shared>>
      %dma_start3A_1384 = tpu.memref_squeeze %dma_start3A_1383 : memref<1x1x128xf32, #tpu.memory_space<vmem_shared>> -> memref<128xf32, #tpu.memory_space<vmem_shared>>
      %dma_start3A_1385 = arith.constant 0 : i32
      %dma_start3A_1386 = tpu.memref_slice %arg20[%run_scoped3A_28, %arg1, %dma_start3A_1385] : memref<16x16x128xf32, #tpu.memory_space<vmem_shared>> -> memref<1x1x128xf32, #tpu.memory_space<vmem_shared>>
      %dma_start3A_1387 = tpu.memref_squeeze %dma_start3A_1386 : memref<1x1x128xf32, #tpu.memory_space<vmem_shared>> -> memref<128xf32, #tpu.memory_space<vmem_shared>>
      %dma_start3A_1388 = arith.constant 896 : i32
      %dma_start3A_1389 = tpu.memref_slice %arg12[%dma_start3A_1388] : memref<2048xf32, #tpu.memory_space<vmem>> -> memref<128xf32, #tpu.memory_space<vmem>>
      tpu.enqueue_dma source(%dma_start3A_1389 : memref<128xf32, #tpu.memory_space<vmem>>) target(%dma_start3A_1387 : memref<128xf32, #tpu.memory_space<vmem_shared>>) target_semaphore(%run_scoped3A_1379 : memref<!tpu.dma_semaphore, #tpu.memory_space<semaphore_mem>>)
      %dma_wait3A_1390 = arith.constant 896 : i32
      %dma_wait3A_1391 = tpu.memref_slice %arg12[%dma_wait3A_1390] : memref<2048xf32, #tpu.memory_space<vmem>> -> memref<128xf32, #tpu.memory_space<vmem>>
      %dma_wait3A_1392 = arith.constant 0 : i32
      %dma_wait3A_1393 = tpu.memref_slice %arg20[%run_scoped3A_28, %arg1, %dma_wait3A_1392] : memref<16x16x128xf32, #tpu.memory_space<vmem_shared>> -> memref<1x1x128xf32, #tpu.memory_space<vmem_shared>>
      %dma_wait3A_1394 = tpu.memref_squeeze %dma_wait3A_1393 : memref<1x1x128xf32, #tpu.memory_space<vmem_shared>> -> memref<128xf32, #tpu.memory_space<vmem_shared>>
      %dma_wait3A_1395 = arith.constant 0 : i32
      %dma_wait3A_1396 = tpu.memref_slice %arg20[%run_scoped3A_28, %arg1, %dma_wait3A_1395] : memref<16x16x128xf32, #tpu.memory_space<vmem_shared>> -> memref<1x1x128xf32, #tpu.memory_space<vmem_shared>>
      %dma_wait3A_1397 = tpu.memref_squeeze %dma_wait3A_1396 : memref<1x1x128xf32, #tpu.memory_space<vmem_shared>> -> memref<128xf32, #tpu.memory_space<vmem_shared>>
      %dma_wait3A_1398 = arith.constant 896 : i32
      %dma_wait3A_1399 = tpu.memref_slice %arg12[%dma_wait3A_1398] : memref<2048xf32, #tpu.memory_space<vmem>> -> memref<128xf32, #tpu.memory_space<vmem>>
      tpu.wait_dma2 semaphore(%run_scoped3A_1379 : memref<!tpu.dma_semaphore, #tpu.memory_space<semaphore_mem>>) src(%dma_wait3A_1399 : memref<128xf32, #tpu.memory_space<vmem>>) dst(%dma_wait3A_1397 : memref<128xf32, #tpu.memory_space<vmem_shared>>)
      tpu.yield
    }) : () -> ()
    %run_scoped3A_29 = arith.constant 8 : i32
    "tpu.region"() ({
      %run_scoped3A_1379 = tpu.sem_alloc : memref<!tpu.dma_semaphore, #tpu.memory_space<semaphore_mem>>
      %dma_start3A_1380 = arith.constant 1024 : i32
      %dma_start3A_1381 = tpu.memref_slice %arg12[%dma_start3A_1380] : memref<2048xf32, #tpu.memory_space<vmem>> -> memref<128xf32, #tpu.memory_space<vmem>>
      %dma_start3A_1382 = arith.constant 0 : i32
      %dma_start3A_1383 = tpu.memref_slice %arg20[%run_scoped3A_29, %arg1, %dma_start3A_1382] : memref<16x16x128xf32, #tpu.memory_space<vmem_shared>> -> memref<1x1x128xf32, #tpu.memory_space<vmem_shared>>
      %dma_start3A_1384 = tpu.memref_squeeze %dma_start3A_1383 : memref<1x1x128xf32, #tpu.memory_space<vmem_shared>> -> memref<128xf32, #tpu.memory_space<vmem_shared>>
      %dma_start3A_1385 = arith.constant 0 : i32
      %dma_start3A_1386 = tpu.memref_slice %arg20[%run_scoped3A_29, %arg1, %dma_start3A_1385] : memref<16x16x128xf32, #tpu.memory_space<vmem_shared>> -> memref<1x1x128xf32, #tpu.memory_space<vmem_shared>>
      %dma_start3A_1387 = tpu.memref_squeeze %dma_start3A_1386 : memref<1x1x128xf32, #tpu.memory_space<vmem_shared>> -> memref<128xf32, #tpu.memory_space<vmem_shared>>
      %dma_start3A_1388 = arith.constant 1024 : i32
      %dma_start3A_1389 = tpu.memref_slice %arg12[%dma_start3A_1388] : memref<2048xf32, #tpu.memory_space<vmem>> -> memref<128xf32, #tpu.memory_space<vmem>>
      tpu.enqueue_dma source(%dma_start3A_1389 : memref<128xf32, #tpu.memory_space<vmem>>) target(%dma_start3A_1387 : memref<128xf32, #tpu.memory_space<vmem_shared>>) target_semaphore(%run_scoped3A_1379 : memref<!tpu.dma_semaphore, #tpu.memory_space<semaphore_mem>>)
      %dma_wait3A_1390 = arith.constant 1024 : i32
      %dma_wait3A_1391 = tpu.memref_slice %arg12[%dma_wait3A_1390] : memref<2048xf32, #tpu.memory_space<vmem>> -> memref<128xf32, #tpu.memory_space<vmem>>
      %dma_wait3A_1392 = arith.constant 0 : i32
      %dma_wait3A_1393 = tpu.memref_slice %arg20[%run_scoped3A_29, %arg1, %dma_wait3A_1392] : memref<16x16x128xf32, #tpu.memory_space<vmem_shared>> -> memref<1x1x128xf32, #tpu.memory_space<vmem_shared>>
      %dma_wait3A_1394 = tpu.memref_squeeze %dma_wait3A_1393 : memref<1x1x128xf32, #tpu.memory_space<vmem_shared>> -> memref<128xf32, #tpu.memory_space<vmem_shared>>
      %dma_wait3A_1395 = arith.constant 0 : i32
      %dma_wait3A_1396 = tpu.memref_slice %arg20[%run_scoped3A_29, %arg1, %dma_wait3A_1395] : memref<16x16x128xf32, #tpu.memory_space<vmem_shared>> -> memref<1x1x128xf32, #tpu.memory_space<vmem_shared>>
      %dma_wait3A_1397 = tpu.memref_squeeze %dma_wait3A_1396 : memref<1x1x128xf32, #tpu.memory_space<vmem_shared>> -> memref<128xf32, #tpu.memory_space<vmem_shared>>
      %dma_wait3A_1398 = arith.constant 1024 : i32
      %dma_wait3A_1399 = tpu.memref_slice %arg12[%dma_wait3A_1398] : memref<2048xf32, #tpu.memory_space<vmem>> -> memref<128xf32, #tpu.memory_space<vmem>>
      tpu.wait_dma2 semaphore(%run_scoped3A_1379 : memref<!tpu.dma_semaphore, #tpu.memory_space<semaphore_mem>>) src(%dma_wait3A_1399 : memref<128xf32, #tpu.memory_space<vmem>>) dst(%dma_wait3A_1397 : memref<128xf32, #tpu.memory_space<vmem_shared>>)
      tpu.yield
    }) : () -> ()
    %run_scoped3A_30 = arith.constant 9 : i32
    "tpu.region"() ({
      %run_scoped3A_1379 = tpu.sem_alloc : memref<!tpu.dma_semaphore, #tpu.memory_space<semaphore_mem>>
      %dma_start3A_1380 = arith.constant 1152 : i32
      %dma_start3A_1381 = tpu.memref_slice %arg12[%dma_start3A_1380] : memref<2048xf32, #tpu.memory_space<vmem>> -> memref<128xf32, #tpu.memory_space<vmem>>
      %dma_start3A_1382 = arith.constant 0 : i32
      %dma_start3A_1383 = tpu.memref_slice %arg20[%run_scoped3A_30, %arg1, %dma_start3A_1382] : memref<16x16x128xf32, #tpu.memory_space<vmem_shared>> -> memref<1x1x128xf32, #tpu.memory_space<vmem_shared>>
      %dma_start3A_1384 = tpu.memref_squeeze %dma_start3A_1383 : memref<1x1x128xf32, #tpu.memory_space<vmem_shared>> -> memref<128xf32, #tpu.memory_space<vmem_shared>>
      %dma_start3A_1385 = arith.constant 0 : i32
      %dma_start3A_1386 = tpu.memref_slice %arg20[%run_scoped3A_30, %arg1, %dma_start3A_1385] : memref<16x16x128xf32, #tpu.memory_space<vmem_shared>> -> memref<1x1x128xf32, #tpu.memory_space<vmem_shared>>
      %dma_start3A_1387 = tpu.memref_squeeze %dma_start3A_1386 : memref<1x1x128xf32, #tpu.memory_space<vmem_shared>> -> memref<128xf32, #tpu.memory_space<vmem_shared>>
      %dma_start3A_1388 = arith.constant 1152 : i32
      %dma_start3A_1389 = tpu.memref_slice %arg12[%dma_start3A_1388] : memref<2048xf32, #tpu.memory_space<vmem>> -> memref<128xf32, #tpu.memory_space<vmem>>
      tpu.enqueue_dma source(%dma_start3A_1389 : memref<128xf32, #tpu.memory_space<vmem>>) target(%dma_start3A_1387 : memref<128xf32, #tpu.memory_space<vmem_shared>>) target_semaphore(%run_scoped3A_1379 : memref<!tpu.dma_semaphore, #tpu.memory_space<semaphore_mem>>)
      %dma_wait3A_1390 = arith.constant 1152 : i32
      %dma_wait3A_1391 = tpu.memref_slice %arg12[%dma_wait3A_1390] : memref<2048xf32, #tpu.memory_space<vmem>> -> memref<128xf32, #tpu.memory_space<vmem>>
      %dma_wait3A_1392 = arith.constant 0 : i32
      %dma_wait3A_1393 = tpu.memref_slice %arg20[%run_scoped3A_30, %arg1, %dma_wait3A_1392] : memref<16x16x128xf32, #tpu.memory_space<vmem_shared>> -> memref<1x1x128xf32, #tpu.memory_space<vmem_shared>>
      %dma_wait3A_1394 = tpu.memref_squeeze %dma_wait3A_1393 : memref<1x1x128xf32, #tpu.memory_space<vmem_shared>> -> memref<128xf32, #tpu.memory_space<vmem_shared>>
      %dma_wait3A_1395 = arith.constant 0 : i32
      %dma_wait3A_1396 = tpu.memref_slice %arg20[%run_scoped3A_30, %arg1, %dma_wait3A_1395] : memref<16x16x128xf32, #tpu.memory_space<vmem_shared>> -> memref<1x1x128xf32, #tpu.memory_space<vmem_shared>>
      %dma_wait3A_1397 = tpu.memref_squeeze %dma_wait3A_1396 : memref<1x1x128xf32, #tpu.memory_space<vmem_shared>> -> memref<128xf32, #tpu.memory_space<vmem_shared>>
      %dma_wait3A_1398 = arith.constant 1152 : i32
      %dma_wait3A_1399 = tpu.memref_slice %arg12[%dma_wait3A_1398] : memref<2048xf32, #tpu.memory_space<vmem>> -> memref<128xf32, #tpu.memory_space<vmem>>
      tpu.wait_dma2 semaphore(%run_scoped3A_1379 : memref<!tpu.dma_semaphore, #tpu.memory_space<semaphore_mem>>) src(%dma_wait3A_1399 : memref<128xf32, #tpu.memory_space<vmem>>) dst(%dma_wait3A_1397 : memref<128xf32, #tpu.memory_space<vmem_shared>>)
      tpu.yield
    }) : () -> ()
    %run_scoped3A_31 = arith.constant 10 : i32
    "tpu.region"() ({
      %run_scoped3A_1379 = tpu.sem_alloc : memref<!tpu.dma_semaphore, #tpu.memory_space<semaphore_mem>>
      %dma_start3A_1380 = arith.constant 1280 : i32
      %dma_start3A_1381 = tpu.memref_slice %arg12[%dma_start3A_1380] : memref<2048xf32, #tpu.memory_space<vmem>> -> memref<128xf32, #tpu.memory_space<vmem>>
      %dma_start3A_1382 = arith.constant 0 : i32
      %dma_start3A_1383 = tpu.memref_slice %arg20[%run_scoped3A_31, %arg1, %dma_start3A_1382] : memref<16x16x128xf32, #tpu.memory_space<vmem_shared>> -> memref<1x1x128xf32, #tpu.memory_space<vmem_shared>>
      %dma_start3A_1384 = tpu.memref_squeeze %dma_start3A_1383 : memref<1x1x128xf32, #tpu.memory_space<vmem_shared>> -> memref<128xf32, #tpu.memory_space<vmem_shared>>
      %dma_start3A_1385 = arith.constant 0 : i32
      %dma_start3A_1386 = tpu.memref_slice %arg20[%run_scoped3A_31, %arg1, %dma_start3A_1385] : memref<16x16x128xf32, #tpu.memory_space<vmem_shared>> -> memref<1x1x128xf32, #tpu.memory_space<vmem_shared>>
      %dma_start3A_1387 = tpu.memref_squeeze %dma_start3A_1386 : memref<1x1x128xf32, #tpu.memory_space<vmem_shared>> -> memref<128xf32, #tpu.memory_space<vmem_shared>>
      %dma_start3A_1388 = arith.constant 1280 : i32
      %dma_start3A_1389 = tpu.memref_slice %arg12[%dma_start3A_1388] : memref<2048xf32, #tpu.memory_space<vmem>> -> memref<128xf32, #tpu.memory_space<vmem>>
      tpu.enqueue_dma source(%dma_start3A_1389 : memref<128xf32, #tpu.memory_space<vmem>>) target(%dma_start3A_1387 : memref<128xf32, #tpu.memory_space<vmem_shared>>) target_semaphore(%run_scoped3A_1379 : memref<!tpu.dma_semaphore, #tpu.memory_space<semaphore_mem>>)
      %dma_wait3A_1390 = arith.constant 1280 : i32
      %dma_wait3A_1391 = tpu.memref_slice %arg12[%dma_wait3A_1390] : memref<2048xf32, #tpu.memory_space<vmem>> -> memref<128xf32, #tpu.memory_space<vmem>>
      %dma_wait3A_1392 = arith.constant 0 : i32
      %dma_wait3A_1393 = tpu.memref_slice %arg20[%run_scoped3A_31, %arg1, %dma_wait3A_1392] : memref<16x16x128xf32, #tpu.memory_space<vmem_shared>> -> memref<1x1x128xf32, #tpu.memory_space<vmem_shared>>
      %dma_wait3A_1394 = tpu.memref_squeeze %dma_wait3A_1393 : memref<1x1x128xf32, #tpu.memory_space<vmem_shared>> -> memref<128xf32, #tpu.memory_space<vmem_shared>>
      %dma_wait3A_1395 = arith.constant 0 : i32
      %dma_wait3A_1396 = tpu.memref_slice %arg20[%run_scoped3A_31, %arg1, %dma_wait3A_1395] : memref<16x16x128xf32, #tpu.memory_space<vmem_shared>> -> memref<1x1x128xf32, #tpu.memory_space<vmem_shared>>
      %dma_wait3A_1397 = tpu.memref_squeeze %dma_wait3A_1396 : memref<1x1x128xf32, #tpu.memory_space<vmem_shared>> -> memref<128xf32, #tpu.memory_space<vmem_shared>>
      %dma_wait3A_1398 = arith.constant 1280 : i32
      %dma_wait3A_1399 = tpu.memref_slice %arg12[%dma_wait3A_1398] : memref<2048xf32, #tpu.memory_space<vmem>> -> memref<128xf32, #tpu.memory_space<vmem>>
      tpu.wait_dma2 semaphore(%run_scoped3A_1379 : memref<!tpu.dma_semaphore, #tpu.memory_space<semaphore_mem>>) src(%dma_wait3A_1399 : memref<128xf32, #tpu.memory_space<vmem>>) dst(%dma_wait3A_1397 : memref<128xf32, #tpu.memory_space<vmem_shared>>)
      tpu.yield
    }) : () -> ()
    %run_scoped3A_32 = arith.constant 11 : i32
    "tpu.region"() ({
      %run_scoped3A_1379 = tpu.sem_alloc : memref<!tpu.dma_semaphore, #tpu.memory_space<semaphore_mem>>
      %dma_start3A_1380 = arith.constant 1408 : i32
      %dma_start3A_1381 = tpu.memref_slice %arg12[%dma_start3A_1380] : memref<2048xf32, #tpu.memory_space<vmem>> -> memref<128xf32, #tpu.memory_space<vmem>>
      %dma_start3A_1382 = arith.constant 0 : i32
      %dma_start3A_1383 = tpu.memref_slice %arg20[%run_scoped3A_32, %arg1, %dma_start3A_1382] : memref<16x16x128xf32, #tpu.memory_space<vmem_shared>> -> memref<1x1x128xf32, #tpu.memory_space<vmem_shared>>
      %dma_start3A_1384 = tpu.memref_squeeze %dma_start3A_1383 : memref<1x1x128xf32, #tpu.memory_space<vmem_shared>> -> memref<128xf32, #tpu.memory_space<vmem_shared>>
      %dma_start3A_1385 = arith.constant 0 : i32
      %dma_start3A_1386 = tpu.memref_slice %arg20[%run_scoped3A_32, %arg1, %dma_start3A_1385] : memref<16x16x128xf32, #tpu.memory_space<vmem_shared>> -> memref<1x1x128xf32, #tpu.memory_space<vmem_shared>>
      %dma_start3A_1387 = tpu.memref_squeeze %dma_start3A_1386 : memref<1x1x128xf32, #tpu.memory_space<vmem_shared>> -> memref<128xf32, #tpu.memory_space<vmem_shared>>
      %dma_start3A_1388 = arith.constant 1408 : i32
      %dma_start3A_1389 = tpu.memref_slice %arg12[%dma_start3A_1388] : memref<2048xf32, #tpu.memory_space<vmem>> -> memref<128xf32, #tpu.memory_space<vmem>>
      tpu.enqueue_dma source(%dma_start3A_1389 : memref<128xf32, #tpu.memory_space<vmem>>) target(%dma_start3A_1387 : memref<128xf32, #tpu.memory_space<vmem_shared>>) target_semaphore(%run_scoped3A_1379 : memref<!tpu.dma_semaphore, #tpu.memory_space<semaphore_mem>>)
      %dma_wait3A_1390 = arith.constant 1408 : i32
      %dma_wait3A_1391 = tpu.memref_slice %arg12[%dma_wait3A_1390] : memref<2048xf32, #tpu.memory_space<vmem>> -> memref<128xf32, #tpu.memory_space<vmem>>
      %dma_wait3A_1392 = arith.constant 0 : i32
      %dma_wait3A_1393 = tpu.memref_slice %arg20[%run_scoped3A_32, %arg1, %dma_wait3A_1392] : memref<16x16x128xf32, #tpu.memory_space<vmem_shared>> -> memref<1x1x128xf32, #tpu.memory_space<vmem_shared>>
      %dma_wait3A_1394 = tpu.memref_squeeze %dma_wait3A_1393 : memref<1x1x128xf32, #tpu.memory_space<vmem_shared>> -> memref<128xf32, #tpu.memory_space<vmem_shared>>
      %dma_wait3A_1395 = arith.constant 0 : i32
      %dma_wait3A_1396 = tpu.memref_slice %arg20[%run_scoped3A_32, %arg1, %dma_wait3A_1395] : memref<16x16x128xf32, #tpu.memory_space<vmem_shared>> -> memref<1x1x128xf32, #tpu.memory_space<vmem_shared>>
      %dma_wait3A_1397 = tpu.memref_squeeze %dma_wait3A_1396 : memref<1x1x128xf32, #tpu.memory_space<vmem_shared>> -> memref<128xf32, #tpu.memory_space<vmem_shared>>
      %dma_wait3A_1398 = arith.constant 1408 : i32
      %dma_wait3A_1399 = tpu.memref_slice %arg12[%dma_wait3A_1398] : memref<2048xf32, #tpu.memory_space<vmem>> -> memref<128xf32, #tpu.memory_space<vmem>>
      tpu.wait_dma2 semaphore(%run_scoped3A_1379 : memref<!tpu.dma_semaphore, #tpu.memory_space<semaphore_mem>>) src(%dma_wait3A_1399 : memref<128xf32, #tpu.memory_space<vmem>>) dst(%dma_wait3A_1397 : memref<128xf32, #tpu.memory_space<vmem_shared>>)
      tpu.yield
    }) : () -> ()
    %run_scoped3A_33 = arith.constant 12 : i32
    "tpu.region"() ({
      %run_scoped3A_1379 = tpu.sem_alloc : memref<!tpu.dma_semaphore, #tpu.memory_space<semaphore_mem>>
      %dma_start3A_1380 = arith.constant 1536 : i32
      %dma_start3A_1381 = tpu.memref_slice %arg12[%dma_start3A_1380] : memref<2048xf32, #tpu.memory_space<vmem>> -> memref<128xf32, #tpu.memory_space<vmem>>
      %dma_start3A_1382 = arith.constant 0 : i32
      %dma_start3A_1383 = tpu.memref_slice %arg20[%run_scoped3A_33, %arg1, %dma_start3A_1382] : memref<16x16x128xf32, #tpu.memory_space<vmem_shared>> -> memref<1x1x128xf32, #tpu.memory_space<vmem_shared>>
      %dma_start3A_1384 = tpu.memref_squeeze %dma_start3A_1383 : memref<1x1x128xf32, #tpu.memory_space<vmem_shared>> -> memref<128xf32, #tpu.memory_space<vmem_shared>>
      %dma_start3A_1385 = arith.constant 0 : i32
      %dma_start3A_1386 = tpu.memref_slice %arg20[%run_scoped3A_33, %arg1, %dma_start3A_1385] : memref<16x16x128xf32, #tpu.memory_space<vmem_shared>> -> memref<1x1x128xf32, #tpu.memory_space<vmem_shared>>
      %dma_start3A_1387 = tpu.memref_squeeze %dma_start3A_1386 : memref<1x1x128xf32, #tpu.memory_space<vmem_shared>> -> memref<128xf32, #tpu.memory_space<vmem_shared>>
      %dma_start3A_1388 = arith.constant 1536 : i32
      %dma_start3A_1389 = tpu.memref_slice %arg12[%dma_start3A_1388] : memref<2048xf32, #tpu.memory_space<vmem>> -> memref<128xf32, #tpu.memory_space<vmem>>
      tpu.enqueue_dma source(%dma_start3A_1389 : memref<128xf32, #tpu.memory_space<vmem>>) target(%dma_start3A_1387 : memref<128xf32, #tpu.memory_space<vmem_shared>>) target_semaphore(%run_scoped3A_1379 : memref<!tpu.dma_semaphore, #tpu.memory_space<semaphore_mem>>)
      %dma_wait3A_1390 = arith.constant 1536 : i32
      %dma_wait3A_1391 = tpu.memref_slice %arg12[%dma_wait3A_1390] : memref<2048xf32, #tpu.memory_space<vmem>> -> memref<128xf32, #tpu.memory_space<vmem>>
      %dma_wait3A_1392 = arith.constant 0 : i32
      %dma_wait3A_1393 = tpu.memref_slice %arg20[%run_scoped3A_33, %arg1, %dma_wait3A_1392] : memref<16x16x128xf32, #tpu.memory_space<vmem_shared>> -> memref<1x1x128xf32, #tpu.memory_space<vmem_shared>>
      %dma_wait3A_1394 = tpu.memref_squeeze %dma_wait3A_1393 : memref<1x1x128xf32, #tpu.memory_space<vmem_shared>> -> memref<128xf32, #tpu.memory_space<vmem_shared>>
      %dma_wait3A_1395 = arith.constant 0 : i32
      %dma_wait3A_1396 = tpu.memref_slice %arg20[%run_scoped3A_33, %arg1, %dma_wait3A_1395] : memref<16x16x128xf32, #tpu.memory_space<vmem_shared>> -> memref<1x1x128xf32, #tpu.memory_space<vmem_shared>>
      %dma_wait3A_1397 = tpu.memref_squeeze %dma_wait3A_1396 : memref<1x1x128xf32, #tpu.memory_space<vmem_shared>> -> memref<128xf32, #tpu.memory_space<vmem_shared>>
      %dma_wait3A_1398 = arith.constant 1536 : i32
      %dma_wait3A_1399 = tpu.memref_slice %arg12[%dma_wait3A_1398] : memref<2048xf32, #tpu.memory_space<vmem>> -> memref<128xf32, #tpu.memory_space<vmem>>
      tpu.wait_dma2 semaphore(%run_scoped3A_1379 : memref<!tpu.dma_semaphore, #tpu.memory_space<semaphore_mem>>) src(%dma_wait3A_1399 : memref<128xf32, #tpu.memory_space<vmem>>) dst(%dma_wait3A_1397 : memref<128xf32, #tpu.memory_space<vmem_shared>>)
      tpu.yield
    }) : () -> ()
    %run_scoped3A_34 = arith.constant 13 : i32
    "tpu.region"() ({
      %run_scoped3A_1379 = tpu.sem_alloc : memref<!tpu.dma_semaphore, #tpu.memory_space<semaphore_mem>>
      %dma_start3A_1380 = arith.constant 1664 : i32
      %dma_start3A_1381 = tpu.memref_slice %arg12[%dma_start3A_1380] : memref<2048xf32, #tpu.memory_space<vmem>> -> memref<128xf32, #tpu.memory_space<vmem>>
      %dma_start3A_1382 = arith.constant 0 : i32
      %dma_start3A_1383 = tpu.memref_slice %arg20[%run_scoped3A_34, %arg1, %dma_start3A_1382] : memref<16x16x128xf32, #tpu.memory_space<vmem_shared>> -> memref<1x1x128xf32, #tpu.memory_space<vmem_shared>>
      %dma_start3A_1384 = tpu.memref_squeeze %dma_start3A_1383 : memref<1x1x128xf32, #tpu.memory_space<vmem_shared>> -> memref<128xf32, #tpu.memory_space<vmem_shared>>
      %dma_start3A_1385 = arith.constant 0 : i32
      %dma_start3A_1386 = tpu.memref_slice %arg20[%run_scoped3A_34, %arg1, %dma_start3A_1385] : memref<16x16x128xf32, #tpu.memory_space<vmem_shared>> -> memref<1x1x128xf32, #tpu.memory_space<vmem_shared>>
      %dma_start3A_1387 = tpu.memref_squeeze %dma_start3A_1386 : memref<1x1x128xf32, #tpu.memory_space<vmem_shared>> -> memref<128xf32, #tpu.memory_space<vmem_shared>>
      %dma_start3A_1388 = arith.constant 1664 : i32
      %dma_start3A_1389 = tpu.memref_slice %arg12[%dma_start3A_1388] : memref<2048xf32, #tpu.memory_space<vmem>> -> memref<128xf32, #tpu.memory_space<vmem>>
      tpu.enqueue_dma source(%dma_start3A_1389 : memref<128xf32, #tpu.memory_space<vmem>>) target(%dma_start3A_1387 : memref<128xf32, #tpu.memory_space<vmem_shared>>) target_semaphore(%run_scoped3A_1379 : memref<!tpu.dma_semaphore, #tpu.memory_space<semaphore_mem>>)
      %dma_wait3A_1390 = arith.constant 1664 : i32
      %dma_wait3A_1391 = tpu.memref_slice %arg12[%dma_wait3A_1390] : memref<2048xf32, #tpu.memory_space<vmem>> -> memref<128xf32, #tpu.memory_space<vmem>>
      %dma_wait3A_1392 = arith.constant 0 : i32
      %dma_wait3A_1393 = tpu.memref_slice %arg20[%run_scoped3A_34, %arg1, %dma_wait3A_1392] : memref<16x16x128xf32, #tpu.memory_space<vmem_shared>> -> memref<1x1x128xf32, #tpu.memory_space<vmem_shared>>
      %dma_wait3A_1394 = tpu.memref_squeeze %dma_wait3A_1393 : memref<1x1x128xf32, #tpu.memory_space<vmem_shared>> -> memref<128xf32, #tpu.memory_space<vmem_shared>>
      %dma_wait3A_1395 = arith.constant 0 : i32
      %dma_wait3A_1396 = tpu.memref_slice %arg20[%run_scoped3A_34, %arg1, %dma_wait3A_1395] : memref<16x16x128xf32, #tpu.memory_space<vmem_shared>> -> memref<1x1x128xf32, #tpu.memory_space<vmem_shared>>
      %dma_wait3A_1397 = tpu.memref_squeeze %dma_wait3A_1396 : memref<1x1x128xf32, #tpu.memory_space<vmem_shared>> -> memref<128xf32, #tpu.memory_space<vmem_shared>>
      %dma_wait3A_1398 = arith.constant 1664 : i32
      %dma_wait3A_1399 = tpu.memref_slice %arg12[%dma_wait3A_1398] : memref<2048xf32, #tpu.memory_space<vmem>> -> memref<128xf32, #tpu.memory_space<vmem>>
      tpu.wait_dma2 semaphore(%run_scoped3A_1379 : memref<!tpu.dma_semaphore, #tpu.memory_space<semaphore_mem>>) src(%dma_wait3A_1399 : memref<128xf32, #tpu.memory_space<vmem>>) dst(%dma_wait3A_1397 : memref<128xf32, #tpu.memory_space<vmem_shared>>)
      tpu.yield
    }) : () -> ()
    %run_scoped3A_35 = arith.constant 14 : i32
    "tpu.region"() ({
      %run_scoped3A_1379 = tpu.sem_alloc : memref<!tpu.dma_semaphore, #tpu.memory_space<semaphore_mem>>
      %dma_start3A_1380 = arith.constant 1792 : i32
      %dma_start3A_1381 = tpu.memref_slice %arg12[%dma_start3A_1380] : memref<2048xf32, #tpu.memory_space<vmem>> -> memref<128xf32, #tpu.memory_space<vmem>>
      %dma_start3A_1382 = arith.constant 0 : i32
      %dma_start3A_1383 = tpu.memref_slice %arg20[%run_scoped3A_35, %arg1, %dma_start3A_1382] : memref<16x16x128xf32, #tpu.memory_space<vmem_shared>> -> memref<1x1x128xf32, #tpu.memory_space<vmem_shared>>
      %dma_start3A_1384 = tpu.memref_squeeze %dma_start3A_1383 : memref<1x1x128xf32, #tpu.memory_space<vmem_shared>> -> memref<128xf32, #tpu.memory_space<vmem_shared>>
      %dma_start3A_1385 = arith.constant 0 : i32
      %dma_start3A_1386 = tpu.memref_slice %arg20[%run_scoped3A_35, %arg1, %dma_start3A_1385] : memref<16x16x128xf32, #tpu.memory_space<vmem_shared>> -> memref<1x1x128xf32, #tpu.memory_space<vmem_shared>>
      %dma_start3A_1387 = tpu.memref_squeeze %dma_start3A_1386 : memref<1x1x128xf32, #tpu.memory_space<vmem_shared>> -> memref<128xf32, #tpu.memory_space<vmem_shared>>
      %dma_start3A_1388 = arith.constant 1792 : i32
      %dma_start3A_1389 = tpu.memref_slice %arg12[%dma_start3A_1388] : memref<2048xf32, #tpu.memory_space<vmem>> -> memref<128xf32, #tpu.memory_space<vmem>>
      tpu.enqueue_dma source(%dma_start3A_1389 : memref<128xf32, #tpu.memory_space<vmem>>) target(%dma_start3A_1387 : memref<128xf32, #tpu.memory_space<vmem_shared>>) target_semaphore(%run_scoped3A_1379 : memref<!tpu.dma_semaphore, #tpu.memory_space<semaphore_mem>>)
      %dma_wait3A_1390 = arith.constant 1792 : i32
      %dma_wait3A_1391 = tpu.memref_slice %arg12[%dma_wait3A_1390] : memref<2048xf32, #tpu.memory_space<vmem>> -> memref<128xf32, #tpu.memory_space<vmem>>
      %dma_wait3A_1392 = arith.constant 0 : i32
      %dma_wait3A_1393 = tpu.memref_slice %arg20[%run_scoped3A_35, %arg1, %dma_wait3A_1392] : memref<16x16x128xf32, #tpu.memory_space<vmem_shared>> -> memref<1x1x128xf32, #tpu.memory_space<vmem_shared>>
      %dma_wait3A_1394 = tpu.memref_squeeze %dma_wait3A_1393 : memref<1x1x128xf32, #tpu.memory_space<vmem_shared>> -> memref<128xf32, #tpu.memory_space<vmem_shared>>
      %dma_wait3A_1395 = arith.constant 0 : i32
      %dma_wait3A_1396 = tpu.memref_slice %arg20[%run_scoped3A_35, %arg1, %dma_wait3A_1395] : memref<16x16x128xf32, #tpu.memory_space<vmem_shared>> -> memref<1x1x128xf32, #tpu.memory_space<vmem_shared>>
      %dma_wait3A_1397 = tpu.memref_squeeze %dma_wait3A_1396 : memref<1x1x128xf32, #tpu.memory_space<vmem_shared>> -> memref<128xf32, #tpu.memory_space<vmem_shared>>
      %dma_wait3A_1398 = arith.constant 1792 : i32
      %dma_wait3A_1399 = tpu.memref_slice %arg12[%dma_wait3A_1398] : memref<2048xf32, #tpu.memory_space<vmem>> -> memref<128xf32, #tpu.memory_space<vmem>>
      tpu.wait_dma2 semaphore(%run_scoped3A_1379 : memref<!tpu.dma_semaphore, #tpu.memory_space<semaphore_mem>>) src(%dma_wait3A_1399 : memref<128xf32, #tpu.memory_space<vmem>>) dst(%dma_wait3A_1397 : memref<128xf32, #tpu.memory_space<vmem_shared>>)
      tpu.yield
    }) : () -> ()
    %run_scoped3A_36 = arith.constant 15 : i32
    "tpu.region"() ({
      %run_scoped3A_1379 = tpu.sem_alloc : memref<!tpu.dma_semaphore, #tpu.memory_space<semaphore_mem>>
      %dma_start3A_1380 = arith.constant 1920 : i32
      %dma_start3A_1381 = tpu.memref_slice %arg12[%dma_start3A_1380] : memref<2048xf32, #tpu.memory_space<vmem>> -> memref<128xf32, #tpu.memory_space<vmem>>
      %dma_start3A_1382 = arith.constant 0 : i32
      %dma_start3A_1383 = tpu.memref_slice %arg20[%run_scoped3A_36, %arg1, %dma_start3A_1382] : memref<16x16x128xf32, #tpu.memory_space<vmem_shared>> -> memref<1x1x128xf32, #tpu.memory_space<vmem_shared>>
      %dma_start3A_1384 = tpu.memref_squeeze %dma_start3A_1383 : memref<1x1x128xf32, #tpu.memory_space<vmem_shared>> -> memref<128xf32, #tpu.memory_space<vmem_shared>>
      %dma_start3A_1385 = arith.constant 0 : i32
      %dma_start3A_1386 = tpu.memref_slice %arg20[%run_scoped3A_36, %arg1, %dma_start3A_1385] : memref<16x16x128xf32, #tpu.memory_space<vmem_shared>> -> memref<1x1x128xf32, #tpu.memory_space<vmem_shared>>
      %dma_start3A_1387 = tpu.memref_squeeze %dma_start3A_1386 : memref<1x1x128xf32, #tpu.memory_space<vmem_shared>> -> memref<128xf32, #tpu.memory_space<vmem_shared>>
      %dma_start3A_1388 = arith.constant 1920 : i32
      %dma_start3A_1389 = tpu.memref_slice %arg12[%dma_start3A_1388] : memref<2048xf32, #tpu.memory_space<vmem>> -> memref<128xf32, #tpu.memory_space<vmem>>
      tpu.enqueue_dma source(%dma_start3A_1389 : memref<128xf32, #tpu.memory_space<vmem>>) target(%dma_start3A_1387 : memref<128xf32, #tpu.memory_space<vmem_shared>>) target_semaphore(%run_scoped3A_1379 : memref<!tpu.dma_semaphore, #tpu.memory_space<semaphore_mem>>)
      %dma_wait3A_1390 = arith.constant 1920 : i32
      %dma_wait3A_1391 = tpu.memref_slice %arg12[%dma_wait3A_1390] : memref<2048xf32, #tpu.memory_space<vmem>> -> memref<128xf32, #tpu.memory_space<vmem>>
      %dma_wait3A_1392 = arith.constant 0 : i32
      %dma_wait3A_1393 = tpu.memref_slice %arg20[%run_scoped3A_36, %arg1, %dma_wait3A_1392] : memref<16x16x128xf32, #tpu.memory_space<vmem_shared>> -> memref<1x1x128xf32, #tpu.memory_space<vmem_shared>>
      %dma_wait3A_1394 = tpu.memref_squeeze %dma_wait3A_1393 : memref<1x1x128xf32, #tpu.memory_space<vmem_shared>> -> memref<128xf32, #tpu.memory_space<vmem_shared>>
      %dma_wait3A_1395 = arith.constant 0 : i32
      %dma_wait3A_1396 = tpu.memref_slice %arg20[%run_scoped3A_36, %arg1, %dma_wait3A_1395] : memref<16x16x128xf32, #tpu.memory_space<vmem_shared>> -> memref<1x1x128xf32, #tpu.memory_space<vmem_shared>>
      %dma_wait3A_1397 = tpu.memref_squeeze %dma_wait3A_1396 : memref<1x1x128xf32, #tpu.memory_space<vmem_shared>> -> memref<128xf32, #tpu.memory_space<vmem_shared>>
      %dma_wait3A_1398 = arith.constant 1920 : i32
      %dma_wait3A_1399 = tpu.memref_slice %arg12[%dma_wait3A_1398] : memref<2048xf32, #tpu.memory_space<vmem>> -> memref<128xf32, #tpu.memory_space<vmem>>
      tpu.wait_dma2 semaphore(%run_scoped3A_1379 : memref<!tpu.dma_semaphore, #tpu.memory_space<semaphore_mem>>) src(%dma_wait3A_1399 : memref<128xf32, #tpu.memory_space<vmem>>) dst(%dma_wait3A_1397 : memref<128xf32, #tpu.memory_space<vmem_shared>>)
      tpu.yield
    }) : () -> ()
    %barrier3A = arith.constant 0 : index
    tpu.barrier barrier_id(%barrier3A)
    "tpu.region"() ({
      %run_scoped3A_1379 = tpu.sem_alloc : memref<!tpu.dma_semaphore, #tpu.memory_space<semaphore_mem>>
      %dma_start3A_1380 = arith.constant 0 : i32
      %dma_start3A_1381 = arith.constant 0 : i32
      %dma_start3A_1382 = tpu.memref_slice %arg20[%arg1, %dma_start3A_1380, %dma_start3A_1381] : memref<16x16x128xf32, #tpu.memory_space<vmem_shared>> -> memref<1x16x128xf32, #tpu.memory_space<vmem_shared>>
      %dma_start3A_1383 = tpu.memref_squeeze %dma_start3A_1382 : memref<1x16x128xf32, #tpu.memory_space<vmem_shared>> -> memref<16x128xf32, #tpu.memory_space<vmem_shared>>
      %dma_start3A_1384 = arith.constant 0 : i32
      %dma_start3A_1385 = arith.constant 0 : i32
      %dma_start3A_1386 = tpu.memref_slice %arg20[%arg1, %dma_start3A_1384, %dma_start3A_1385] : memref<16x16x128xf32, #tpu.memory_space<vmem_shared>> -> memref<1x16x128xf32, #tpu.memory_space<vmem_shared>>
      %dma_start3A_1387 = tpu.memref_squeeze %dma_start3A_1386 : memref<1x16x128xf32, #tpu.memory_space<vmem_shared>> -> memref<16x128xf32, #tpu.memory_space<vmem_shared>>
      tpu.enqueue_dma source(%dma_start3A_1387 : memref<16x128xf32, #tpu.memory_space<vmem_shared>>) target(%arg13 : memref<16x128xf32, #tpu.memory_space<vmem>>) target_semaphore(%run_scoped3A_1379 : memref<!tpu.dma_semaphore, #tpu.memory_space<semaphore_mem>>)
      %dma_wait3A_1388 = arith.constant 0 : i32
      %dma_wait3A_1389 = arith.constant 0 : i32
      %dma_wait3A_1390 = tpu.memref_slice %arg20[%arg1, %dma_wait3A_1388, %dma_wait3A_1389] : memref<16x16x128xf32, #tpu.memory_space<vmem_shared>> -> memref<1x16x128xf32, #tpu.memory_space<vmem_shared>>
      %dma_wait3A_1391 = tpu.memref_squeeze %dma_wait3A_1390 : memref<1x16x128xf32, #tpu.memory_space<vmem_shared>> -> memref<16x128xf32, #tpu.memory_space<vmem_shared>>
      %dma_wait3A_1392 = arith.constant 0 : i32
      %dma_wait3A_1393 = arith.constant 0 : i32
      %dma_wait3A_1394 = tpu.memref_slice %arg20[%arg1, %dma_wait3A_1392, %dma_wait3A_1393] : memref<16x16x128xf32, #tpu.memory_space<vmem_shared>> -> memref<1x16x128xf32, #tpu.memory_space<vmem_shared>>
      %dma_wait3A_1395 = tpu.memref_squeeze %dma_wait3A_1394 : memref<1x16x128xf32, #tpu.memory_space<vmem_shared>> -> memref<16x128xf32, #tpu.memory_space<vmem_shared>>
      tpu.wait_dma2 semaphore(%run_scoped3A_1379 : memref<!tpu.dma_semaphore, #tpu.memory_space<semaphore_mem>>) src(%dma_wait3A_1395 : memref<16x128xf32, #tpu.memory_space<vmem_shared>>) dst(%arg13 : memref<16x128xf32, #tpu.memory_space<vmem>>)
      tpu.yield
    }) : () -> ()
    %get3A = arith.constant 0 : i32
    %get3A_37 = arith.index_cast %get3A : i32 to index
    %get3A_38 = arith.constant 0 : index
    %get3A_39 = tpu.vector_load %arg13[%get3A_37, %get3A_38] {strides = array<i32>} : memref<16x128xf32, #tpu.memory_space<vmem>>, vector<16xf32>,
    %get3A_40 = arith.constant 1 : i32
    %get3A_41 = arith.index_cast %get3A_40 : i32 to index
    %get3A_42 = arith.constant 0 : index
    %get3A_43 = tpu.vector_load %arg13[%get3A_41, %get3A_42] {strides = array<i32>} : memref<16x128xf32, #tpu.memory_space<vmem>>, vector<16xf32>,
    %add3A = arith.addf %get3A_39, %get3A_43 : vector<16xf32>
    %get3A_44 = arith.constant 2 : i32
    %get3A_45 = arith.index_cast %get3A_44 : i32 to index
    %get3A_46 = arith.constant 0 : index
    %get3A_47 = tpu.vector_load %arg13[%get3A_45, %get3A_46] {strides = array<i32>} : memref<16x128xf32, #tpu.memory_space<vmem>>, vector<16xf32>,
    %add3A_48 = arith.addf %add3A, %get3A_47 : vector<16xf32>
    %get3A_49 = arith.constant 3 : i32
    %get3A_50 = arith.index_cast %get3A_49 : i32 to index
    %get3A_51 = arith.constant 0 : index
    %get3A_52 = tpu.vector_load %arg13[%get3A_50, %get3A_51] {strides = array<i32>} : memref<16x128xf32, #tpu.memory_space<vmem>>, vector<16xf32>,
    %add3A_53 = arith.addf %add3A_48, %get3A_52 : vector<16xf32>
    %get3A_54 = arith.constant 4 : i32
    %get3A_55 = arith.index_cast %get3A_54 : i32 to index
    %get3A_56 = arith.constant 0 : index
    %get3A_57 = tpu.vector_load %arg13[%get3A_55, %get3A_56] {strides = array<i32>} : memref<16x128xf32, #tpu.memory_space<vmem>>, vector<16xf32>,
    %add3A_58 = arith.addf %add3A_53, %get3A_57 : vector<16xf32>
    %get3A_59 = arith.constant 5 : i32
    %get3A_60 = arith.index_cast %get3A_59 : i32 to index
    %get3A_61 = arith.constant 0 : index
    %get3A_62 = tpu.vector_load %arg13[%get3A_60, %get3A_61] {strides = array<i32>} : memref<16x128xf32, #tpu.memory_space<vmem>>, vector<16xf32>,
    %add3A_63 = arith.addf %add3A_58, %get3A_62 : vector<16xf32>
    %get3A_64 = arith.constant 6 : i32
    %get3A_65 = arith.index_cast %get3A_64 : i32 to index
    %get3A_66 = arith.constant 0 : index
    %get3A_67 = tpu.vector_load %arg13[%get3A_65, %get3A_66] {strides = array<i32>} : memref<16x128xf32, #tpu.memory_space<vmem>>, vector<16xf32>,
    %add3A_68 = arith.addf %add3A_63, %get3A_67 : vector<16xf32>
    %get3A_69 = arith.constant 7 : i32
    %get3A_70 = arith.index_cast %get3A_69 : i32 to index
    %get3A_71 = arith.constant 0 : index
    %get3A_72 = tpu.vector_load %arg13[%get3A_70, %get3A_71] {strides = array<i32>} : memref<16x128xf32, #tpu.memory_space<vmem>>, vector<16xf32>,
    %add3A_73 = arith.addf %add3A_68, %get3A_72 : vector<16xf32>
    %get3A_74 = arith.constant 8 : i32
    %get3A_75 = arith.index_cast %get3A_74 : i32 to index
    %get3A_76 = arith.constant 0 : index
    %get3A_77 = tpu.vector_load %arg13[%get3A_75, %get3A_76] {strides = array<i32>} : memref<16x128xf32, #tpu.memory_space<vmem>>, vector<16xf32>,
    %add3A_78 = arith.addf %add3A_73, %get3A_77 : vector<16xf32>
    %get3A_79 = arith.constant 9 : i32
    %get3A_80 = arith.index_cast %get3A_79 : i32 to index
    %get3A_81 = arith.constant 0 : index
    %get3A_82 = tpu.vector_load %arg13[%get3A_80, %get3A_81] {strides = array<i32>} : memref<16x128xf32, #tpu.memory_space<vmem>>, vector<16xf32>,
    %add3A_83 = arith.addf %add3A_78, %get3A_82 : vector<16xf32>
    %get3A_84 = arith.constant 10 : i32
    %get3A_85 = arith.index_cast %get3A_84 : i32 to index
    %get3A_86 = arith.constant 0 : index
    %get3A_87 = tpu.vector_load %arg13[%get3A_85, %get3A_86] {strides = array<i32>} : memref<16x128xf32, #tpu.memory_space<vmem>>, vector<16xf32>,
    %add3A_88 = arith.addf %add3A_83, %get3A_87 : vector<16xf32>
    %get3A_89 = arith.constant 11 : i32
    %get3A_90 = arith.index_cast %get3A_89 : i32 to index
    %get3A_91 = arith.constant 0 : index
    %get3A_92 = tpu.vector_load %arg13[%get3A_90, %get3A_91] {strides = array<i32>} : memref<16x128xf32, #tpu.memory_space<vmem>>, vector<16xf32>,
    %add3A_93 = arith.addf %add3A_88, %get3A_92 : vector<16xf32>
    %get3A_94 = arith.constant 12 : i32
    %get3A_95 = arith.index_cast %get3A_94 : i32 to index
    %get3A_96 = arith.constant 0 : index
    %get3A_97 = tpu.vector_load %arg13[%get3A_95, %get3A_96] {strides = array<i32>} : memref<16x128xf32, #tpu.memory_space<vmem>>, vector<16xf32>,
    %add3A_98 = arith.addf %add3A_93, %get3A_97 : vector<16xf32>
    %get3A_99 = arith.constant 13 : i32
    %get3A_100 = arith.index_cast %get3A_99 : i32 to index
    %get3A_101 = arith.constant 0 : index
    %get3A_102 = tpu.vector_load %arg13[%get3A_100, %get3A_101] {strides = array<i32>} : memref<16x128xf32, #tpu.memory_space<vmem>>, vector<16xf32>,
    %add3A_103 = arith.addf %add3A_98, %get3A_102 : vector<16xf32>
    %get3A_104 = arith.constant 14 : i32
    %get3A_105 = arith.index_cast %get3A_104 : i32 to index
    %get3A_106 = arith.constant 0 : index
    %get3A_107 = tpu.vector_load %arg13[%get3A_105, %get3A_106] {strides = array<i32>} : memref<16x128xf32, #tpu.memory_space<vmem>>, vector<16xf32>,
    %add3A_108 = arith.addf %add3A_103, %get3A_107 : vector<16xf32>
    %get3A_109 = arith.constant 15 : i32
    %get3A_110 = arith.index_cast %get3A_109 : i32 to index
    %get3A_111 = arith.constant 0 : index
    %get3A_112 = tpu.vector_load %arg13[%get3A_110, %get3A_111] {strides = array<i32>} : memref<16x128xf32, #tpu.memory_space<vmem>>, vector<16xf32>,
    %add3A_113 = arith.addf %add3A_108, %get3A_112 : vector<16xf32>
    %add3A_114 = arith.constant 1.000000e+00 : f32
    %add3A_115 = vector.broadcast %add3A_114 : f32 to vector<16xf32>
    %add3A_116 = arith.addf %add3A_113, %add3A_115 : vector<16xf32>
    %bitcast3A = vector.bitcast %add3A_116 : vector<16xf32> to vector<16xi32>
    %shift_right_logical3A = arith.constant 1 : i32
    %shift_right_logical3A_117 = vector.broadcast %shift_right_logical3A : i32 to vector<16xi32>
    %shift_right_logical3A_118 = arith.shrui %bitcast3A, %shift_right_logical3A_117 : vector<16xi32>
    %sub3A = arith.constant 1597463007 : i32
    %sub3A_119 = vector.broadcast %sub3A : i32 to vector<16xi32>
    %sub3A_120 = arith.subi %sub3A_119, %shift_right_logical3A_118 : vector<16xi32>
    %bitcast3A_121 = vector.bitcast %sub3A_120 : vector<16xi32> to vector<16xf32>
    %mul3A_122 = arith.constant 5.000000e-01 : f32
    %mul3A_123 = vector.broadcast %mul3A_122 : f32 to vector<16xf32>
    %mul3A_124 = arith.mulf %mul3A_123, %add3A_116 : vector<16xf32>
    %mul3A_125 = arith.mulf %mul3A_124, %bitcast3A_121 : vector<16xf32>
    %mul3A_126 = arith.mulf %mul3A_125, %bitcast3A_121 : vector<16xf32>
    %sub3A_127 = arith.constant 1.500000e+00 : f32
    %sub3A_128 = vector.broadcast %sub3A_127 : f32 to vector<16xf32>
    %sub3A_129 = arith.subf %sub3A_128, %mul3A_126 : vector<16xf32>
    %mul3A_130 = arith.mulf %bitcast3A_121, %sub3A_129 : vector<16xf32>
    %mul3A_131 = arith.constant 5.000000e-01 : f32
    %mul3A_132 = vector.broadcast %mul3A_131 : f32 to vector<16xf32>
    %mul3A_133 = arith.mulf %mul3A_132, %add3A_116 : vector<16xf32>
    %mul3A_134 = arith.mulf %mul3A_133, %mul3A_130 : vector<16xf32>
    %mul3A_135 = arith.mulf %mul3A_134, %mul3A_130 : vector<16xf32>
    %sub3A_136 = arith.constant 1.500000e+00 : f32
    %sub3A_137 = vector.broadcast %sub3A_136 : f32 to vector<16xf32>
    %sub3A_138 = arith.subf %sub3A_137, %mul3A_135 : vector<16xf32>
    %mul3A_139 = arith.mulf %mul3A_130, %sub3A_138 : vector<16xf32>
    %mul3A_140 = arith.constant 5.000000e-01 : f32
    %mul3A_141 = vector.broadcast %mul3A_140 : f32 to vector<16xf32>
    %mul3A_142 = arith.mulf %mul3A_141, %add3A_116 : vector<16xf32>
    %mul3A_143 = arith.mulf %mul3A_142, %mul3A_139 : vector<16xf32>
    %mul3A_144 = arith.mulf %mul3A_143, %mul3A_139 : vector<16xf32>
    %sub3A_145 = arith.constant 1.500000e+00 : f32
    %sub3A_146 = vector.broadcast %sub3A_145 : f32 to vector<16xf32>
    %sub3A_147 = arith.subf %sub3A_146, %mul3A_144 : vector<16xf32>
    %mul3A_148 = arith.mulf %mul3A_139, %sub3A_147 : vector<16xf32>
    %swap3A = arith.constant 0 : index
    %swap3A_149 = tpu.vector_load %arg14[%swap3A] {strides = array<i32>} : memref<128xf32, #tpu.memory_space<vmem>>, vector<16xf32>,
    tpu.vector_store %arg14[%swap3A], %mul3A_148 {strides = array<i32>} : memref<128xf32, #tpu.memory_space<vmem>>, vector<16xf32>,
    %get3A_150 = arith.constant 0 : i32
    %get3A_151 = arith.index_cast %get3A_150 : i32 to index
    %get3A_152 = arith.constant 16 : index
    %get3A_153 = tpu.vector_load %arg13[%get3A_151, %get3A_152] {strides = array<i32>} : memref<16x128xf32, #tpu.memory_space<vmem>>, vector<16xf32>,
    %get3A_154 = arith.constant 1 : i32
    %get3A_155 = arith.index_cast %get3A_154 : i32 to index
    %get3A_156 = arith.constant 16 : index
    %get3A_157 = tpu.vector_load %arg13[%get3A_155, %get3A_156] {strides = array<i32>} : memref<16x128xf32, #tpu.memory_space<vmem>>, vector<16xf32>,
    %add3A_158 = arith.addf %get3A_153, %get3A_157 : vector<16xf32>
    %get3A_159 = arith.constant 2 : i32
    %get3A_160 = arith.index_cast %get3A_159 : i32 to index
    %get3A_161 = arith.constant 16 : index
    %get3A_162 = tpu.vector_load %arg13[%get3A_160, %get3A_161] {strides = array<i32>} : memref<16x128xf32, #tpu.memory_space<vmem>>, vector<16xf32>,
    %add3A_163 = arith.addf %add3A_158, %get3A_162 : vector<16xf32>
    %get3A_164 = arith.constant 3 : i32
    %get3A_165 = arith.index_cast %get3A_164 : i32 to index
    %get3A_166 = arith.constant 16 : index
    %get3A_167 = tpu.vector_load %arg13[%get3A_165, %get3A_166] {strides = array<i32>} : memref<16x128xf32, #tpu.memory_space<vmem>>, vector<16xf32>,
    %add3A_168 = arith.addf %add3A_163, %get3A_167 : vector<16xf32>
    %get3A_169 = arith.constant 4 : i32
    %get3A_170 = arith.index_cast %get3A_169 : i32 to index
    %get3A_171 = arith.constant 16 : index
    %get3A_172 = tpu.vector_load %arg13[%get3A_170, %get3A_171] {strides = array<i32>} : memref<16x128xf32, #tpu.memory_space<vmem>>, vector<16xf32>,
    %add3A_173 = arith.addf %add3A_168, %get3A_172 : vector<16xf32>
    %get3A_174 = arith.constant 5 : i32
    %get3A_175 = arith.index_cast %get3A_174 : i32 to index
    %get3A_176 = arith.constant 16 : index
    %get3A_177 = tpu.vector_load %arg13[%get3A_175, %get3A_176] {strides = array<i32>} : memref<16x128xf32, #tpu.memory_space<vmem>>, vector<16xf32>,
    %add3A_178 = arith.addf %add3A_173, %get3A_177 : vector<16xf32>
    %get3A_179 = arith.constant 6 : i32
    %get3A_180 = arith.index_cast %get3A_179 : i32 to index
    %get3A_181 = arith.constant 16 : index
    %get3A_182 = tpu.vector_load %arg13[%get3A_180, %get3A_181] {strides = array<i32>} : memref<16x128xf32, #tpu.memory_space<vmem>>, vector<16xf32>,
    %add3A_183 = arith.addf %add3A_178, %get3A_182 : vector<16xf32>
    %get3A_184 = arith.constant 7 : i32
    %get3A_185 = arith.index_cast %get3A_184 : i32 to index
    %get3A_186 = arith.constant 16 : index
    %get3A_187 = tpu.vector_load %arg13[%get3A_185, %get3A_186] {strides = array<i32>} : memref<16x128xf32, #tpu.memory_space<vmem>>, vector<16xf32>,
    %add3A_188 = arith.addf %add3A_183, %get3A_187 : vector<16xf32>
    %get3A_189 = arith.constant 8 : i32
    %get3A_190 = arith.index_cast %get3A_189 : i32 to index
    %get3A_191 = arith.constant 16 : index
    %get3A_192 = tpu.vector_load %arg13[%get3A_190, %get3A_191] {strides = array<i32>} : memref<16x128xf32, #tpu.memory_space<vmem>>, vector<16xf32>,
    %add3A_193 = arith.addf %add3A_188, %get3A_192 : vector<16xf32>
    %get3A_194 = arith.constant 9 : i32
    %get3A_195 = arith.index_cast %get3A_194 : i32 to index
    %get3A_196 = arith.constant 16 : index
    %get3A_197 = tpu.vector_load %arg13[%get3A_195, %get3A_196] {strides = array<i32>} : memref<16x128xf32, #tpu.memory_space<vmem>>, vector<16xf32>,
    %add3A_198 = arith.addf %add3A_193, %get3A_197 : vector<16xf32>
    %get3A_199 = arith.constant 10 : i32
    %get3A_200 = arith.index_cast %get3A_199 : i32 to index
    %get3A_201 = arith.constant 16 : index
    %get3A_202 = tpu.vector_load %arg13[%get3A_200, %get3A_201] {strides = array<i32>} : memref<16x128xf32, #tpu.memory_space<vmem>>, vector<16xf32>,
    %add3A_203 = arith.addf %add3A_198, %get3A_202 : vector<16xf32>
    %get3A_204 = arith.constant 11 : i32
    %get3A_205 = arith.index_cast %get3A_204 : i32 to index
    %get3A_206 = arith.constant 16 : index
    %get3A_207 = tpu.vector_load %arg13[%get3A_205, %get3A_206] {strides = array<i32>} : memref<16x128xf32, #tpu.memory_space<vmem>>, vector<16xf32>,
    %add3A_208 = arith.addf %add3A_203, %get3A_207 : vector<16xf32>
    %get3A_209 = arith.constant 12 : i32
    %get3A_210 = arith.index_cast %get3A_209 : i32 to index
    %get3A_211 = arith.constant 16 : index
    %get3A_212 = tpu.vector_load %arg13[%get3A_210, %get3A_211] {strides = array<i32>} : memref<16x128xf32, #tpu.memory_space<vmem>>, vector<16xf32>,
    %add3A_213 = arith.addf %add3A_208, %get3A_212 : vector<16xf32>
    %get3A_214 = arith.constant 13 : i32
    %get3A_215 = arith.index_cast %get3A_214 : i32 to index
    %get3A_216 = arith.constant 16 : index
    %get3A_217 = tpu.vector_load %arg13[%get3A_215, %get3A_216] {strides = array<i32>} : memref<16x128xf32, #tpu.memory_space<vmem>>, vector<16xf32>,
    %add3A_218 = arith.addf %add3A_213, %get3A_217 : vector<16xf32>
    %get3A_219 = arith.constant 14 : i32
    %get3A_220 = arith.index_cast %get3A_219 : i32 to index
    %get3A_221 = arith.constant 16 : index
    %get3A_222 = tpu.vector_load %arg13[%get3A_220, %get3A_221] {strides = array<i32>} : memref<16x128xf32, #tpu.memory_space<vmem>>, vector<16xf32>,
    %add3A_223 = arith.addf %add3A_218, %get3A_222 : vector<16xf32>
    %get3A_224 = arith.constant 15 : i32
    %get3A_225 = arith.index_cast %get3A_224 : i32 to index
    %get3A_226 = arith.constant 16 : index
    %get3A_227 = tpu.vector_load %arg13[%get3A_225, %get3A_226] {strides = array<i32>} : memref<16x128xf32, #tpu.memory_space<vmem>>, vector<16xf32>,
    %add3A_228 = arith.addf %add3A_223, %get3A_227 : vector<16xf32>
    %add3A_229 = arith.constant 1.000000e+00 : f32
    %add3A_230 = vector.broadcast %add3A_229 : f32 to vector<16xf32>
    %add3A_231 = arith.addf %add3A_228, %add3A_230 : vector<16xf32>
    %bitcast3A_232 = vector.bitcast %add3A_231 : vector<16xf32> to vector<16xi32>
    %shift_right_logical3A_233 = arith.constant 1 : i32
    %shift_right_logical3A_234 = vector.broadcast %shift_right_logical3A_233 : i32 to vector<16xi32>
    %shift_right_logical3A_235 = arith.shrui %bitcast3A_232, %shift_right_logical3A_234 : vector<16xi32>
    %sub3A_236 = arith.constant 1597463007 : i32
    %sub3A_237 = vector.broadcast %sub3A_236 : i32 to vector<16xi32>
    %sub3A_238 = arith.subi %sub3A_237, %shift_right_logical3A_235 : vector<16xi32>
    %bitcast3A_239 = vector.bitcast %sub3A_238 : vector<16xi32> to vector<16xf32>
    %mul3A_240 = arith.constant 5.000000e-01 : f32
    %mul3A_241 = vector.broadcast %mul3A_240 : f32 to vector<16xf32>
    %mul3A_242 = arith.mulf %mul3A_241, %add3A_231 : vector<16xf32>
    %mul3A_243 = arith.mulf %mul3A_242, %bitcast3A_239 : vector<16xf32>
    %mul3A_244 = arith.mulf %mul3A_243, %bitcast3A_239 : vector<16xf32>
    %sub3A_245 = arith.constant 1.500000e+00 : f32
    %sub3A_246 = vector.broadcast %sub3A_245 : f32 to vector<16xf32>
    %sub3A_247 = arith.subf %sub3A_246, %mul3A_244 : vector<16xf32>
    %mul3A_248 = arith.mulf %bitcast3A_239, %sub3A_247 : vector<16xf32>
    %mul3A_249 = arith.constant 5.000000e-01 : f32
    %mul3A_250 = vector.broadcast %mul3A_249 : f32 to vector<16xf32>
    %mul3A_251 = arith.mulf %mul3A_250, %add3A_231 : vector<16xf32>
    %mul3A_252 = arith.mulf %mul3A_251, %mul3A_248 : vector<16xf32>
    %mul3A_253 = arith.mulf %mul3A_252, %mul3A_248 : vector<16xf32>
    %sub3A_254 = arith.constant 1.500000e+00 : f32
    %sub3A_255 = vector.broadcast %sub3A_254 : f32 to vector<16xf32>
    %sub3A_256 = arith.subf %sub3A_255, %mul3A_253 : vector<16xf32>
    %mul3A_257 = arith.mulf %mul3A_248, %sub3A_256 : vector<16xf32>
    %mul3A_258 = arith.constant 5.000000e-01 : f32
    %mul3A_259 = vector.broadcast %mul3A_258 : f32 to vector<16xf32>
    %mul3A_260 = arith.mulf %mul3A_259, %add3A_231 : vector<16xf32>
    %mul3A_261 = arith.mulf %mul3A_260, %mul3A_257 : vector<16xf32>
    %mul3A_262 = arith.mulf %mul3A_261, %mul3A_257 : vector<16xf32>
    %sub3A_263 = arith.constant 1.500000e+00 : f32
    %sub3A_264 = vector.broadcast %sub3A_263 : f32 to vector<16xf32>
    %sub3A_265 = arith.subf %sub3A_264, %mul3A_262 : vector<16xf32>
    %mul3A_266 = arith.mulf %mul3A_257, %sub3A_265 : vector<16xf32>
    %swap3A_267 = arith.constant 16 : index
    %swap3A_268 = tpu.vector_load %arg14[%swap3A_267] {strides = array<i32>} : memref<128xf32, #tpu.memory_space<vmem>>, vector<16xf32>,
    tpu.vector_store %arg14[%swap3A_267], %mul3A_266 {strides = array<i32>} : memref<128xf32, #tpu.memory_space<vmem>>, vector<16xf32>,
    %get3A_269 = arith.constant 0 : i32
    %get3A_270 = arith.index_cast %get3A_269 : i32 to index
    %get3A_271 = arith.constant 32 : index
    %get3A_272 = tpu.vector_load %arg13[%get3A_270, %get3A_271] {strides = array<i32>} : memref<16x128xf32, #tpu.memory_space<vmem>>, vector<16xf32>,
    %get3A_273 = arith.constant 1 : i32
    %get3A_274 = arith.index_cast %get3A_273 : i32 to index
    %get3A_275 = arith.constant 32 : index
    %get3A_276 = tpu.vector_load %arg13[%get3A_274, %get3A_275] {strides = array<i32>} : memref<16x128xf32, #tpu.memory_space<vmem>>, vector<16xf32>,
    %add3A_277 = arith.addf %get3A_272, %get3A_276 : vector<16xf32>
    %get3A_278 = arith.constant 2 : i32
    %get3A_279 = arith.index_cast %get3A_278 : i32 to index
    %get3A_280 = arith.constant 32 : index
    %get3A_281 = tpu.vector_load %arg13[%get3A_279, %get3A_280] {strides = array<i32>} : memref<16x128xf32, #tpu.memory_space<vmem>>, vector<16xf32>,
    %add3A_282 = arith.addf %add3A_277, %get3A_281 : vector<16xf32>
    %get3A_283 = arith.constant 3 : i32
    %get3A_284 = arith.index_cast %get3A_283 : i32 to index
    %get3A_285 = arith.constant 32 : index
    %get3A_286 = tpu.vector_load %arg13[%get3A_284, %get3A_285] {strides = array<i32>} : memref<16x128xf32, #tpu.memory_space<vmem>>, vector<16xf32>,
    %add3A_287 = arith.addf %add3A_282, %get3A_286 : vector<16xf32>
    %get3A_288 = arith.constant 4 : i32
    %get3A_289 = arith.index_cast %get3A_288 : i32 to index
    %get3A_290 = arith.constant 32 : index
    %get3A_291 = tpu.vector_load %arg13[%get3A_289, %get3A_290] {strides = array<i32>} : memref<16x128xf32, #tpu.memory_space<vmem>>, vector<16xf32>,
    %add3A_292 = arith.addf %add3A_287, %get3A_291 : vector<16xf32>
    %get3A_293 = arith.constant 5 : i32
    %get3A_294 = arith.index_cast %get3A_293 : i32 to index
    %get3A_295 = arith.constant 32 : index
    %get3A_296 = tpu.vector_load %arg13[%get3A_294, %get3A_295] {strides = array<i32>} : memref<16x128xf32, #tpu.memory_space<vmem>>, vector<16xf32>,
    %add3A_297 = arith.addf %add3A_292, %get3A_296 : vector<16xf32>
    %get3A_298 = arith.constant 6 : i32
    %get3A_299 = arith.index_cast %get3A_298 : i32 to index
    %get3A_300 = arith.constant 32 : index
    %get3A_301 = tpu.vector_load %arg13[%get3A_299, %get3A_300] {strides = array<i32>} : memref<16x128xf32, #tpu.memory_space<vmem>>, vector<16xf32>,
    %add3A_302 = arith.addf %add3A_297, %get3A_301 : vector<16xf32>
    %get3A_303 = arith.constant 7 : i32
    %get3A_304 = arith.index_cast %get3A_303 : i32 to index
    %get3A_305 = arith.constant 32 : index
    %get3A_306 = tpu.vector_load %arg13[%get3A_304, %get3A_305] {strides = array<i32>} : memref<16x128xf32, #tpu.memory_space<vmem>>, vector<16xf32>,
    %add3A_307 = arith.addf %add3A_302, %get3A_306 : vector<16xf32>
    %get3A_308 = arith.constant 8 : i32
    %get3A_309 = arith.index_cast %get3A_308 : i32 to index
    %get3A_310 = arith.constant 32 : index
    %get3A_311 = tpu.vector_load %arg13[%get3A_309, %get3A_310] {strides = array<i32>} : memref<16x128xf32, #tpu.memory_space<vmem>>, vector<16xf32>,
    %add3A_312 = arith.addf %add3A_307, %get3A_311 : vector<16xf32>
    %get3A_313 = arith.constant 9 : i32
    %get3A_314 = arith.index_cast %get3A_313 : i32 to index
    %get3A_315 = arith.constant 32 : index
    %get3A_316 = tpu.vector_load %arg13[%get3A_314, %get3A_315] {strides = array<i32>} : memref<16x128xf32, #tpu.memory_space<vmem>>, vector<16xf32>,
    %add3A_317 = arith.addf %add3A_312, %get3A_316 : vector<16xf32>
    %get3A_318 = arith.constant 10 : i32
    %get3A_319 = arith.index_cast %get3A_318 : i32 to index
    %get3A_320 = arith.constant 32 : index
    %get3A_321 = tpu.vector_load %arg13[%get3A_319, %get3A_320] {strides = array<i32>} : memref<16x128xf32, #tpu.memory_space<vmem>>, vector<16xf32>,
    %add3A_322 = arith.addf %add3A_317, %get3A_321 : vector<16xf32>
    %get3A_323 = arith.constant 11 : i32
    %get3A_324 = arith.index_cast %get3A_323 : i32 to index
    %get3A_325 = arith.constant 32 : index
    %get3A_326 = tpu.vector_load %arg13[%get3A_324, %get3A_325] {strides = array<i32>} : memref<16x128xf32, #tpu.memory_space<vmem>>, vector<16xf32>,
    %add3A_327 = arith.addf %add3A_322, %get3A_326 : vector<16xf32>
    %get3A_328 = arith.constant 12 : i32
    %get3A_329 = arith.index_cast %get3A_328 : i32 to index
    %get3A_330 = arith.constant 32 : index
    %get3A_331 = tpu.vector_load %arg13[%get3A_329, %get3A_330] {strides = array<i32>} : memref<16x128xf32, #tpu.memory_space<vmem>>, vector<16xf32>,
    %add3A_332 = arith.addf %add3A_327, %get3A_331 : vector<16xf32>
    %get3A_333 = arith.constant 13 : i32
    %get3A_334 = arith.index_cast %get3A_333 : i32 to index
    %get3A_335 = arith.constant 32 : index
    %get3A_336 = tpu.vector_load %arg13[%get3A_334, %get3A_335] {strides = array<i32>} : memref<16x128xf32, #tpu.memory_space<vmem>>, vector<16xf32>,
    %add3A_337 = arith.addf %add3A_332, %get3A_336 : vector<16xf32>
    %get3A_338 = arith.constant 14 : i32
    %get3A_339 = arith.index_cast %get3A_338 : i32 to index
    %get3A_340 = arith.constant 32 : index
    %get3A_341 = tpu.vector_load %arg13[%get3A_339, %get3A_340] {strides = array<i32>} : memref<16x128xf32, #tpu.memory_space<vmem>>, vector<16xf32>,
    %add3A_342 = arith.addf %add3A_337, %get3A_341 : vector<16xf32>
    %get3A_343 = arith.constant 15 : i32
    %get3A_344 = arith.index_cast %get3A_343 : i32 to index
    %get3A_345 = arith.constant 32 : index
    %get3A_346 = tpu.vector_load %arg13[%get3A_344, %get3A_345] {strides = array<i32>} : memref<16x128xf32, #tpu.memory_space<vmem>>, vector<16xf32>,
    %add3A_347 = arith.addf %add3A_342, %get3A_346 : vector<16xf32>
    %add3A_348 = arith.constant 1.000000e+00 : f32
    %add3A_349 = vector.broadcast %add3A_348 : f32 to vector<16xf32>
    %add3A_350 = arith.addf %add3A_347, %add3A_349 : vector<16xf32>
    %bitcast3A_351 = vector.bitcast %add3A_350 : vector<16xf32> to vector<16xi32>
    %shift_right_logical3A_352 = arith.constant 1 : i32
    %shift_right_logical3A_353 = vector.broadcast %shift_right_logical3A_352 : i32 to vector<16xi32>
    %shift_right_logical3A_354 = arith.shrui %bitcast3A_351, %shift_right_logical3A_353 : vector<16xi32>
    %sub3A_355 = arith.constant 1597463007 : i32
    %sub3A_356 = vector.broadcast %sub3A_355 : i32 to vector<16xi32>
    %sub3A_357 = arith.subi %sub3A_356, %shift_right_logical3A_354 : vector<16xi32>
    %bitcast3A_358 = vector.bitcast %sub3A_357 : vector<16xi32> to vector<16xf32>
    %mul3A_359 = arith.constant 5.000000e-01 : f32
    %mul3A_360 = vector.broadcast %mul3A_359 : f32 to vector<16xf32>
    %mul3A_361 = arith.mulf %mul3A_360, %add3A_350 : vector<16xf32>
    %mul3A_362 = arith.mulf %mul3A_361, %bitcast3A_358 : vector<16xf32>
    %mul3A_363 = arith.mulf %mul3A_362, %bitcast3A_358 : vector<16xf32>
    %sub3A_364 = arith.constant 1.500000e+00 : f32
    %sub3A_365 = vector.broadcast %sub3A_364 : f32 to vector<16xf32>
    %sub3A_366 = arith.subf %sub3A_365, %mul3A_363 : vector<16xf32>
    %mul3A_367 = arith.mulf %bitcast3A_358, %sub3A_366 : vector<16xf32>
    %mul3A_368 = arith.constant 5.000000e-01 : f32
    %mul3A_369 = vector.broadcast %mul3A_368 : f32 to vector<16xf32>
    %mul3A_370 = arith.mulf %mul3A_369, %add3A_350 : vector<16xf32>
    %mul3A_371 = arith.mulf %mul3A_370, %mul3A_367 : vector<16xf32>
    %mul3A_372 = arith.mulf %mul3A_371, %mul3A_367 : vector<16xf32>
    %sub3A_373 = arith.constant 1.500000e+00 : f32
    %sub3A_374 = vector.broadcast %sub3A_373 : f32 to vector<16xf32>
    %sub3A_375 = arith.subf %sub3A_374, %mul3A_372 : vector<16xf32>
    %mul3A_376 = arith.mulf %mul3A_367, %sub3A_375 : vector<16xf32>
    %mul3A_377 = arith.constant 5.000000e-01 : f32
    %mul3A_378 = vector.broadcast %mul3A_377 : f32 to vector<16xf32>
    %mul3A_379 = arith.mulf %mul3A_378, %add3A_350 : vector<16xf32>
    %mul3A_380 = arith.mulf %mul3A_379, %mul3A_376 : vector<16xf32>
    %mul3A_381 = arith.mulf %mul3A_380, %mul3A_376 : vector<16xf32>
    %sub3A_382 = arith.constant 1.500000e+00 : f32
    %sub3A_383 = vector.broadcast %sub3A_382 : f32 to vector<16xf32>
    %sub3A_384 = arith.subf %sub3A_383, %mul3A_381 : vector<16xf32>
    %mul3A_385 = arith.mulf %mul3A_376, %sub3A_384 : vector<16xf32>
    %swap3A_386 = arith.constant 32 : index
    %swap3A_387 = tpu.vector_load %arg14[%swap3A_386] {strides = array<i32>} : memref<128xf32, #tpu.memory_space<vmem>>, vector<16xf32>,
    tpu.vector_store %arg14[%swap3A_386], %mul3A_385 {strides = array<i32>} : memref<128xf32, #tpu.memory_space<vmem>>, vector<16xf32>,
    %get3A_388 = arith.constant 0 : i32
    %get3A_389 = arith.index_cast %get3A_388 : i32 to index
    %get3A_390 = arith.constant 48 : index
    %get3A_391 = tpu.vector_load %arg13[%get3A_389, %get3A_390] {strides = array<i32>} : memref<16x128xf32, #tpu.memory_space<vmem>>, vector<16xf32>,
    %get3A_392 = arith.constant 1 : i32
    %get3A_393 = arith.index_cast %get3A_392 : i32 to index
    %get3A_394 = arith.constant 48 : index
    %get3A_395 = tpu.vector_load %arg13[%get3A_393, %get3A_394] {strides = array<i32>} : memref<16x128xf32, #tpu.memory_space<vmem>>, vector<16xf32>,
    %add3A_396 = arith.addf %get3A_391, %get3A_395 : vector<16xf32>
    %get3A_397 = arith.constant 2 : i32
    %get3A_398 = arith.index_cast %get3A_397 : i32 to index
    %get3A_399 = arith.constant 48 : index
    %get3A_400 = tpu.vector_load %arg13[%get3A_398, %get3A_399] {strides = array<i32>} : memref<16x128xf32, #tpu.memory_space<vmem>>, vector<16xf32>,
    %add3A_401 = arith.addf %add3A_396, %get3A_400 : vector<16xf32>
    %get3A_402 = arith.constant 3 : i32
    %get3A_403 = arith.index_cast %get3A_402 : i32 to index
    %get3A_404 = arith.constant 48 : index
    %get3A_405 = tpu.vector_load %arg13[%get3A_403, %get3A_404] {strides = array<i32>} : memref<16x128xf32, #tpu.memory_space<vmem>>, vector<16xf32>,
    %add3A_406 = arith.addf %add3A_401, %get3A_405 : vector<16xf32>
    %get3A_407 = arith.constant 4 : i32
    %get3A_408 = arith.index_cast %get3A_407 : i32 to index
    %get3A_409 = arith.constant 48 : index
    %get3A_410 = tpu.vector_load %arg13[%get3A_408, %get3A_409] {strides = array<i32>} : memref<16x128xf32, #tpu.memory_space<vmem>>, vector<16xf32>,
    %add3A_411 = arith.addf %add3A_406, %get3A_410 : vector<16xf32>
    %get3A_412 = arith.constant 5 : i32
    %get3A_413 = arith.index_cast %get3A_412 : i32 to index
    %get3A_414 = arith.constant 48 : index
    %get3A_415 = tpu.vector_load %arg13[%get3A_413, %get3A_414] {strides = array<i32>} : memref<16x128xf32, #tpu.memory_space<vmem>>, vector<16xf32>,
    %add3A_416 = arith.addf %add3A_411, %get3A_415 : vector<16xf32>
    %get3A_417 = arith.constant 6 : i32
    %get3A_418 = arith.index_cast %get3A_417 : i32 to index
    %get3A_419 = arith.constant 48 : index
    %get3A_420 = tpu.vector_load %arg13[%get3A_418, %get3A_419] {strides = array<i32>} : memref<16x128xf32, #tpu.memory_space<vmem>>, vector<16xf32>,
    %add3A_421 = arith.addf %add3A_416, %get3A_420 : vector<16xf32>
    %get3A_422 = arith.constant 7 : i32
    %get3A_423 = arith.index_cast %get3A_422 : i32 to index
    %get3A_424 = arith.constant 48 : index
    %get3A_425 = tpu.vector_load %arg13[%get3A_423, %get3A_424] {strides = array<i32>} : memref<16x128xf32, #tpu.memory_space<vmem>>, vector<16xf32>,
    %add3A_426 = arith.addf %add3A_421, %get3A_425 : vector<16xf32>
    %get3A_427 = arith.constant 8 : i32
    %get3A_428 = arith.index_cast %get3A_427 : i32 to index
    %get3A_429 = arith.constant 48 : index
    %get3A_430 = tpu.vector_load %arg13[%get3A_428, %get3A_429] {strides = array<i32>} : memref<16x128xf32, #tpu.memory_space<vmem>>, vector<16xf32>,
    %add3A_431 = arith.addf %add3A_426, %get3A_430 : vector<16xf32>
    %get3A_432 = arith.constant 9 : i32
    %get3A_433 = arith.index_cast %get3A_432 : i32 to index
    %get3A_434 = arith.constant 48 : index
    %get3A_435 = tpu.vector_load %arg13[%get3A_433, %get3A_434] {strides = array<i32>} : memref<16x128xf32, #tpu.memory_space<vmem>>, vector<16xf32>,
    %add3A_436 = arith.addf %add3A_431, %get3A_435 : vector<16xf32>
    %get3A_437 = arith.constant 10 : i32
    %get3A_438 = arith.index_cast %get3A_437 : i32 to index
    %get3A_439 = arith.constant 48 : index
    %get3A_440 = tpu.vector_load %arg13[%get3A_438, %get3A_439] {strides = array<i32>} : memref<16x128xf32, #tpu.memory_space<vmem>>, vector<16xf32>,
    %add3A_441 = arith.addf %add3A_436, %get3A_440 : vector<16xf32>
    %get3A_442 = arith.constant 11 : i32
    %get3A_443 = arith.index_cast %get3A_442 : i32 to index
    %get3A_444 = arith.constant 48 : index
    %get3A_445 = tpu.vector_load %arg13[%get3A_443, %get3A_444] {strides = array<i32>} : memref<16x128xf32, #tpu.memory_space<vmem>>, vector<16xf32>,
    %add3A_446 = arith.addf %add3A_441, %get3A_445 : vector<16xf32>
    %get3A_447 = arith.constant 12 : i32
    %get3A_448 = arith.index_cast %get3A_447 : i32 to index
    %get3A_449 = arith.constant 48 : index
    %get3A_450 = tpu.vector_load %arg13[%get3A_448, %get3A_449] {strides = array<i32>} : memref<16x128xf32, #tpu.memory_space<vmem>>, vector<16xf32>,
    %add3A_451 = arith.addf %add3A_446, %get3A_450 : vector<16xf32>
    %get3A_452 = arith.constant 13 : i32
    %get3A_453 = arith.index_cast %get3A_452 : i32 to index
    %get3A_454 = arith.constant 48 : index
    %get3A_455 = tpu.vector_load %arg13[%get3A_453, %get3A_454] {strides = array<i32>} : memref<16x128xf32, #tpu.memory_space<vmem>>, vector<16xf32>,
    %add3A_456 = arith.addf %add3A_451, %get3A_455 : vector<16xf32>
    %get3A_457 = arith.constant 14 : i32
    %get3A_458 = arith.index_cast %get3A_457 : i32 to index
    %get3A_459 = arith.constant 48 : index
    %get3A_460 = tpu.vector_load %arg13[%get3A_458, %get3A_459] {strides = array<i32>} : memref<16x128xf32, #tpu.memory_space<vmem>>, vector<16xf32>,
    %add3A_461 = arith.addf %add3A_456, %get3A_460 : vector<16xf32>
    %get3A_462 = arith.constant 15 : i32
    %get3A_463 = arith.index_cast %get3A_462 : i32 to index
    %get3A_464 = arith.constant 48 : index
    %get3A_465 = tpu.vector_load %arg13[%get3A_463, %get3A_464] {strides = array<i32>} : memref<16x128xf32, #tpu.memory_space<vmem>>, vector<16xf32>,
    %add3A_466 = arith.addf %add3A_461, %get3A_465 : vector<16xf32>
    %add3A_467 = arith.constant 1.000000e+00 : f32
    %add3A_468 = vector.broadcast %add3A_467 : f32 to vector<16xf32>
    %add3A_469 = arith.addf %add3A_466, %add3A_468 : vector<16xf32>
    %bitcast3A_470 = vector.bitcast %add3A_469 : vector<16xf32> to vector<16xi32>
    %shift_right_logical3A_471 = arith.constant 1 : i32
    %shift_right_logical3A_472 = vector.broadcast %shift_right_logical3A_471 : i32 to vector<16xi32>
    %shift_right_logical3A_473 = arith.shrui %bitcast3A_470, %shift_right_logical3A_472 : vector<16xi32>
    %sub3A_474 = arith.constant 1597463007 : i32
    %sub3A_475 = vector.broadcast %sub3A_474 : i32 to vector<16xi32>
    %sub3A_476 = arith.subi %sub3A_475, %shift_right_logical3A_473 : vector<16xi32>
    %bitcast3A_477 = vector.bitcast %sub3A_476 : vector<16xi32> to vector<16xf32>
    %mul3A_478 = arith.constant 5.000000e-01 : f32
    %mul3A_479 = vector.broadcast %mul3A_478 : f32 to vector<16xf32>
    %mul3A_480 = arith.mulf %mul3A_479, %add3A_469 : vector<16xf32>
    %mul3A_481 = arith.mulf %mul3A_480, %bitcast3A_477 : vector<16xf32>
    %mul3A_482 = arith.mulf %mul3A_481, %bitcast3A_477 : vector<16xf32>
    %sub3A_483 = arith.constant 1.500000e+00 : f32
    %sub3A_484 = vector.broadcast %sub3A_483 : f32 to vector<16xf32>
    %sub3A_485 = arith.subf %sub3A_484, %mul3A_482 : vector<16xf32>
    %mul3A_486 = arith.mulf %bitcast3A_477, %sub3A_485 : vector<16xf32>
    %mul3A_487 = arith.constant 5.000000e-01 : f32
    %mul3A_488 = vector.broadcast %mul3A_487 : f32 to vector<16xf32>
    %mul3A_489 = arith.mulf %mul3A_488, %add3A_469 : vector<16xf32>
    %mul3A_490 = arith.mulf %mul3A_489, %mul3A_486 : vector<16xf32>
    %mul3A_491 = arith.mulf %mul3A_490, %mul3A_486 : vector<16xf32>
    %sub3A_492 = arith.constant 1.500000e+00 : f32
    %sub3A_493 = vector.broadcast %sub3A_492 : f32 to vector<16xf32>
    %sub3A_494 = arith.subf %sub3A_493, %mul3A_491 : vector<16xf32>
    %mul3A_495 = arith.mulf %mul3A_486, %sub3A_494 : vector<16xf32>
    %mul3A_496 = arith.constant 5.000000e-01 : f32
    %mul3A_497 = vector.broadcast %mul3A_496 : f32 to vector<16xf32>
    %mul3A_498 = arith.mulf %mul3A_497, %add3A_469 : vector<16xf32>
    %mul3A_499 = arith.mulf %mul3A_498, %mul3A_495 : vector<16xf32>
    %mul3A_500 = arith.mulf %mul3A_499, %mul3A_495 : vector<16xf32>
    %sub3A_501 = arith.constant 1.500000e+00 : f32
    %sub3A_502 = vector.broadcast %sub3A_501 : f32 to vector<16xf32>
    %sub3A_503 = arith.subf %sub3A_502, %mul3A_500 : vector<16xf32>
    %mul3A_504 = arith.mulf %mul3A_495, %sub3A_503 : vector<16xf32>
    %swap3A_505 = arith.constant 48 : index
    %swap3A_506 = tpu.vector_load %arg14[%swap3A_505] {strides = array<i32>} : memref<128xf32, #tpu.memory_space<vmem>>, vector<16xf32>,
    tpu.vector_store %arg14[%swap3A_505], %mul3A_504 {strides = array<i32>} : memref<128xf32, #tpu.memory_space<vmem>>, vector<16xf32>,
    %get3A_507 = arith.constant 0 : i32
    %get3A_508 = arith.index_cast %get3A_507 : i32 to index
    %get3A_509 = arith.constant 64 : index
    %get3A_510 = tpu.vector_load %arg13[%get3A_508, %get3A_509] {strides = array<i32>} : memref<16x128xf32, #tpu.memory_space<vmem>>, vector<16xf32>,
    %get3A_511 = arith.constant 1 : i32
    %get3A_512 = arith.index_cast %get3A_511 : i32 to index
    %get3A_513 = arith.constant 64 : index
    %get3A_514 = tpu.vector_load %arg13[%get3A_512, %get3A_513] {strides = array<i32>} : memref<16x128xf32, #tpu.memory_space<vmem>>, vector<16xf32>,
    %add3A_515 = arith.addf %get3A_510, %get3A_514 : vector<16xf32>
    %get3A_516 = arith.constant 2 : i32
    %get3A_517 = arith.index_cast %get3A_516 : i32 to index
    %get3A_518 = arith.constant 64 : index
    %get3A_519 = tpu.vector_load %arg13[%get3A_517, %get3A_518] {strides = array<i32>} : memref<16x128xf32, #tpu.memory_space<vmem>>, vector<16xf32>,
    %add3A_520 = arith.addf %add3A_515, %get3A_519 : vector<16xf32>
    %get3A_521 = arith.constant 3 : i32
    %get3A_522 = arith.index_cast %get3A_521 : i32 to index
    %get3A_523 = arith.constant 64 : index
    %get3A_524 = tpu.vector_load %arg13[%get3A_522, %get3A_523] {strides = array<i32>} : memref<16x128xf32, #tpu.memory_space<vmem>>, vector<16xf32>,
    %add3A_525 = arith.addf %add3A_520, %get3A_524 : vector<16xf32>
    %get3A_526 = arith.constant 4 : i32
    %get3A_527 = arith.index_cast %get3A_526 : i32 to index
    %get3A_528 = arith.constant 64 : index
    %get3A_529 = tpu.vector_load %arg13[%get3A_527, %get3A_528] {strides = array<i32>} : memref<16x128xf32, #tpu.memory_space<vmem>>, vector<16xf32>,
    %add3A_530 = arith.addf %add3A_525, %get3A_529 : vector<16xf32>
    %get3A_531 = arith.constant 5 : i32
    %get3A_532 = arith.index_cast %get3A_531 : i32 to index
    %get3A_533 = arith.constant 64 : index
    %get3A_534 = tpu.vector_load %arg13[%get3A_532, %get3A_533] {strides = array<i32>} : memref<16x128xf32, #tpu.memory_space<vmem>>, vector<16xf32>,
    %add3A_535 = arith.addf %add3A_530, %get3A_534 : vector<16xf32>
    %get3A_536 = arith.constant 6 : i32
    %get3A_537 = arith.index_cast %get3A_536 : i32 to index
    %get3A_538 = arith.constant 64 : index
    %get3A_539 = tpu.vector_load %arg13[%get3A_537, %get3A_538] {strides = array<i32>} : memref<16x128xf32, #tpu.memory_space<vmem>>, vector<16xf32>,
    %add3A_540 = arith.addf %add3A_535, %get3A_539 : vector<16xf32>
    %get3A_541 = arith.constant 7 : i32
    %get3A_542 = arith.index_cast %get3A_541 : i32 to index
    %get3A_543 = arith.constant 64 : index
    %get3A_544 = tpu.vector_load %arg13[%get3A_542, %get3A_543] {strides = array<i32>} : memref<16x128xf32, #tpu.memory_space<vmem>>, vector<16xf32>,
    %add3A_545 = arith.addf %add3A_540, %get3A_544 : vector<16xf32>
    %get3A_546 = arith.constant 8 : i32
    %get3A_547 = arith.index_cast %get3A_546 : i32 to index
    %get3A_548 = arith.constant 64 : index
    %get3A_549 = tpu.vector_load %arg13[%get3A_547, %get3A_548] {strides = array<i32>} : memref<16x128xf32, #tpu.memory_space<vmem>>, vector<16xf32>,
    %add3A_550 = arith.addf %add3A_545, %get3A_549 : vector<16xf32>
    %get3A_551 = arith.constant 9 : i32
    %get3A_552 = arith.index_cast %get3A_551 : i32 to index
    %get3A_553 = arith.constant 64 : index
    %get3A_554 = tpu.vector_load %arg13[%get3A_552, %get3A_553] {strides = array<i32>} : memref<16x128xf32, #tpu.memory_space<vmem>>, vector<16xf32>,
    %add3A_555 = arith.addf %add3A_550, %get3A_554 : vector<16xf32>
    %get3A_556 = arith.constant 10 : i32
    %get3A_557 = arith.index_cast %get3A_556 : i32 to index
    %get3A_558 = arith.constant 64 : index
    %get3A_559 = tpu.vector_load %arg13[%get3A_557, %get3A_558] {strides = array<i32>} : memref<16x128xf32, #tpu.memory_space<vmem>>, vector<16xf32>,
    %add3A_560 = arith.addf %add3A_555, %get3A_559 : vector<16xf32>
    %get3A_561 = arith.constant 11 : i32
    %get3A_562 = arith.index_cast %get3A_561 : i32 to index
    %get3A_563 = arith.constant 64 : index
    %get3A_564 = tpu.vector_load %arg13[%get3A_562, %get3A_563] {strides = array<i32>} : memref<16x128xf32, #tpu.memory_space<vmem>>, vector<16xf32>,
    %add3A_565 = arith.addf %add3A_560, %get3A_564 : vector<16xf32>
    %get3A_566 = arith.constant 12 : i32
    %get3A_567 = arith.index_cast %get3A_566 : i32 to index
    %get3A_568 = arith.constant 64 : index
    %get3A_569 = tpu.vector_load %arg13[%get3A_567, %get3A_568] {strides = array<i32>} : memref<16x128xf32, #tpu.memory_space<vmem>>, vector<16xf32>,
    %add3A_570 = arith.addf %add3A_565, %get3A_569 : vector<16xf32>
    %get3A_571 = arith.constant 13 : i32
    %get3A_572 = arith.index_cast %get3A_571 : i32 to index
    %get3A_573 = arith.constant 64 : index
    %get3A_574 = tpu.vector_load %arg13[%get3A_572, %get3A_573] {strides = array<i32>} : memref<16x128xf32, #tpu.memory_space<vmem>>, vector<16xf32>,
    %add3A_575 = arith.addf %add3A_570, %get3A_574 : vector<16xf32>
    %get3A_576 = arith.constant 14 : i32
    %get3A_577 = arith.index_cast %get3A_576 : i32 to index
    %get3A_578 = arith.constant 64 : index
    %get3A_579 = tpu.vector_load %arg13[%get3A_577, %get3A_578] {strides = array<i32>} : memref<16x128xf32, #tpu.memory_space<vmem>>, vector<16xf32>,
    %add3A_580 = arith.addf %add3A_575, %get3A_579 : vector<16xf32>
    %get3A_581 = arith.constant 15 : i32
    %get3A_582 = arith.index_cast %get3A_581 : i32 to index
    %get3A_583 = arith.constant 64 : index
    %get3A_584 = tpu.vector_load %arg13[%get3A_582, %get3A_583] {strides = array<i32>} : memref<16x128xf32, #tpu.memory_space<vmem>>, vector<16xf32>,
    %add3A_585 = arith.addf %add3A_580, %get3A_584 : vector<16xf32>
    %add3A_586 = arith.constant 1.000000e+00 : f32
    %add3A_587 = vector.broadcast %add3A_586 : f32 to vector<16xf32>
    %add3A_588 = arith.addf %add3A_585, %add3A_587 : vector<16xf32>
    %bitcast3A_589 = vector.bitcast %add3A_588 : vector<16xf32> to vector<16xi32>
    %shift_right_logical3A_590 = arith.constant 1 : i32
    %shift_right_logical3A_591 = vector.broadcast %shift_right_logical3A_590 : i32 to vector<16xi32>
    %shift_right_logical3A_592 = arith.shrui %bitcast3A_589, %shift_right_logical3A_591 : vector<16xi32>
    %sub3A_593 = arith.constant 1597463007 : i32
    %sub3A_594 = vector.broadcast %sub3A_593 : i32 to vector<16xi32>
    %sub3A_595 = arith.subi %sub3A_594, %shift_right_logical3A_592 : vector<16xi32>
    %bitcast3A_596 = vector.bitcast %sub3A_595 : vector<16xi32> to vector<16xf32>
    %mul3A_597 = arith.constant 5.000000e-01 : f32
    %mul3A_598 = vector.broadcast %mul3A_597 : f32 to vector<16xf32>
    %mul3A_599 = arith.mulf %mul3A_598, %add3A_588 : vector<16xf32>
    %mul3A_600 = arith.mulf %mul3A_599, %bitcast3A_596 : vector<16xf32>
    %mul3A_601 = arith.mulf %mul3A_600, %bitcast3A_596 : vector<16xf32>
    %sub3A_602 = arith.constant 1.500000e+00 : f32
    %sub3A_603 = vector.broadcast %sub3A_602 : f32 to vector<16xf32>
    %sub3A_604 = arith.subf %sub3A_603, %mul3A_601 : vector<16xf32>
    %mul3A_605 = arith.mulf %bitcast3A_596, %sub3A_604 : vector<16xf32>
    %mul3A_606 = arith.constant 5.000000e-01 : f32
    %mul3A_607 = vector.broadcast %mul3A_606 : f32 to vector<16xf32>
    %mul3A_608 = arith.mulf %mul3A_607, %add3A_588 : vector<16xf32>
    %mul3A_609 = arith.mulf %mul3A_608, %mul3A_605 : vector<16xf32>
    %mul3A_610 = arith.mulf %mul3A_609, %mul3A_605 : vector<16xf32>
    %sub3A_611 = arith.constant 1.500000e+00 : f32
    %sub3A_612 = vector.broadcast %sub3A_611 : f32 to vector<16xf32>
    %sub3A_613 = arith.subf %sub3A_612, %mul3A_610 : vector<16xf32>
    %mul3A_614 = arith.mulf %mul3A_605, %sub3A_613 : vector<16xf32>
    %mul3A_615 = arith.constant 5.000000e-01 : f32
    %mul3A_616 = vector.broadcast %mul3A_615 : f32 to vector<16xf32>
    %mul3A_617 = arith.mulf %mul3A_616, %add3A_588 : vector<16xf32>
    %mul3A_618 = arith.mulf %mul3A_617, %mul3A_614 : vector<16xf32>
    %mul3A_619 = arith.mulf %mul3A_618, %mul3A_614 : vector<16xf32>
    %sub3A_620 = arith.constant 1.500000e+00 : f32
    %sub3A_621 = vector.broadcast %sub3A_620 : f32 to vector<16xf32>
    %sub3A_622 = arith.subf %sub3A_621, %mul3A_619 : vector<16xf32>
    %mul3A_623 = arith.mulf %mul3A_614, %sub3A_622 : vector<16xf32>
    %swap3A_624 = arith.constant 64 : index
    %swap3A_625 = tpu.vector_load %arg14[%swap3A_624] {strides = array<i32>} : memref<128xf32, #tpu.memory_space<vmem>>, vector<16xf32>,
    tpu.vector_store %arg14[%swap3A_624], %mul3A_623 {strides = array<i32>} : memref<128xf32, #tpu.memory_space<vmem>>, vector<16xf32>,
    %get3A_626 = arith.constant 0 : i32
    %get3A_627 = arith.index_cast %get3A_626 : i32 to index
    %get3A_628 = arith.constant 80 : index
    %get3A_629 = tpu.vector_load %arg13[%get3A_627, %get3A_628] {strides = array<i32>} : memref<16x128xf32, #tpu.memory_space<vmem>>, vector<16xf32>,
    %get3A_630 = arith.constant 1 : i32
    %get3A_631 = arith.index_cast %get3A_630 : i32 to index
    %get3A_632 = arith.constant 80 : index
    %get3A_633 = tpu.vector_load %arg13[%get3A_631, %get3A_632] {strides = array<i32>} : memref<16x128xf32, #tpu.memory_space<vmem>>, vector<16xf32>,
    %add3A_634 = arith.addf %get3A_629, %get3A_633 : vector<16xf32>
    %get3A_635 = arith.constant 2 : i32
    %get3A_636 = arith.index_cast %get3A_635 : i32 to index
    %get3A_637 = arith.constant 80 : index
    %get3A_638 = tpu.vector_load %arg13[%get3A_636, %get3A_637] {strides = array<i32>} : memref<16x128xf32, #tpu.memory_space<vmem>>, vector<16xf32>,
    %add3A_639 = arith.addf %add3A_634, %get3A_638 : vector<16xf32>
    %get3A_640 = arith.constant 3 : i32
    %get3A_641 = arith.index_cast %get3A_640 : i32 to index
    %get3A_642 = arith.constant 80 : index
    %get3A_643 = tpu.vector_load %arg13[%get3A_641, %get3A_642] {strides = array<i32>} : memref<16x128xf32, #tpu.memory_space<vmem>>, vector<16xf32>,
    %add3A_644 = arith.addf %add3A_639, %get3A_643 : vector<16xf32>
    %get3A_645 = arith.constant 4 : i32
    %get3A_646 = arith.index_cast %get3A_645 : i32 to index
    %get3A_647 = arith.constant 80 : index
    %get3A_648 = tpu.vector_load %arg13[%get3A_646, %get3A_647] {strides = array<i32>} : memref<16x128xf32, #tpu.memory_space<vmem>>, vector<16xf32>,
    %add3A_649 = arith.addf %add3A_644, %get3A_648 : vector<16xf32>
    %get3A_650 = arith.constant 5 : i32
    %get3A_651 = arith.index_cast %get3A_650 : i32 to index
    %get3A_652 = arith.constant 80 : index
    %get3A_653 = tpu.vector_load %arg13[%get3A_651, %get3A_652] {strides = array<i32>} : memref<16x128xf32, #tpu.memory_space<vmem>>, vector<16xf32>,
    %add3A_654 = arith.addf %add3A_649, %get3A_653 : vector<16xf32>
    %get3A_655 = arith.constant 6 : i32
    %get3A_656 = arith.index_cast %get3A_655 : i32 to index
    %get3A_657 = arith.constant 80 : index
    %get3A_658 = tpu.vector_load %arg13[%get3A_656, %get3A_657] {strides = array<i32>} : memref<16x128xf32, #tpu.memory_space<vmem>>, vector<16xf32>,
    %add3A_659 = arith.addf %add3A_654, %get3A_658 : vector<16xf32>
    %get3A_660 = arith.constant 7 : i32
    %get3A_661 = arith.index_cast %get3A_660 : i32 to index
    %get3A_662 = arith.constant 80 : index
    %get3A_663 = tpu.vector_load %arg13[%get3A_661, %get3A_662] {strides = array<i32>} : memref<16x128xf32, #tpu.memory_space<vmem>>, vector<16xf32>,
    %add3A_664 = arith.addf %add3A_659, %get3A_663 : vector<16xf32>
    %get3A_665 = arith.constant 8 : i32
    %get3A_666 = arith.index_cast %get3A_665 : i32 to index
    %get3A_667 = arith.constant 80 : index
    %get3A_668 = tpu.vector_load %arg13[%get3A_666, %get3A_667] {strides = array<i32>} : memref<16x128xf32, #tpu.memory_space<vmem>>, vector<16xf32>,
    %add3A_669 = arith.addf %add3A_664, %get3A_668 : vector<16xf32>
    %get3A_670 = arith.constant 9 : i32
    %get3A_671 = arith.index_cast %get3A_670 : i32 to index
    %get3A_672 = arith.constant 80 : index
    %get3A_673 = tpu.vector_load %arg13[%get3A_671, %get3A_672] {strides = array<i32>} : memref<16x128xf32, #tpu.memory_space<vmem>>, vector<16xf32>,
    %add3A_674 = arith.addf %add3A_669, %get3A_673 : vector<16xf32>
    %get3A_675 = arith.constant 10 : i32
    %get3A_676 = arith.index_cast %get3A_675 : i32 to index
    %get3A_677 = arith.constant 80 : index
    %get3A_678 = tpu.vector_load %arg13[%get3A_676, %get3A_677] {strides = array<i32>} : memref<16x128xf32, #tpu.memory_space<vmem>>, vector<16xf32>,
    %add3A_679 = arith.addf %add3A_674, %get3A_678 : vector<16xf32>
    %get3A_680 = arith.constant 11 : i32
    %get3A_681 = arith.index_cast %get3A_680 : i32 to index
    %get3A_682 = arith.constant 80 : index
    %get3A_683 = tpu.vector_load %arg13[%get3A_681, %get3A_682] {strides = array<i32>} : memref<16x128xf32, #tpu.memory_space<vmem>>, vector<16xf32>,
    %add3A_684 = arith.addf %add3A_679, %get3A_683 : vector<16xf32>
    %get3A_685 = arith.constant 12 : i32
    %get3A_686 = arith.index_cast %get3A_685 : i32 to index
    %get3A_687 = arith.constant 80 : index
    %get3A_688 = tpu.vector_load %arg13[%get3A_686, %get3A_687] {strides = array<i32>} : memref<16x128xf32, #tpu.memory_space<vmem>>, vector<16xf32>,
    %add3A_689 = arith.addf %add3A_684, %get3A_688 : vector<16xf32>
    %get3A_690 = arith.constant 13 : i32
    %get3A_691 = arith.index_cast %get3A_690 : i32 to index
    %get3A_692 = arith.constant 80 : index
    %get3A_693 = tpu.vector_load %arg13[%get3A_691, %get3A_692] {strides = array<i32>} : memref<16x128xf32, #tpu.memory_space<vmem>>, vector<16xf32>,
    %add3A_694 = arith.addf %add3A_689, %get3A_693 : vector<16xf32>
    %get3A_695 = arith.constant 14 : i32
    %get3A_696 = arith.index_cast %get3A_695 : i32 to index
    %get3A_697 = arith.constant 80 : index
    %get3A_698 = tpu.vector_load %arg13[%get3A_696, %get3A_697] {strides = array<i32>} : memref<16x128xf32, #tpu.memory_space<vmem>>, vector<16xf32>,
    %add3A_699 = arith.addf %add3A_694, %get3A_698 : vector<16xf32>
    %get3A_700 = arith.constant 15 : i32
    %get3A_701 = arith.index_cast %get3A_700 : i32 to index
    %get3A_702 = arith.constant 80 : index
    %get3A_703 = tpu.vector_load %arg13[%get3A_701, %get3A_702] {strides = array<i32>} : memref<16x128xf32, #tpu.memory_space<vmem>>, vector<16xf32>,
    %add3A_704 = arith.addf %add3A_699, %get3A_703 : vector<16xf32>
    %add3A_705 = arith.constant 1.000000e+00 : f32
    %add3A_706 = vector.broadcast %add3A_705 : f32 to vector<16xf32>
    %add3A_707 = arith.addf %add3A_704, %add3A_706 : vector<16xf32>
    %bitcast3A_708 = vector.bitcast %add3A_707 : vector<16xf32> to vector<16xi32>
    %shift_right_logical3A_709 = arith.constant 1 : i32
    %shift_right_logical3A_710 = vector.broadcast %shift_right_logical3A_709 : i32 to vector<16xi32>
    %shift_right_logical3A_711 = arith.shrui %bitcast3A_708, %shift_right_logical3A_710 : vector<16xi32>
    %sub3A_712 = arith.constant 1597463007 : i32
    %sub3A_713 = vector.broadcast %sub3A_712 : i32 to vector<16xi32>
    %sub3A_714 = arith.subi %sub3A_713, %shift_right_logical3A_711 : vector<16xi32>
    %bitcast3A_715 = vector.bitcast %sub3A_714 : vector<16xi32> to vector<16xf32>
    %mul3A_716 = arith.constant 5.000000e-01 : f32
    %mul3A_717 = vector.broadcast %mul3A_716 : f32 to vector<16xf32>
    %mul3A_718 = arith.mulf %mul3A_717, %add3A_707 : vector<16xf32>
    %mul3A_719 = arith.mulf %mul3A_718, %bitcast3A_715 : vector<16xf32>
    %mul3A_720 = arith.mulf %mul3A_719, %bitcast3A_715 : vector<16xf32>
    %sub3A_721 = arith.constant 1.500000e+00 : f32
    %sub3A_722 = vector.broadcast %sub3A_721 : f32 to vector<16xf32>
    %sub3A_723 = arith.subf %sub3A_722, %mul3A_720 : vector<16xf32>
    %mul3A_724 = arith.mulf %bitcast3A_715, %sub3A_723 : vector<16xf32>
    %mul3A_725 = arith.constant 5.000000e-01 : f32
    %mul3A_726 = vector.broadcast %mul3A_725 : f32 to vector<16xf32>
    %mul3A_727 = arith.mulf %mul3A_726, %add3A_707 : vector<16xf32>
    %mul3A_728 = arith.mulf %mul3A_727, %mul3A_724 : vector<16xf32>
    %mul3A_729 = arith.mulf %mul3A_728, %mul3A_724 : vector<16xf32>
    %sub3A_730 = arith.constant 1.500000e+00 : f32
    %sub3A_731 = vector.broadcast %sub3A_730 : f32 to vector<16xf32>
    %sub3A_732 = arith.subf %sub3A_731, %mul3A_729 : vector<16xf32>
    %mul3A_733 = arith.mulf %mul3A_724, %sub3A_732 : vector<16xf32>
    %mul3A_734 = arith.constant 5.000000e-01 : f32
    %mul3A_735 = vector.broadcast %mul3A_734 : f32 to vector<16xf32>
    %mul3A_736 = arith.mulf %mul3A_735, %add3A_707 : vector<16xf32>
    %mul3A_737 = arith.mulf %mul3A_736, %mul3A_733 : vector<16xf32>
    %mul3A_738 = arith.mulf %mul3A_737, %mul3A_733 : vector<16xf32>
    %sub3A_739 = arith.constant 1.500000e+00 : f32
    %sub3A_740 = vector.broadcast %sub3A_739 : f32 to vector<16xf32>
    %sub3A_741 = arith.subf %sub3A_740, %mul3A_738 : vector<16xf32>
    %mul3A_742 = arith.mulf %mul3A_733, %sub3A_741 : vector<16xf32>
    %swap3A_743 = arith.constant 80 : index
    %swap3A_744 = tpu.vector_load %arg14[%swap3A_743] {strides = array<i32>} : memref<128xf32, #tpu.memory_space<vmem>>, vector<16xf32>,
    tpu.vector_store %arg14[%swap3A_743], %mul3A_742 {strides = array<i32>} : memref<128xf32, #tpu.memory_space<vmem>>, vector<16xf32>,
    %get3A_745 = arith.constant 0 : i32
    %get3A_746 = arith.index_cast %get3A_745 : i32 to index
    %get3A_747 = arith.constant 96 : index
    %get3A_748 = tpu.vector_load %arg13[%get3A_746, %get3A_747] {strides = array<i32>} : memref<16x128xf32, #tpu.memory_space<vmem>>, vector<16xf32>,
    %get3A_749 = arith.constant 1 : i32
    %get3A_750 = arith.index_cast %get3A_749 : i32 to index
    %get3A_751 = arith.constant 96 : index
    %get3A_752 = tpu.vector_load %arg13[%get3A_750, %get3A_751] {strides = array<i32>} : memref<16x128xf32, #tpu.memory_space<vmem>>, vector<16xf32>,
    %add3A_753 = arith.addf %get3A_748, %get3A_752 : vector<16xf32>
    %get3A_754 = arith.constant 2 : i32
    %get3A_755 = arith.index_cast %get3A_754 : i32 to index
    %get3A_756 = arith.constant 96 : index
    %get3A_757 = tpu.vector_load %arg13[%get3A_755, %get3A_756] {strides = array<i32>} : memref<16x128xf32, #tpu.memory_space<vmem>>, vector<16xf32>,
    %add3A_758 = arith.addf %add3A_753, %get3A_757 : vector<16xf32>
    %get3A_759 = arith.constant 3 : i32
    %get3A_760 = arith.index_cast %get3A_759 : i32 to index
    %get3A_761 = arith.constant 96 : index
    %get3A_762 = tpu.vector_load %arg13[%get3A_760, %get3A_761] {strides = array<i32>} : memref<16x128xf32, #tpu.memory_space<vmem>>, vector<16xf32>,
    %add3A_763 = arith.addf %add3A_758, %get3A_762 : vector<16xf32>
    %get3A_764 = arith.constant 4 : i32
    %get3A_765 = arith.index_cast %get3A_764 : i32 to index
    %get3A_766 = arith.constant 96 : index
    %get3A_767 = tpu.vector_load %arg13[%get3A_765, %get3A_766] {strides = array<i32>} : memref<16x128xf32, #tpu.memory_space<vmem>>, vector<16xf32>,
    %add3A_768 = arith.addf %add3A_763, %get3A_767 : vector<16xf32>
    %get3A_769 = arith.constant 5 : i32
    %get3A_770 = arith.index_cast %get3A_769 : i32 to index
    %get3A_771 = arith.constant 96 : index
    %get3A_772 = tpu.vector_load %arg13[%get3A_770, %get3A_771] {strides = array<i32>} : memref<16x128xf32, #tpu.memory_space<vmem>>, vector<16xf32>,
    %add3A_773 = arith.addf %add3A_768, %get3A_772 : vector<16xf32>
    %get3A_774 = arith.constant 6 : i32
    %get3A_775 = arith.index_cast %get3A_774 : i32 to index
    %get3A_776 = arith.constant 96 : index
    %get3A_777 = tpu.vector_load %arg13[%get3A_775, %get3A_776] {strides = array<i32>} : memref<16x128xf32, #tpu.memory_space<vmem>>, vector<16xf32>,
    %add3A_778 = arith.addf %add3A_773, %get3A_777 : vector<16xf32>
    %get3A_779 = arith.constant 7 : i32
    %get3A_780 = arith.index_cast %get3A_779 : i32 to index
    %get3A_781 = arith.constant 96 : index
    %get3A_782 = tpu.vector_load %arg13[%get3A_780, %get3A_781] {strides = array<i32>} : memref<16x128xf32, #tpu.memory_space<vmem>>, vector<16xf32>,
    %add3A_783 = arith.addf %add3A_778, %get3A_782 : vector<16xf32>
    %get3A_784 = arith.constant 8 : i32
    %get3A_785 = arith.index_cast %get3A_784 : i32 to index
    %get3A_786 = arith.constant 96 : index
    %get3A_787 = tpu.vector_load %arg13[%get3A_785, %get3A_786] {strides = array<i32>} : memref<16x128xf32, #tpu.memory_space<vmem>>, vector<16xf32>,
    %add3A_788 = arith.addf %add3A_783, %get3A_787 : vector<16xf32>
    %get3A_789 = arith.constant 9 : i32
    %get3A_790 = arith.index_cast %get3A_789 : i32 to index
    %get3A_791 = arith.constant 96 : index
    %get3A_792 = tpu.vector_load %arg13[%get3A_790, %get3A_791] {strides = array<i32>} : memref<16x128xf32, #tpu.memory_space<vmem>>, vector<16xf32>,
    %add3A_793 = arith.addf %add3A_788, %get3A_792 : vector<16xf32>
    %get3A_794 = arith.constant 10 : i32
    %get3A_795 = arith.index_cast %get3A_794 : i32 to index
    %get3A_796 = arith.constant 96 : index
    %get3A_797 = tpu.vector_load %arg13[%get3A_795, %get3A_796] {strides = array<i32>} : memref<16x128xf32, #tpu.memory_space<vmem>>, vector<16xf32>,
    %add3A_798 = arith.addf %add3A_793, %get3A_797 : vector<16xf32>
    %get3A_799 = arith.constant 11 : i32
    %get3A_800 = arith.index_cast %get3A_799 : i32 to index
    %get3A_801 = arith.constant 96 : index
    %get3A_802 = tpu.vector_load %arg13[%get3A_800, %get3A_801] {strides = array<i32>} : memref<16x128xf32, #tpu.memory_space<vmem>>, vector<16xf32>,
    %add3A_803 = arith.addf %add3A_798, %get3A_802 : vector<16xf32>
    %get3A_804 = arith.constant 12 : i32
    %get3A_805 = arith.index_cast %get3A_804 : i32 to index
    %get3A_806 = arith.constant 96 : index
    %get3A_807 = tpu.vector_load %arg13[%get3A_805, %get3A_806] {strides = array<i32>} : memref<16x128xf32, #tpu.memory_space<vmem>>, vector<16xf32>,
    %add3A_808 = arith.addf %add3A_803, %get3A_807 : vector<16xf32>
    %get3A_809 = arith.constant 13 : i32
    %get3A_810 = arith.index_cast %get3A_809 : i32 to index
    %get3A_811 = arith.constant 96 : index
    %get3A_812 = tpu.vector_load %arg13[%get3A_810, %get3A_811] {strides = array<i32>} : memref<16x128xf32, #tpu.memory_space<vmem>>, vector<16xf32>,
    %add3A_813 = arith.addf %add3A_808, %get3A_812 : vector<16xf32>
    %get3A_814 = arith.constant 14 : i32
    %get3A_815 = arith.index_cast %get3A_814 : i32 to index
    %get3A_816 = arith.constant 96 : index
    %get3A_817 = tpu.vector_load %arg13[%get3A_815, %get3A_816] {strides = array<i32>} : memref<16x128xf32, #tpu.memory_space<vmem>>, vector<16xf32>,
    %add3A_818 = arith.addf %add3A_813, %get3A_817 : vector<16xf32>
    %get3A_819 = arith.constant 15 : i32
    %get3A_820 = arith.index_cast %get3A_819 : i32 to index
    %get3A_821 = arith.constant 96 : index
    %get3A_822 = tpu.vector_load %arg13[%get3A_820, %get3A_821] {strides = array<i32>} : memref<16x128xf32, #tpu.memory_space<vmem>>, vector<16xf32>,
    %add3A_823 = arith.addf %add3A_818, %get3A_822 : vector<16xf32>
    %add3A_824 = arith.constant 1.000000e+00 : f32
    %add3A_825 = vector.broadcast %add3A_824 : f32 to vector<16xf32>
    %add3A_826 = arith.addf %add3A_823, %add3A_825 : vector<16xf32>
    %bitcast3A_827 = vector.bitcast %add3A_826 : vector<16xf32> to vector<16xi32>
    %shift_right_logical3A_828 = arith.constant 1 : i32
    %shift_right_logical3A_829 = vector.broadcast %shift_right_logical3A_828 : i32 to vector<16xi32>
    %shift_right_logical3A_830 = arith.shrui %bitcast3A_827, %shift_right_logical3A_829 : vector<16xi32>
    %sub3A_831 = arith.constant 1597463007 : i32
    %sub3A_832 = vector.broadcast %sub3A_831 : i32 to vector<16xi32>
    %sub3A_833 = arith.subi %sub3A_832, %shift_right_logical3A_830 : vector<16xi32>
    %bitcast3A_834 = vector.bitcast %sub3A_833 : vector<16xi32> to vector<16xf32>
    %mul3A_835 = arith.constant 5.000000e-01 : f32
    %mul3A_836 = vector.broadcast %mul3A_835 : f32 to vector<16xf32>
    %mul3A_837 = arith.mulf %mul3A_836, %add3A_826 : vector<16xf32>
    %mul3A_838 = arith.mulf %mul3A_837, %bitcast3A_834 : vector<16xf32>
    %mul3A_839 = arith.mulf %mul3A_838, %bitcast3A_834 : vector<16xf32>
    %sub3A_840 = arith.constant 1.500000e+00 : f32
    %sub3A_841 = vector.broadcast %sub3A_840 : f32 to vector<16xf32>
    %sub3A_842 = arith.subf %sub3A_841, %mul3A_839 : vector<16xf32>
    %mul3A_843 = arith.mulf %bitcast3A_834, %sub3A_842 : vector<16xf32>
    %mul3A_844 = arith.constant 5.000000e-01 : f32
    %mul3A_845 = vector.broadcast %mul3A_844 : f32 to vector<16xf32>
    %mul3A_846 = arith.mulf %mul3A_845, %add3A_826 : vector<16xf32>
    %mul3A_847 = arith.mulf %mul3A_846, %mul3A_843 : vector<16xf32>
    %mul3A_848 = arith.mulf %mul3A_847, %mul3A_843 : vector<16xf32>
    %sub3A_849 = arith.constant 1.500000e+00 : f32
    %sub3A_850 = vector.broadcast %sub3A_849 : f32 to vector<16xf32>
    %sub3A_851 = arith.subf %sub3A_850, %mul3A_848 : vector<16xf32>
    %mul3A_852 = arith.mulf %mul3A_843, %sub3A_851 : vector<16xf32>
    %mul3A_853 = arith.constant 5.000000e-01 : f32
    %mul3A_854 = vector.broadcast %mul3A_853 : f32 to vector<16xf32>
    %mul3A_855 = arith.mulf %mul3A_854, %add3A_826 : vector<16xf32>
    %mul3A_856 = arith.mulf %mul3A_855, %mul3A_852 : vector<16xf32>
    %mul3A_857 = arith.mulf %mul3A_856, %mul3A_852 : vector<16xf32>
    %sub3A_858 = arith.constant 1.500000e+00 : f32
    %sub3A_859 = vector.broadcast %sub3A_858 : f32 to vector<16xf32>
    %sub3A_860 = arith.subf %sub3A_859, %mul3A_857 : vector<16xf32>
    %mul3A_861 = arith.mulf %mul3A_852, %sub3A_860 : vector<16xf32>
    %swap3A_862 = arith.constant 96 : index
    %swap3A_863 = tpu.vector_load %arg14[%swap3A_862] {strides = array<i32>} : memref<128xf32, #tpu.memory_space<vmem>>, vector<16xf32>,
    tpu.vector_store %arg14[%swap3A_862], %mul3A_861 {strides = array<i32>} : memref<128xf32, #tpu.memory_space<vmem>>, vector<16xf32>,
    %get3A_864 = arith.constant 0 : i32
    %get3A_865 = arith.index_cast %get3A_864 : i32 to index
    %get3A_866 = arith.constant 112 : index
    %get3A_867 = tpu.vector_load %arg13[%get3A_865, %get3A_866] {strides = array<i32>} : memref<16x128xf32, #tpu.memory_space<vmem>>, vector<16xf32>,
    %get3A_868 = arith.constant 1 : i32
    %get3A_869 = arith.index_cast %get3A_868 : i32 to index
    %get3A_870 = arith.constant 112 : index
    %get3A_871 = tpu.vector_load %arg13[%get3A_869, %get3A_870] {strides = array<i32>} : memref<16x128xf32, #tpu.memory_space<vmem>>, vector<16xf32>,
    %add3A_872 = arith.addf %get3A_867, %get3A_871 : vector<16xf32>
    %get3A_873 = arith.constant 2 : i32
    %get3A_874 = arith.index_cast %get3A_873 : i32 to index
    %get3A_875 = arith.constant 112 : index
    %get3A_876 = tpu.vector_load %arg13[%get3A_874, %get3A_875] {strides = array<i32>} : memref<16x128xf32, #tpu.memory_space<vmem>>, vector<16xf32>,
    %add3A_877 = arith.addf %add3A_872, %get3A_876 : vector<16xf32>
    %get3A_878 = arith.constant 3 : i32
    %get3A_879 = arith.index_cast %get3A_878 : i32 to index
    %get3A_880 = arith.constant 112 : index
    %get3A_881 = tpu.vector_load %arg13[%get3A_879, %get3A_880] {strides = array<i32>} : memref<16x128xf32, #tpu.memory_space<vmem>>, vector<16xf32>,
    %add3A_882 = arith.addf %add3A_877, %get3A_881 : vector<16xf32>
    %get3A_883 = arith.constant 4 : i32
    %get3A_884 = arith.index_cast %get3A_883 : i32 to index
    %get3A_885 = arith.constant 112 : index
    %get3A_886 = tpu.vector_load %arg13[%get3A_884, %get3A_885] {strides = array<i32>} : memref<16x128xf32, #tpu.memory_space<vmem>>, vector<16xf32>,
    %add3A_887 = arith.addf %add3A_882, %get3A_886 : vector<16xf32>
    %get3A_888 = arith.constant 5 : i32
    %get3A_889 = arith.index_cast %get3A_888 : i32 to index
    %get3A_890 = arith.constant 112 : index
    %get3A_891 = tpu.vector_load %arg13[%get3A_889, %get3A_890] {strides = array<i32>} : memref<16x128xf32, #tpu.memory_space<vmem>>, vector<16xf32>,
    %add3A_892 = arith.addf %add3A_887, %get3A_891 : vector<16xf32>
    %get3A_893 = arith.constant 6 : i32
    %get3A_894 = arith.index_cast %get3A_893 : i32 to index
    %get3A_895 = arith.constant 112 : index
    %get3A_896 = tpu.vector_load %arg13[%get3A_894, %get3A_895] {strides = array<i32>} : memref<16x128xf32, #tpu.memory_space<vmem>>, vector<16xf32>,
    %add3A_897 = arith.addf %add3A_892, %get3A_896 : vector<16xf32>
    %get3A_898 = arith.constant 7 : i32
    %get3A_899 = arith.index_cast %get3A_898 : i32 to index
    %get3A_900 = arith.constant 112 : index
    %get3A_901 = tpu.vector_load %arg13[%get3A_899, %get3A_900] {strides = array<i32>} : memref<16x128xf32, #tpu.memory_space<vmem>>, vector<16xf32>,
    %add3A_902 = arith.addf %add3A_897, %get3A_901 : vector<16xf32>
    %get3A_903 = arith.constant 8 : i32
    %get3A_904 = arith.index_cast %get3A_903 : i32 to index
    %get3A_905 = arith.constant 112 : index
    %get3A_906 = tpu.vector_load %arg13[%get3A_904, %get3A_905] {strides = array<i32>} : memref<16x128xf32, #tpu.memory_space<vmem>>, vector<16xf32>,
    %add3A_907 = arith.addf %add3A_902, %get3A_906 : vector<16xf32>
    %get3A_908 = arith.constant 9 : i32
    %get3A_909 = arith.index_cast %get3A_908 : i32 to index
    %get3A_910 = arith.constant 112 : index
    %get3A_911 = tpu.vector_load %arg13[%get3A_909, %get3A_910] {strides = array<i32>} : memref<16x128xf32, #tpu.memory_space<vmem>>, vector<16xf32>,
    %add3A_912 = arith.addf %add3A_907, %get3A_911 : vector<16xf32>
    %get3A_913 = arith.constant 10 : i32
    %get3A_914 = arith.index_cast %get3A_913 : i32 to index
    %get3A_915 = arith.constant 112 : index
    %get3A_916 = tpu.vector_load %arg13[%get3A_914, %get3A_915] {strides = array<i32>} : memref<16x128xf32, #tpu.memory_space<vmem>>, vector<16xf32>,
    %add3A_917 = arith.addf %add3A_912, %get3A_916 : vector<16xf32>
    %get3A_918 = arith.constant 11 : i32
    %get3A_919 = arith.index_cast %get3A_918 : i32 to index
    %get3A_920 = arith.constant 112 : index
    %get3A_921 = tpu.vector_load %arg13[%get3A_919, %get3A_920] {strides = array<i32>} : memref<16x128xf32, #tpu.memory_space<vmem>>, vector<16xf32>,
    %add3A_922 = arith.addf %add3A_917, %get3A_921 : vector<16xf32>
    %get3A_923 = arith.constant 12 : i32
    %get3A_924 = arith.index_cast %get3A_923 : i32 to index
    %get3A_925 = arith.constant 112 : index
    %get3A_926 = tpu.vector_load %arg13[%get3A_924, %get3A_925] {strides = array<i32>} : memref<16x128xf32, #tpu.memory_space<vmem>>, vector<16xf32>,
    %add3A_927 = arith.addf %add3A_922, %get3A_926 : vector<16xf32>
    %get3A_928 = arith.constant 13 : i32
    %get3A_929 = arith.index_cast %get3A_928 : i32 to index
    %get3A_930 = arith.constant 112 : index
    %get3A_931 = tpu.vector_load %arg13[%get3A_929, %get3A_930] {strides = array<i32>} : memref<16x128xf32, #tpu.memory_space<vmem>>, vector<16xf32>,
    %add3A_932 = arith.addf %add3A_927, %get3A_931 : vector<16xf32>
    %get3A_933 = arith.constant 14 : i32
    %get3A_934 = arith.index_cast %get3A_933 : i32 to index
    %get3A_935 = arith.constant 112 : index
    %get3A_936 = tpu.vector_load %arg13[%get3A_934, %get3A_935] {strides = array<i32>} : memref<16x128xf32, #tpu.memory_space<vmem>>, vector<16xf32>,
    %add3A_937 = arith.addf %add3A_932, %get3A_936 : vector<16xf32>
    %get3A_938 = arith.constant 15 : i32
    %get3A_939 = arith.index_cast %get3A_938 : i32 to index
    %get3A_940 = arith.constant 112 : index
    %get3A_941 = tpu.vector_load %arg13[%get3A_939, %get3A_940] {strides = array<i32>} : memref<16x128xf32, #tpu.memory_space<vmem>>, vector<16xf32>,
    %add3A_942 = arith.addf %add3A_937, %get3A_941 : vector<16xf32>
    %add3A_943 = arith.constant 1.000000e+00 : f32
    %add3A_944 = vector.broadcast %add3A_943 : f32 to vector<16xf32>
    %add3A_945 = arith.addf %add3A_942, %add3A_944 : vector<16xf32>
    %bitcast3A_946 = vector.bitcast %add3A_945 : vector<16xf32> to vector<16xi32>
    %shift_right_logical3A_947 = arith.constant 1 : i32
    %shift_right_logical3A_948 = vector.broadcast %shift_right_logical3A_947 : i32 to vector<16xi32>
    %shift_right_logical3A_949 = arith.shrui %bitcast3A_946, %shift_right_logical3A_948 : vector<16xi32>
    %sub3A_950 = arith.constant 1597463007 : i32
    %sub3A_951 = vector.broadcast %sub3A_950 : i32 to vector<16xi32>
    %sub3A_952 = arith.subi %sub3A_951, %shift_right_logical3A_949 : vector<16xi32>
    %bitcast3A_953 = vector.bitcast %sub3A_952 : vector<16xi32> to vector<16xf32>
    %mul3A_954 = arith.constant 5.000000e-01 : f32
    %mul3A_955 = vector.broadcast %mul3A_954 : f32 to vector<16xf32>
    %mul3A_956 = arith.mulf %mul3A_955, %add3A_945 : vector<16xf32>
    %mul3A_957 = arith.mulf %mul3A_956, %bitcast3A_953 : vector<16xf32>
    %mul3A_958 = arith.mulf %mul3A_957, %bitcast3A_953 : vector<16xf32>
    %sub3A_959 = arith.constant 1.500000e+00 : f32
    %sub3A_960 = vector.broadcast %sub3A_959 : f32 to vector<16xf32>
    %sub3A_961 = arith.subf %sub3A_960, %mul3A_958 : vector<16xf32>
    %mul3A_962 = arith.mulf %bitcast3A_953, %sub3A_961 : vector<16xf32>
    %mul3A_963 = arith.constant 5.000000e-01 : f32
    %mul3A_964 = vector.broadcast %mul3A_963 : f32 to vector<16xf32>
    %mul3A_965 = arith.mulf %mul3A_964, %add3A_945 : vector<16xf32>
    %mul3A_966 = arith.mulf %mul3A_965, %mul3A_962 : vector<16xf32>
    %mul3A_967 = arith.mulf %mul3A_966, %mul3A_962 : vector<16xf32>
    %sub3A_968 = arith.constant 1.500000e+00 : f32
    %sub3A_969 = vector.broadcast %sub3A_968 : f32 to vector<16xf32>
    %sub3A_970 = arith.subf %sub3A_969, %mul3A_967 : vector<16xf32>
    %mul3A_971 = arith.mulf %mul3A_962, %sub3A_970 : vector<16xf32>
    %mul3A_972 = arith.constant 5.000000e-01 : f32
    %mul3A_973 = vector.broadcast %mul3A_972 : f32 to vector<16xf32>
    %mul3A_974 = arith.mulf %mul3A_973, %add3A_945 : vector<16xf32>
    %mul3A_975 = arith.mulf %mul3A_974, %mul3A_971 : vector<16xf32>
    %mul3A_976 = arith.mulf %mul3A_975, %mul3A_971 : vector<16xf32>
    %sub3A_977 = arith.constant 1.500000e+00 : f32
    %sub3A_978 = vector.broadcast %sub3A_977 : f32 to vector<16xf32>
    %sub3A_979 = arith.subf %sub3A_978, %mul3A_976 : vector<16xf32>
    %mul3A_980 = arith.mulf %mul3A_971, %sub3A_979 : vector<16xf32>
    %swap3A_981 = arith.constant 112 : index
    %swap3A_982 = tpu.vector_load %arg14[%swap3A_981] {strides = array<i32>} : memref<128xf32, #tpu.memory_space<vmem>>, vector<16xf32>,
    tpu.vector_store %arg14[%swap3A_981], %mul3A_980 {strides = array<i32>} : memref<128xf32, #tpu.memory_space<vmem>>, vector<16xf32>,
    %mul3A_983 = arith.constant 128 : i32
    %mul3A_984 = arith.muli %arg1, %mul3A_983 : i32
    "tpu.region"() ({
      %run_scoped3A_1379 = tpu.sem_alloc : memref<!tpu.dma_semaphore, #tpu.memory_space<semaphore_mem>>
      %dma_start3A_1380 = tpu.memref_slice %arg21[%mul3A_984] : memref<2048xf32, #tpu.memory_space<vmem_shared>> -> memref<128xf32, #tpu.memory_space<vmem_shared>>
      %dma_start3A_1381 = tpu.memref_slice %arg21[%mul3A_984] : memref<2048xf32, #tpu.memory_space<vmem_shared>> -> memref<128xf32, #tpu.memory_space<vmem_shared>>
      tpu.enqueue_dma source(%arg14 : memref<128xf32, #tpu.memory_space<vmem>>) target(%dma_start3A_1381 : memref<128xf32, #tpu.memory_space<vmem_shared>>) target_semaphore(%run_scoped3A_1379 : memref<!tpu.dma_semaphore, #tpu.memory_space<semaphore_mem>>)
      %dma_wait3A_1382 = tpu.memref_slice %arg21[%mul3A_984] : memref<2048xf32, #tpu.memory_space<vmem_shared>> -> memref<128xf32, #tpu.memory_space<vmem_shared>>
      %dma_wait3A_1383 = tpu.memref_slice %arg21[%mul3A_984] : memref<2048xf32, #tpu.memory_space<vmem_shared>> -> memref<128xf32, #tpu.memory_space<vmem_shared>>
      tpu.wait_dma2 semaphore(%run_scoped3A_1379 : memref<!tpu.dma_semaphore, #tpu.memory_space<semaphore_mem>>) src(%arg14 : memref<128xf32, #tpu.memory_space<vmem>>) dst(%dma_wait3A_1383 : memref<128xf32, #tpu.memory_space<vmem_shared>>)
      tpu.yield
    }) : () -> ()
    %barrier3A_985 = arith.constant 0 : index
    tpu.barrier barrier_id(%barrier3A_985)
    "tpu.region"() ({
      %run_scoped3A_1379 = tpu.sem_alloc : memref<!tpu.dma_semaphore, #tpu.memory_space<semaphore_mem>>
      tpu.enqueue_dma source(%arg21 : memref<2048xf32, #tpu.memory_space<vmem_shared>>) target(%arg11 : memref<2048xf32, #tpu.memory_space<vmem>>) target_semaphore(%run_scoped3A_1379 : memref<!tpu.dma_semaphore, #tpu.memory_space<semaphore_mem>>)
      tpu.wait_dma2 semaphore(%run_scoped3A_1379 : memref<!tpu.dma_semaphore, #tpu.memory_space<semaphore_mem>>) src(%arg21 : memref<2048xf32, #tpu.memory_space<vmem_shared>>) dst(%arg11 : memref<2048xf32, #tpu.memory_space<vmem>>)
      tpu.yield
    }) : () -> ()
    "tpu.trace_stop"() : () -> ()
    %mul3A_986 = arith.constant 2 : i32
    %mul3A_987 = arith.muli %arg0, %mul3A_986 : i32
    %add3A_988 = arith.constant 0 : i32
    %add3A_989 = arith.addi %mul3A_987, %add3A_988 : i32
    %mul3A_990 = arith.constant 512 : i32
    %mul3A_991 = arith.muli %add3A_989, %mul3A_990 : i32
    %add3A_992 = arith.constant 0 : i32
    %add3A_993 = vector.broadcast %add3A_992 : i32 to vector<16xi32>
    %add3A_994 = arith.addi %iota3A, %add3A_993 : vector<16xi32>
    %mul3A_995 = arith.constant 32 : i32
    %mul3A_996 = arith.muli %arg1, %mul3A_995 : i32
    %add3A_997 = arith.addi %mul3A_991, %mul3A_996 : i32
    %add3A_998 = vector.broadcast %add3A_997 : i32 to vector<16xi32>
    %add3A_999 = arith.addi %add3A_998, %add3A_994 : vector<16xi32>
    %gather3A = tpu.vector_load_idx %arg11[%add3A_999] : memref<2048xf32, #tpu.memory_space<vmem>>[vector<16xi32>], vector<16xf32>,
    %neg3A = arith.constant 0.000000e+00 : f32
    %neg3A_1000 = vector.broadcast %neg3A : f32 to vector<16xf32>
    %neg3A_1001 = arith.subf %neg3A_1000, %gather3A : vector<16xf32>
    %mul3A_1002 = arith.mulf %neg3A_1001, %gather3A : vector<16xf32>
    %mul3A_1003 = arith.constant 32 : i32
    %mul3A_1004 = arith.muli %arg1, %mul3A_1003 : i32
    %add3A_1005 = vector.broadcast %mul3A_1004 : i32 to vector<16xi32>
    %add3A_1006 = arith.addi %add3A_1005, %add3A_994 : vector<16xi32>
    %mul3A_1007 = arith.constant 2048 : i32
    %mul3A_1008 = vector.broadcast %mul3A_1007 : i32 to vector<16xi32>
    %mul3A_1009 = arith.muli %add3A_1006, %mul3A_1008 : vector<16xi32>
    %add3A_1010 = arith.addi %mul3A_1009, %add3A_999 : vector<16xi32>
    %swap3A_1011 = arith.constant 4096 : index
    %swap3A_1012 = tpu.vector_load %arg15[%swap3A_1011] {strides = array<i32>} : memref<4224xi32, #tpu.memory_space<vmem>>, vector<16xi32>,
    tpu.vector_store %arg15[%swap3A_1011], %add3A_1010 {strides = array<i32>} : memref<4224xi32, #tpu.memory_space<vmem>>, vector<16xi32>,
    %swap3A_1013 = arith.constant 4096 : index
    %swap3A_1014 = tpu.vector_load %arg16[%swap3A_1013] {strides = array<i32>} : memref<4224xf32, #tpu.memory_space<vmem>>, vector<16xf32>,
    tpu.vector_store %arg16[%swap3A_1013], %mul3A_1002 {strides = array<i32>} : memref<4224xf32, #tpu.memory_space<vmem>>, vector<16xf32>,
    %add3A_1015 = arith.constant 16 : i32
    %add3A_1016 = vector.broadcast %add3A_1015 : i32 to vector<16xi32>
    %add3A_1017 = arith.addi %iota3A, %add3A_1016 : vector<16xi32>
    %mul3A_1018 = arith.constant 32 : i32
    %mul3A_1019 = arith.muli %arg1, %mul3A_1018 : i32
    %add3A_1020 = arith.addi %mul3A_991, %mul3A_1019 : i32
    %add3A_1021 = vector.broadcast %add3A_1020 : i32 to vector<16xi32>
    %add3A_1022 = arith.addi %add3A_1021, %add3A_1017 : vector<16xi32>
    %gather3A_1023 = tpu.vector_load_idx %arg11[%add3A_1022] : memref<2048xf32, #tpu.memory_space<vmem>>[vector<16xi32>], vector<16xf32>,
    %neg3A_1024 = arith.constant 0.000000e+00 : f32
    %neg3A_1025 = vector.broadcast %neg3A_1024 : f32 to vector<16xf32>
    %neg3A_1026 = arith.subf %neg3A_1025, %gather3A_1023 : vector<16xf32>
    %mul3A_1027 = arith.mulf %neg3A_1026, %gather3A_1023 : vector<16xf32>
    %mul3A_1028 = arith.constant 32 : i32
    %mul3A_1029 = arith.muli %arg1, %mul3A_1028 : i32
    %add3A_1030 = vector.broadcast %mul3A_1029 : i32 to vector<16xi32>
    %add3A_1031 = arith.addi %add3A_1030, %add3A_1017 : vector<16xi32>
    %mul3A_1032 = arith.constant 2048 : i32
    %mul3A_1033 = vector.broadcast %mul3A_1032 : i32 to vector<16xi32>
    %mul3A_1034 = arith.muli %add3A_1031, %mul3A_1033 : vector<16xi32>
    %add3A_1035 = arith.addi %mul3A_1034, %add3A_1022 : vector<16xi32>
    %swap3A_1036 = arith.constant 4112 : index
    %swap3A_1037 = tpu.vector_load %arg15[%swap3A_1036] {strides = array<i32>} : memref<4224xi32, #tpu.memory_space<vmem>>, vector<16xi32>,
    tpu.vector_store %arg15[%swap3A_1036], %add3A_1035 {strides = array<i32>} : memref<4224xi32, #tpu.memory_space<vmem>>, vector<16xi32>,
    %swap3A_1038 = arith.constant 4112 : index
    %swap3A_1039 = tpu.vector_load %arg16[%swap3A_1038] {strides = array<i32>} : memref<4224xf32, #tpu.memory_space<vmem>>, vector<16xf32>,
    tpu.vector_store %arg16[%swap3A_1038], %mul3A_1027 {strides = array<i32>} : memref<4224xf32, #tpu.memory_space<vmem>>, vector<16xf32>,
    %add3A_1040 = arith.constant 0 : i32
    %add3A_1041 = vector.broadcast %add3A_1040 : i32 to vector<16xi32>
    %add3A_1042 = arith.addi %iota3A, %add3A_1041 : vector<16xi32>
    %mul3A_1043 = arith.constant 32 : i32
    %mul3A_1044 = arith.muli %arg1, %mul3A_1043 : i32
    %add3A_1045 = arith.addi %mul3A_991, %mul3A_1044 : i32
    %add3A_1046 = vector.broadcast %add3A_1045 : i32 to vector<16xi32>
    %add3A_1047 = arith.addi %add3A_1046, %add3A_1042 : vector<16xi32>
    %gather3A_1048 = tpu.vector_load_idx %arg11[%add3A_1047] : memref<2048xf32, #tpu.memory_space<vmem>>[vector<16xi32>], vector<16xf32>,
    %mul3A_1049 = arith.constant 32 : i32
    %mul3A_1050 = arith.muli %arg1, %mul3A_1049 : i32
    %add3A_1051 = vector.broadcast %mul3A_1050 : i32 to vector<16xi32>
    %add3A_1052 = arith.addi %add3A_1051, %add3A_1042 : vector<16xi32>
    %mul3A_1053 = arith.constant 2048 : i32
    %mul3A_1054 = vector.broadcast %mul3A_1053 : i32 to vector<16xi32>
    %mul3A_1055 = arith.muli %add3A_1052, %mul3A_1054 : vector<16xi32>
    %add3A_1056 = arith.addi %mul3A_1055, %add3A_1047 : vector<16xi32>
    %swap3A_1057 = arith.constant 4128 : index
    %swap3A_1058 = tpu.vector_load %arg15[%swap3A_1057] {strides = array<i32>} : memref<4224xi32, #tpu.memory_space<vmem>>, vector<16xi32>,
    tpu.vector_store %arg15[%swap3A_1057], %add3A_1056 {strides = array<i32>} : memref<4224xi32, #tpu.memory_space<vmem>>, vector<16xi32>,
    %swap3A_1059 = arith.constant 4128 : index
    %swap3A_1060 = tpu.vector_load %arg16[%swap3A_1059] {strides = array<i32>} : memref<4224xf32, #tpu.memory_space<vmem>>, vector<16xf32>,
    tpu.vector_store %arg16[%swap3A_1059], %broadcast_in_dim3A_0 {strides = array<i32>} : memref<4224xf32, #tpu.memory_space<vmem>>, vector<16xf32>,
    %add3A_1061 = arith.constant 16 : i32
    %add3A_1062 = vector.broadcast %add3A_1061 : i32 to vector<16xi32>
    %add3A_1063 = arith.addi %iota3A, %add3A_1062 : vector<16xi32>
    %mul3A_1064 = arith.constant 32 : i32
    %mul3A_1065 = arith.muli %arg1, %mul3A_1064 : i32
    %add3A_1066 = arith.addi %mul3A_991, %mul3A_1065 : i32
    %add3A_1067 = vector.broadcast %add3A_1066 : i32 to vector<16xi32>
    %add3A_1068 = arith.addi %add3A_1067, %add3A_1063 : vector<16xi32>
    %gather3A_1069 = tpu.vector_load_idx %arg11[%add3A_1068] : memref<2048xf32, #tpu.memory_space<vmem>>[vector<16xi32>], vector<16xf32>,
    %mul3A_1070 = arith.constant 32 : i32
    %mul3A_1071 = arith.muli %arg1, %mul3A_1070 : i32
    %add3A_1072 = vector.broadcast %mul3A_1071 : i32 to vector<16xi32>
    %add3A_1073 = arith.addi %add3A_1072, %add3A_1063 : vector<16xi32>
    %mul3A_1074 = arith.constant 2048 : i32
    %mul3A_1075 = vector.broadcast %mul3A_1074 : i32 to vector<16xi32>
    %mul3A_1076 = arith.muli %add3A_1073, %mul3A_1075 : vector<16xi32>
    %add3A_1077 = arith.addi %mul3A_1076, %add3A_1068 : vector<16xi32>
    %swap3A_1078 = arith.constant 4144 : index
    %swap3A_1079 = tpu.vector_load %arg15[%swap3A_1078] {strides = array<i32>} : memref<4224xi32, #tpu.memory_space<vmem>>, vector<16xi32>,
    tpu.vector_store %arg15[%swap3A_1078], %add3A_1077 {strides = array<i32>} : memref<4224xi32, #tpu.memory_space<vmem>>, vector<16xi32>,
    %swap3A_1080 = arith.constant 4144 : index
    %swap3A_1081 = tpu.vector_load %arg16[%swap3A_1080] {strides = array<i32>} : memref<4224xf32, #tpu.memory_space<vmem>>, vector<16xf32>,
    tpu.vector_store %arg16[%swap3A_1080], %broadcast_in_dim3A_0 {strides = array<i32>} : memref<4224xf32, #tpu.memory_space<vmem>>, vector<16xf32>,
    %add3A_1082 = arith.constant 0 : i32
    %add3A_1083 = vector.broadcast %add3A_1082 : i32 to vector<16xi32>
    %add3A_1084 = arith.addi %iota3A, %add3A_1083 : vector<16xi32>
    %mul3A_1085 = arith.constant 32 : i32
    %mul3A_1086 = arith.muli %arg1, %mul3A_1085 : i32
    %add3A_1087 = arith.addi %mul3A_991, %mul3A_1086 : i32
    %add3A_1088 = vector.broadcast %add3A_1087 : i32 to vector<16xi32>
    %add3A_1089 = arith.addi %add3A_1088, %add3A_1084 : vector<16xi32>
    %gather3A_1090 = tpu.vector_load_idx %arg11[%add3A_1089] : memref<2048xf32, #tpu.memory_space<vmem>>[vector<16xi32>], vector<16xf32>,
    %mul3A_1091 = arith.constant 32 : i32
    %mul3A_1092 = arith.muli %arg1, %mul3A_1091 : i32
    %add3A_1093 = vector.broadcast %mul3A_1092 : i32 to vector<16xi32>
    %add3A_1094 = arith.addi %add3A_1093, %add3A_1084 : vector<16xi32>
    %mul3A_1095 = arith.constant 2048 : i32
    %mul3A_1096 = vector.broadcast %mul3A_1095 : i32 to vector<16xi32>
    %mul3A_1097 = arith.muli %add3A_1094, %mul3A_1096 : vector<16xi32>
    %add3A_1098 = arith.addi %mul3A_1097, %add3A_1089 : vector<16xi32>
    %swap3A_1099 = arith.constant 4160 : index
    %swap3A_1100 = tpu.vector_load %arg15[%swap3A_1099] {strides = array<i32>} : memref<4224xi32, #tpu.memory_space<vmem>>, vector<16xi32>,
    tpu.vector_store %arg15[%swap3A_1099], %add3A_1098 {strides = array<i32>} : memref<4224xi32, #tpu.memory_space<vmem>>, vector<16xi32>,
    %swap3A_1101 = arith.constant 4160 : index
    %swap3A_1102 = tpu.vector_load %arg16[%swap3A_1101] {strides = array<i32>} : memref<4224xf32, #tpu.memory_space<vmem>>, vector<16xf32>,
    tpu.vector_store %arg16[%swap3A_1101], %broadcast_in_dim3A_0 {strides = array<i32>} : memref<4224xf32, #tpu.memory_space<vmem>>, vector<16xf32>,
    %add3A_1103 = arith.constant 16 : i32
    %add3A_1104 = vector.broadcast %add3A_1103 : i32 to vector<16xi32>
    %add3A_1105 = arith.addi %iota3A, %add3A_1104 : vector<16xi32>
    %mul3A_1106 = arith.constant 32 : i32
    %mul3A_1107 = arith.muli %arg1, %mul3A_1106 : i32
    %add3A_1108 = arith.addi %mul3A_991, %mul3A_1107 : i32
    %add3A_1109 = vector.broadcast %add3A_1108 : i32 to vector<16xi32>
    %add3A_1110 = arith.addi %add3A_1109, %add3A_1105 : vector<16xi32>
    %gather3A_1111 = tpu.vector_load_idx %arg11[%add3A_1110] : memref<2048xf32, #tpu.memory_space<vmem>>[vector<16xi32>], vector<16xf32>,
    %mul3A_1112 = arith.constant 32 : i32
    %mul3A_1113 = arith.muli %arg1, %mul3A_1112 : i32
    %add3A_1114 = vector.broadcast %mul3A_1113 : i32 to vector<16xi32>
    %add3A_1115 = arith.addi %add3A_1114, %add3A_1105 : vector<16xi32>
    %mul3A_1116 = arith.constant 2048 : i32
    %mul3A_1117 = vector.broadcast %mul3A_1116 : i32 to vector<16xi32>
    %mul3A_1118 = arith.muli %add3A_1115, %mul3A_1117 : vector<16xi32>
    %add3A_1119 = arith.addi %mul3A_1118, %add3A_1110 : vector<16xi32>
    %swap3A_1120 = arith.constant 4176 : index
    %swap3A_1121 = tpu.vector_load %arg15[%swap3A_1120] {strides = array<i32>} : memref<4224xi32, #tpu.memory_space<vmem>>, vector<16xi32>,
    tpu.vector_store %arg15[%swap3A_1120], %add3A_1119 {strides = array<i32>} : memref<4224xi32, #tpu.memory_space<vmem>>, vector<16xi32>,
    %swap3A_1122 = arith.constant 4176 : index
    %swap3A_1123 = tpu.vector_load %arg16[%swap3A_1122] {strides = array<i32>} : memref<4224xf32, #tpu.memory_space<vmem>>, vector<16xf32>,
    tpu.vector_store %arg16[%swap3A_1122], %broadcast_in_dim3A_0 {strides = array<i32>} : memref<4224xf32, #tpu.memory_space<vmem>>, vector<16xf32>,
    %add3A_1124 = arith.constant 0 : i32
    %add3A_1125 = vector.broadcast %add3A_1124 : i32 to vector<16xi32>
    %add3A_1126 = arith.addi %iota3A, %add3A_1125 : vector<16xi32>
    %mul3A_1127 = arith.constant 32 : i32
    %mul3A_1128 = arith.muli %arg1, %mul3A_1127 : i32
    %add3A_1129 = arith.addi %mul3A_991, %mul3A_1128 : i32
    %add3A_1130 = vector.broadcast %add3A_1129 : i32 to vector<16xi32>
    %add3A_1131 = arith.addi %add3A_1130, %add3A_1126 : vector<16xi32>
    %gather3A_1132 = tpu.vector_load_idx %arg11[%add3A_1131] : memref<2048xf32, #tpu.memory_space<vmem>>[vector<16xi32>], vector<16xf32>,
    %mul3A_1133 = arith.constant 32 : i32
    %mul3A_1134 = arith.muli %arg1, %mul3A_1133 : i32
    %add3A_1135 = vector.broadcast %mul3A_1134 : i32 to vector<16xi32>
    %add3A_1136 = arith.addi %add3A_1135, %add3A_1126 : vector<16xi32>
    %mul3A_1137 = arith.constant 2048 : i32
    %mul3A_1138 = vector.broadcast %mul3A_1137 : i32 to vector<16xi32>
    %mul3A_1139 = arith.muli %add3A_1136, %mul3A_1138 : vector<16xi32>
    %add3A_1140 = arith.addi %mul3A_1139, %add3A_1131 : vector<16xi32>
    %swap3A_1141 = arith.constant 4192 : index
    %swap3A_1142 = tpu.vector_load %arg15[%swap3A_1141] {strides = array<i32>} : memref<4224xi32, #tpu.memory_space<vmem>>, vector<16xi32>,
    tpu.vector_store %arg15[%swap3A_1141], %add3A_1140 {strides = array<i32>} : memref<4224xi32, #tpu.memory_space<vmem>>, vector<16xi32>,
    %swap3A_1143 = arith.constant 4192 : index
    %swap3A_1144 = tpu.vector_load %arg16[%swap3A_1143] {strides = array<i32>} : memref<4224xf32, #tpu.memory_space<vmem>>, vector<16xf32>,
    tpu.vector_store %arg16[%swap3A_1143], %broadcast_in_dim3A_0 {strides = array<i32>} : memref<4224xf32, #tpu.memory_space<vmem>>, vector<16xf32>,
    %add3A_1145 = arith.constant 16 : i32
    %add3A_1146 = vector.broadcast %add3A_1145 : i32 to vector<16xi32>
    %add3A_1147 = arith.addi %iota3A, %add3A_1146 : vector<16xi32>
    %mul3A_1148 = arith.constant 32 : i32
    %mul3A_1149 = arith.muli %arg1, %mul3A_1148 : i32
    %add3A_1150 = arith.addi %mul3A_991, %mul3A_1149 : i32
    %add3A_1151 = vector.broadcast %add3A_1150 : i32 to vector<16xi32>
    %add3A_1152 = arith.addi %add3A_1151, %add3A_1147 : vector<16xi32>
    %gather3A_1153 = tpu.vector_load_idx %arg11[%add3A_1152] : memref<2048xf32, #tpu.memory_space<vmem>>[vector<16xi32>], vector<16xf32>,
    %mul3A_1154 = arith.constant 32 : i32
    %mul3A_1155 = arith.muli %arg1, %mul3A_1154 : i32
    %add3A_1156 = vector.broadcast %mul3A_1155 : i32 to vector<16xi32>
    %add3A_1157 = arith.addi %add3A_1156, %add3A_1147 : vector<16xi32>
    %mul3A_1158 = arith.constant 2048 : i32
    %mul3A_1159 = vector.broadcast %mul3A_1158 : i32 to vector<16xi32>
    %mul3A_1160 = arith.muli %add3A_1157, %mul3A_1159 : vector<16xi32>
    %add3A_1161 = arith.addi %mul3A_1160, %add3A_1152 : vector<16xi32>
    %swap3A_1162 = arith.constant 4208 : index
    %swap3A_1163 = tpu.vector_load %arg15[%swap3A_1162] {strides = array<i32>} : memref<4224xi32, #tpu.memory_space<vmem>>, vector<16xi32>,
    tpu.vector_store %arg15[%swap3A_1162], %add3A_1161 {strides = array<i32>} : memref<4224xi32, #tpu.memory_space<vmem>>, vector<16xi32>,
    %swap3A_1164 = arith.constant 4208 : index
    %swap3A_1165 = tpu.vector_load %arg16[%swap3A_1164] {strides = array<i32>} : memref<4224xf32, #tpu.memory_space<vmem>>, vector<16xf32>,
    tpu.vector_store %arg16[%swap3A_1164], %broadcast_in_dim3A_0 {strides = array<i32>} : memref<4224xf32, #tpu.memory_space<vmem>>, vector<16xf32>,
    "tpu.trace_start"() <{level = 10 : i32, message = "ph_gen"}> : () -> ()
    %scan3A_1166 = arith.constant 0 : i32
    %scan3A_1167 = arith.constant 128 : i32
    %scan3A_1168 = arith.addi %scan3A_1166, %scan3A_1167 : i32
    %scan3A_1169 = arith.constant 1 : i32
    scf.for %scan3A_1379 = %scan3A_1166 to %scan3A_1168 step %scan3A_1169  : i32 {
      %mul3A_1380 = arith.constant 1 : i32
      %mul3A_1381 = arith.muli %scan3A_1379, %mul3A_1380 : i32
      %add3A_1382 = arith.constant 0 : i32
      %add3A_1383 = arith.addi %add3A_1382, %mul3A_1381 : i32
      %mul3A_1384 = arith.constant 16 : i32
      %mul3A_1385 = arith.muli %add3A_1383, %mul3A_1384 : i32
      %get3A_1386 = arith.index_cast %mul3A_1385 : i32 to index
      %get3A_1387 = tpu.vector_load %arg7[%get3A_1386] {strides = array<i32>} : memref<2048xi32, #tpu.memory_space<vmem>>, vector<16xi32>,
      %get3A_1388 = arith.index_cast %mul3A_1385 : i32 to index
      %get3A_1389 = tpu.vector_load %arg8[%get3A_1388] {strides = array<i32>} : memref<2048xi32, #tpu.memory_space<vmem>>, vector<16xi32>,
      %get3A_1390 = arith.index_cast %mul3A_1385 : i32 to index
      %get3A_1391 = tpu.vector_load %arg9[%get3A_1390] {strides = array<i32>} : memref<2048xf32, #tpu.memory_space<vmem>>, vector<16xf32>,
      %eq3A = arith.constant 0.000000e+00 : f32
      %eq3A_1392 = vector.broadcast %eq3A : f32 to vector<16xf32>
      %eq3A_1393 = arith.cmpf oeq, %get3A_1391, %eq3A_1392 : vector<16xf32>
      %add3A_1394 = arith.constant 1.000000e+00 : f32
      %add3A_1395 = vector.broadcast %add3A_1394 : f32 to vector<16xf32>
      %add3A_1396 = arith.addf %add3A_1395, %get3A_1391 : vector<16xf32>
      %gather3A_1397 = tpu.vector_load_idx %arg11[%get3A_1387] : memref<2048xf32, #tpu.memory_space<vmem>>[vector<16xi32>], vector<16xf32>,
      %gather3A_1398 = tpu.vector_load_idx %arg11[%get3A_1389] : memref<2048xf32, #tpu.memory_space<vmem>>[vector<16xi32>], vector<16xf32>,
      %mul3A_1399 = arith.mulf %gather3A_1397, %gather3A_1398 : vector<16xf32>
      %select_n3A = arith.select %eq3A_1393, %get3A_1387, %get3A_1389 : vector<16xi1>, vector<16xi32>
      %neg3A_1400 = arith.constant 0.000000e+00 : f32
      %neg3A_1401 = vector.broadcast %neg3A_1400 : f32 to vector<16xf32>
      %neg3A_1402 = arith.subf %neg3A_1401, %add3A_1396 : vector<16xf32>
      %mul3A_1403 = arith.mulf %gather3A_1397, %gather3A_1397 : vector<16xf32>
      %select_n3A_1404 = arith.select %eq3A_1393, %mul3A_1403, %mul3A_1399 : vector<16xi1>, vector<16xf32>
      %mul3A_1405 = arith.mulf %neg3A_1402, %select_n3A_1404 : vector<16xf32>
      %select_n3A_1406 = arith.select %eq3A_1393, %get3A_1389, %get3A_1387 : vector<16xi1>, vector<16xi32>
      %neg3A_1407 = arith.constant 0.000000e+00 : f32
      %neg3A_1408 = vector.broadcast %neg3A_1407 : f32 to vector<16xf32>
      %neg3A_1409 = arith.subf %neg3A_1408, %add3A_1396 : vector<16xf32>
      %mul3A_1410 = arith.mulf %gather3A_1398, %gather3A_1398 : vector<16xf32>
      %select_n3A_1411 = arith.select %eq3A_1393, %mul3A_1410, %mul3A_1399 : vector<16xi1>, vector<16xf32>
      %mul3A_1412 = arith.mulf %neg3A_1409, %select_n3A_1411 : vector<16xf32>
      %shift_right_logical3A_1413 = arith.constant 9 : i32
      %shift_right_logical3A_1414 = vector.broadcast %shift_right_logical3A_1413 : i32 to vector<16xi32>
      %shift_right_logical3A_1415 = arith.shrui %get3A_1387, %shift_right_logical3A_1414 : vector<16xi32>
      %eq3A_1416 = vector.broadcast %add3A_989 : i32 to vector<16xi32>
      %eq3A_1417 = arith.cmpi eq, %shift_right_logical3A_1415, %eq3A_1416 : vector<16xi32>
      %mul3A_1418 = arith.constant 16 : i32
      %mul3A_1419 = arith.muli %add3A_1383, %mul3A_1418 : i32
      %add3A_1420 = vector.broadcast %mul3A_1419 : i32 to vector<16xi32>
      %add3A_1421 = arith.addi %iota3A, %add3A_1420 : vector<16xi32>
      %add3A_1422 = arith.constant 0 : i32
      %add3A_1423 = vector.broadcast %add3A_1422 : i32 to vector<16xi32>
      %add3A_1424 = arith.addi %add3A_1421, %add3A_1423 : vector<16xi32>
      %sub3A_1425 = vector.broadcast %mul3A_991 : i32 to vector<16xi32>
      %sub3A_1426 = arith.subi %get3A_1387, %sub3A_1425 : vector<16xi32>
      %mul3A_1427 = arith.constant 2048 : i32
      %mul3A_1428 = vector.broadcast %mul3A_1427 : i32 to vector<16xi32>
      %mul3A_1429 = arith.muli %sub3A_1426, %mul3A_1428 : vector<16xi32>
      %add3A_1430 = arith.addi %mul3A_1429, %select_n3A : vector<16xi32>
      %mul3A_1431 = arith.constant 1024 : i32
      %mul3A_1432 = arith.muli %arg1, %mul3A_1431 : i32
      %add3A_1433 = arith.constant 1048576 : i32
      %add3A_1434 = arith.addi %add3A_1433, %mul3A_1432 : i32
      %and3A = arith.constant 1023 : i32
      %and3A_1435 = vector.broadcast %and3A : i32 to vector<16xi32>
      %and3A_1436 = arith.andi %add3A_1424, %and3A_1435 : vector<16xi32>
      %add3A_1437 = vector.broadcast %add3A_1434 : i32 to vector<16xi32>
      %add3A_1438 = arith.addi %add3A_1437, %and3A_1436 : vector<16xi32>
      %select_n3A_1439 = arith.select %eq3A_1417, %add3A_1430, %add3A_1438 : vector<16xi1>, vector<16xi32>
      %mul3A_1440 = arith.constant 16 : i32
      %mul3A_1441 = arith.muli %add3A_1383, %mul3A_1440 : i32
      %add3A_1442 = arith.constant 0 : i32
      %add3A_1443 = arith.addi %add3A_1442, %mul3A_1441 : i32
      %swap3A_1444 = arith.index_cast %add3A_1443 : i32 to index
      %swap3A_1445 = tpu.vector_load %arg15[%swap3A_1444] {strides = array<i32>} : memref<4224xi32, #tpu.memory_space<vmem>>, vector<16xi32>,
      tpu.vector_store %arg15[%swap3A_1444], %select_n3A_1439 {strides = array<i32>} : memref<4224xi32, #tpu.memory_space<vmem>>, vector<16xi32>,
      %swap3A_1446 = arith.index_cast %add3A_1443 : i32 to index
      %swap3A_1447 = tpu.vector_load %arg16[%swap3A_1446] {strides = array<i32>} : memref<4224xf32, #tpu.memory_space<vmem>>, vector<16xf32>,
      tpu.vector_store %arg16[%swap3A_1446], %mul3A_1405 {strides = array<i32>} : memref<4224xf32, #tpu.memory_space<vmem>>, vector<16xf32>,
      %shift_right_logical3A_1448 = arith.constant 9 : i32
      %shift_right_logical3A_1449 = vector.broadcast %shift_right_logical3A_1448 : i32 to vector<16xi32>
      %shift_right_logical3A_1450 = arith.shrui %get3A_1389, %shift_right_logical3A_1449 : vector<16xi32>
      %eq3A_1451 = vector.broadcast %add3A_989 : i32 to vector<16xi32>
      %eq3A_1452 = arith.cmpi eq, %shift_right_logical3A_1450, %eq3A_1451 : vector<16xi32>
      %mul3A_1453 = arith.constant 16 : i32
      %mul3A_1454 = arith.muli %add3A_1383, %mul3A_1453 : i32
      %add3A_1455 = vector.broadcast %mul3A_1454 : i32 to vector<16xi32>
      %add3A_1456 = arith.addi %iota3A, %add3A_1455 : vector<16xi32>
      %add3A_1457 = arith.constant 2048 : i32
      %add3A_1458 = vector.broadcast %add3A_1457 : i32 to vector<16xi32>
      %add3A_1459 = arith.addi %add3A_1456, %add3A_1458 : vector<16xi32>
      %sub3A_1460 = vector.broadcast %mul3A_991 : i32 to vector<16xi32>
      %sub3A_1461 = arith.subi %get3A_1389, %sub3A_1460 : vector<16xi32>
      %mul3A_1462 = arith.constant 2048 : i32
      %mul3A_1463 = vector.broadcast %mul3A_1462 : i32 to vector<16xi32>
      %mul3A_1464 = arith.muli %sub3A_1461, %mul3A_1463 : vector<16xi32>
      %add3A_1465 = arith.addi %mul3A_1464, %select_n3A_1406 : vector<16xi32>
      %mul3A_1466 = arith.constant 1024 : i32
      %mul3A_1467 = arith.muli %arg1, %mul3A_1466 : i32
      %add3A_1468 = arith.constant 1048576 : i32
      %add3A_1469 = arith.addi %add3A_1468, %mul3A_1467 : i32
      %and3A_1470 = arith.constant 1023 : i32
      %and3A_1471 = vector.broadcast %and3A_1470 : i32 to vector<16xi32>
      %and3A_1472 = arith.andi %add3A_1459, %and3A_1471 : vector<16xi32>
      %add3A_1473 = vector.broadcast %add3A_1469 : i32 to vector<16xi32>
      %add3A_1474 = arith.addi %add3A_1473, %and3A_1472 : vector<16xi32>
      %select_n3A_1475 = arith.select %eq3A_1452, %add3A_1465, %add3A_1474 : vector<16xi1>, vector<16xi32>
      %mul3A_1476 = arith.constant 16 : i32
      %mul3A_1477 = arith.muli %add3A_1383, %mul3A_1476 : i32
      %add3A_1478 = arith.constant 2048 : i32
      %add3A_1479 = arith.addi %add3A_1478, %mul3A_1477 : i32
      %swap3A_1480 = arith.index_cast %add3A_1479 : i32 to index
      %swap3A_1481 = tpu.vector_load %arg15[%swap3A_1480] {strides = array<i32>} : memref<4224xi32, #tpu.memory_space<vmem>>, vector<16xi32>,
      tpu.vector_store %arg15[%swap3A_1480], %select_n3A_1475 {strides = array<i32>} : memref<4224xi32, #tpu.memory_space<vmem>>, vector<16xi32>,
      %swap3A_1482 = arith.index_cast %add3A_1479 : i32 to index
      %swap3A_1483 = tpu.vector_load %arg16[%swap3A_1482] {strides = array<i32>} : memref<4224xf32, #tpu.memory_space<vmem>>, vector<16xf32>,
      tpu.vector_store %arg16[%swap3A_1482], %mul3A_1412 {strides = array<i32>} : memref<4224xf32, #tpu.memory_space<vmem>>, vector<16xf32>,
    }
    %scan3A_1170 = arith.constant 128 : i32
    "tpu.trace_stop"() : () -> ()
    %mul3A_1171 = arith.constant 2 : i32
    %mul3A_1172 = arith.muli %arg0, %mul3A_1171 : i32
    %add3A_1173 = arith.constant 1 : i32
    %add3A_1174 = arith.addi %mul3A_1172, %add3A_1173 : i32
    %mul3A_1175 = arith.constant 512 : i32
    %mul3A_1176 = arith.muli %add3A_1174, %mul3A_1175 : i32
    %add3A_1177 = arith.constant 0 : i32
    %add3A_1178 = vector.broadcast %add3A_1177 : i32 to vector<16xi32>
    %add3A_1179 = arith.addi %iota3A, %add3A_1178 : vector<16xi32>
    %mul3A_1180 = arith.constant 32 : i32
    %mul3A_1181 = arith.muli %arg1, %mul3A_1180 : i32
    %add3A_1182 = arith.addi %mul3A_1176, %mul3A_1181 : i32
    %add3A_1183 = vector.broadcast %add3A_1182 : i32 to vector<16xi32>
    %add3A_1184 = arith.addi %add3A_1183, %add3A_1179 : vector<16xi32>
    %gather3A_1185 = tpu.vector_load_idx %arg11[%add3A_1184] : memref<2048xf32, #tpu.memory_space<vmem>>[vector<16xi32>], vector<16xf32>,
    %neg3A_1186 = arith.constant 0.000000e+00 : f32
    %neg3A_1187 = vector.broadcast %neg3A_1186 : f32 to vector<16xf32>
    %neg3A_1188 = arith.subf %neg3A_1187, %gather3A_1185 : vector<16xf32>
    %mul3A_1189 = arith.mulf %neg3A_1188, %gather3A_1185 : vector<16xf32>
    %mul3A_1190 = arith.constant 32 : i32
    %mul3A_1191 = arith.muli %arg1, %mul3A_1190 : i32
    %add3A_1192 = vector.broadcast %mul3A_1191 : i32 to vector<16xi32>
    %add3A_1193 = arith.addi %add3A_1192, %add3A_1179 : vector<16xi32>
    %mul3A_1194 = arith.constant 2048 : i32
    %mul3A_1195 = vector.broadcast %mul3A_1194 : i32 to vector<16xi32>
    %mul3A_1196 = arith.muli %add3A_1193, %mul3A_1195 : vector<16xi32>
    %add3A_1197 = arith.addi %mul3A_1196, %add3A_1184 : vector<16xi32>
    %swap3A_1198 = arith.constant 4096 : index
    %swap3A_1199 = tpu.vector_load %arg17[%swap3A_1198] {strides = array<i32>} : memref<4224xi32, #tpu.memory_space<vmem>>, vector<16xi32>,
    tpu.vector_store %arg17[%swap3A_1198], %add3A_1197 {strides = array<i32>} : memref<4224xi32, #tpu.memory_space<vmem>>, vector<16xi32>,
    %swap3A_1200 = arith.constant 4096 : index
    %swap3A_1201 = tpu.vector_load %arg18[%swap3A_1200] {strides = array<i32>} : memref<4224xf32, #tpu.memory_space<vmem>>, vector<16xf32>,
    tpu.vector_store %arg18[%swap3A_1200], %mul3A_1189 {strides = array<i32>} : memref<4224xf32, #tpu.memory_space<vmem>>, vector<16xf32>,
    %add3A_1202 = arith.constant 16 : i32
    %add3A_1203 = vector.broadcast %add3A_1202 : i32 to vector<16xi32>
    %add3A_1204 = arith.addi %iota3A, %add3A_1203 : vector<16xi32>
    %mul3A_1205 = arith.constant 32 : i32
    %mul3A_1206 = arith.muli %arg1, %mul3A_1205 : i32
    %add3A_1207 = arith.addi %mul3A_1176, %mul3A_1206 : i32
    %add3A_1208 = vector.broadcast %add3A_1207 : i32 to vector<16xi32>
    %add3A_1209 = arith.addi %add3A_1208, %add3A_1204 : vector<16xi32>
    %gather3A_1210 = tpu.vector_load_idx %arg11[%add3A_1209] : memref<2048xf32, #tpu.memory_space<vmem>>[vector<16xi32>], vector<16xf32>,
    %neg3A_1211 = arith.constant 0.000000e+00 : f32
    %neg3A_1212 = vector.broadcast %neg3A_1211 : f32 to vector<16xf32>
    %neg3A_1213 = arith.subf %neg3A_1212, %gather3A_1210 : vector<16xf32>
    %mul3A_1214 = arith.mulf %neg3A_1213, %gather3A_1210 : vector<16xf32>
    %mul3A_1215 = arith.constant 32 : i32
    %mul3A_1216 = arith.muli %arg1, %mul3A_1215 : i32
    %add3A_1217 = vector.broadcast %mul3A_1216 : i32 to vector<16xi32>
    %add3A_1218 = arith.addi %add3A_1217, %add3A_1204 : vector<16xi32>
    %mul3A_1219 = arith.constant 2048 : i32
    %mul3A_1220 = vector.broadcast %mul3A_1219 : i32 to vector<16xi32>
    %mul3A_1221 = arith.muli %add3A_1218, %mul3A_1220 : vector<16xi32>
    %add3A_1222 = arith.addi %mul3A_1221, %add3A_1209 : vector<16xi32>
    %swap3A_1223 = arith.constant 4112 : index
    %swap3A_1224 = tpu.vector_load %arg17[%swap3A_1223] {strides = array<i32>} : memref<4224xi32, #tpu.memory_space<vmem>>, vector<16xi32>,
    tpu.vector_store %arg17[%swap3A_1223], %add3A_1222 {strides = array<i32>} : memref<4224xi32, #tpu.memory_space<vmem>>, vector<16xi32>,
    %swap3A_1225 = arith.constant 4112 : index
    %swap3A_1226 = tpu.vector_load %arg18[%swap3A_1225] {strides = array<i32>} : memref<4224xf32, #tpu.memory_space<vmem>>, vector<16xf32>,
    tpu.vector_store %arg18[%swap3A_1225], %mul3A_1214 {strides = array<i32>} : memref<4224xf32, #tpu.memory_space<vmem>>, vector<16xf32>,
    %add3A_1227 = arith.constant 0 : i32
    %add3A_1228 = vector.broadcast %add3A_1227 : i32 to vector<16xi32>
    %add3A_1229 = arith.addi %iota3A, %add3A_1228 : vector<16xi32>
    %mul3A_1230 = arith.constant 32 : i32
    %mul3A_1231 = arith.muli %arg1, %mul3A_1230 : i32
    %add3A_1232 = arith.addi %mul3A_1176, %mul3A_1231 : i32
    %add3A_1233 = vector.broadcast %add3A_1232 : i32 to vector<16xi32>
    %add3A_1234 = arith.addi %add3A_1233, %add3A_1229 : vector<16xi32>
    %gather3A_1235 = tpu.vector_load_idx %arg11[%add3A_1234] : memref<2048xf32, #tpu.memory_space<vmem>>[vector<16xi32>], vector<16xf32>,
    %mul3A_1236 = arith.constant 32 : i32
    %mul3A_1237 = arith.muli %arg1, %mul3A_1236 : i32
    %add3A_1238 = vector.broadcast %mul3A_1237 : i32 to vector<16xi32>
    %add3A_1239 = arith.addi %add3A_1238, %add3A_1229 : vector<16xi32>
    %mul3A_1240 = arith.constant 2048 : i32
    %mul3A_1241 = vector.broadcast %mul3A_1240 : i32 to vector<16xi32>
    %mul3A_1242 = arith.muli %add3A_1239, %mul3A_1241 : vector<16xi32>
    %add3A_1243 = arith.addi %mul3A_1242, %add3A_1234 : vector<16xi32>
    %swap3A_1244 = arith.constant 4128 : index
    %swap3A_1245 = tpu.vector_load %arg17[%swap3A_1244] {strides = array<i32>} : memref<4224xi32, #tpu.memory_space<vmem>>, vector<16xi32>,
    tpu.vector_store %arg17[%swap3A_1244], %add3A_1243 {strides = array<i32>} : memref<4224xi32, #tpu.memory_space<vmem>>, vector<16xi32>,
    %swap3A_1246 = arith.constant 4128 : index
    %swap3A_1247 = tpu.vector_load %arg18[%swap3A_1246] {strides = array<i32>} : memref<4224xf32, #tpu.memory_space<vmem>>, vector<16xf32>,
    tpu.vector_store %arg18[%swap3A_1246], %broadcast_in_dim3A_0 {strides = array<i32>} : memref<4224xf32, #tpu.memory_space<vmem>>, vector<16xf32>,
    %add3A_1248 = arith.constant 16 : i32
    %add3A_1249 = vector.broadcast %add3A_1248 : i32 to vector<16xi32>
    %add3A_1250 = arith.addi %iota3A, %add3A_1249 : vector<16xi32>
    %mul3A_1251 = arith.constant 32 : i32
    %mul3A_1252 = arith.muli %arg1, %mul3A_1251 : i32
    %add3A_1253 = arith.addi %mul3A_1176, %mul3A_1252 : i32
    %add3A_1254 = vector.broadcast %add3A_1253 : i32 to vector<16xi32>
    %add3A_1255 = arith.addi %add3A_1254, %add3A_1250 : vector<16xi32>
    %gather3A_1256 = tpu.vector_load_idx %arg11[%add3A_1255] : memref<2048xf32, #tpu.memory_space<vmem>>[vector<16xi32>], vector<16xf32>,
    %mul3A_1257 = arith.constant 32 : i32
    %mul3A_1258 = arith.muli %arg1, %mul3A_1257 : i32
    %add3A_1259 = vector.broadcast %mul3A_1258 : i32 to vector<16xi32>
    %add3A_1260 = arith.addi %add3A_1259, %add3A_1250 : vector<16xi32>
    %mul3A_1261 = arith.constant 2048 : i32
    %mul3A_1262 = vector.broadcast %mul3A_1261 : i32 to vector<16xi32>
    %mul3A_1263 = arith.muli %add3A_1260, %mul3A_1262 : vector<16xi32>
    %add3A_1264 = arith.addi %mul3A_1263, %add3A_1255 : vector<16xi32>
    %swap3A_1265 = arith.constant 4144 : index
    %swap3A_1266 = tpu.vector_load %arg17[%swap3A_1265] {strides = array<i32>} : memref<4224xi32, #tpu.memory_space<vmem>>, vector<16xi32>,
    tpu.vector_store %arg17[%swap3A_1265], %add3A_1264 {strides = array<i32>} : memref<4224xi32, #tpu.memory_space<vmem>>, vector<16xi32>,
    %swap3A_1267 = arith.constant 4144 : index
    %swap3A_1268 = tpu.vector_load %arg18[%swap3A_1267] {strides = array<i32>} : memref<4224xf32, #tpu.memory_space<vmem>>, vector<16xf32>,
    tpu.vector_store %arg18[%swap3A_1267], %broadcast_in_dim3A_0 {strides = array<i32>} : memref<4224xf32, #tpu.memory_space<vmem>>, vector<16xf32>,
    %add3A_1269 = arith.constant 0 : i32
    %add3A_1270 = vector.broadcast %add3A_1269 : i32 to vector<16xi32>
    %add3A_1271 = arith.addi %iota3A, %add3A_1270 : vector<16xi32>
    %mul3A_1272 = arith.constant 32 : i32
    %mul3A_1273 = arith.muli %arg1, %mul3A_1272 : i32
    %add3A_1274 = arith.addi %mul3A_1176, %mul3A_1273 : i32
    %add3A_1275 = vector.broadcast %add3A_1274 : i32 to vector<16xi32>
    %add3A_1276 = arith.addi %add3A_1275, %add3A_1271 : vector<16xi32>
    %gather3A_1277 = tpu.vector_load_idx %arg11[%add3A_1276] : memref<2048xf32, #tpu.memory_space<vmem>>[vector<16xi32>], vector<16xf32>,
    %mul3A_1278 = arith.constant 32 : i32
    %mul3A_1279 = arith.muli %arg1, %mul3A_1278 : i32
    %add3A_1280 = vector.broadcast %mul3A_1279 : i32 to vector<16xi32>
    %add3A_1281 = arith.addi %add3A_1280, %add3A_1271 : vector<16xi32>
    %mul3A_1282 = arith.constant 2048 : i32
    %mul3A_1283 = vector.broadcast %mul3A_1282 : i32 to vector<16xi32>
    %mul3A_1284 = arith.muli %add3A_1281, %mul3A_1283 : vector<16xi32>
    %add3A_1285 = arith.addi %mul3A_1284, %add3A_1276 : vector<16xi32>
    %swap3A_1286 = arith.constant 4160 : index
    %swap3A_1287 = tpu.vector_load %arg17[%swap3A_1286] {strides = array<i32>} : memref<4224xi32, #tpu.memory_space<vmem>>, vector<16xi32>,
    tpu.vector_store %arg17[%swap3A_1286], %add3A_1285 {strides = array<i32>} : memref<4224xi32, #tpu.memory_space<vmem>>, vector<16xi32>,
    %swap3A_1288 = arith.constant 4160 : index
    %swap3A_1289 = tpu.vector_load %arg18[%swap3A_1288] {strides = array<i32>} : memref<4224xf32, #tpu.memory_space<vmem>>, vector<16xf32>,
    tpu.vector_store %arg18[%swap3A_1288], %broadcast_in_dim3A_0 {strides = array<i32>} : memref<4224xf32, #tpu.memory_space<vmem>>, vector<16xf32>,
    %add3A_1290 = arith.constant 16 : i32
    %add3A_1291 = vector.broadcast %add3A_1290 : i32 to vector<16xi32>
    %add3A_1292 = arith.addi %iota3A, %add3A_1291 : vector<16xi32>
    %mul3A_1293 = arith.constant 32 : i32
    %mul3A_1294 = arith.muli %arg1, %mul3A_1293 : i32
    %add3A_1295 = arith.addi %mul3A_1176, %mul3A_1294 : i32
    %add3A_1296 = vector.broadcast %add3A_1295 : i32 to vector<16xi32>
    %add3A_1297 = arith.addi %add3A_1296, %add3A_1292 : vector<16xi32>
    %gather3A_1298 = tpu.vector_load_idx %arg11[%add3A_1297] : memref<2048xf32, #tpu.memory_space<vmem>>[vector<16xi32>], vector<16xf32>,
    %mul3A_1299 = arith.constant 32 : i32
    %mul3A_1300 = arith.muli %arg1, %mul3A_1299 : i32
    %add3A_1301 = vector.broadcast %mul3A_1300 : i32 to vector<16xi32>
    %add3A_1302 = arith.addi %add3A_1301, %add3A_1292 : vector<16xi32>
    %mul3A_1303 = arith.constant 2048 : i32
    %mul3A_1304 = vector.broadcast %mul3A_1303 : i32 to vector<16xi32>
    %mul3A_1305 = arith.muli %add3A_1302, %mul3A_1304 : vector<16xi32>
    %add3A_1306 = arith.addi %mul3A_1305, %add3A_1297 : vector<16xi32>
    %swap3A_1307 = arith.constant 4176 : index
    %swap3A_1308 = tpu.vector_load %arg17[%swap3A_1307] {strides = array<i32>} : memref<4224xi32, #tpu.memory_space<vmem>>, vector<16xi32>,
    tpu.vector_store %arg17[%swap3A_1307], %add3A_1306 {strides = array<i32>} : memref<4224xi32, #tpu.memory_space<vmem>>, vector<16xi32>,
    %swap3A_1309 = arith.constant 4176 : index
    %swap3A_1310 = tpu.vector_load %arg18[%swap3A_1309] {strides = array<i32>} : memref<4224xf32, #tpu.memory_space<vmem>>, vector<16xf32>,
    tpu.vector_store %arg18[%swap3A_1309], %broadcast_in_dim3A_0 {strides = array<i32>} : memref<4224xf32, #tpu.memory_space<vmem>>, vector<16xf32>,
    %add3A_1311 = arith.constant 0 : i32
    %add3A_1312 = vector.broadcast %add3A_1311 : i32 to vector<16xi32>
    %add3A_1313 = arith.addi %iota3A, %add3A_1312 : vector<16xi32>
    %mul3A_1314 = arith.constant 32 : i32
    %mul3A_1315 = arith.muli %arg1, %mul3A_1314 : i32
    %add3A_1316 = arith.addi %mul3A_1176, %mul3A_1315 : i32
    %add3A_1317 = vector.broadcast %add3A_1316 : i32 to vector<16xi32>
    %add3A_1318 = arith.addi %add3A_1317, %add3A_1313 : vector<16xi32>
    %gather3A_1319 = tpu.vector_load_idx %arg11[%add3A_1318] : memref<2048xf32, #tpu.memory_space<vmem>>[vector<16xi32>], vector<16xf32>,
    %mul3A_1320 = arith.constant 32 : i32
    %mul3A_1321 = arith.muli %arg1, %mul3A_1320 : i32
    %add3A_1322 = vector.broadcast %mul3A_1321 : i32 to vector<16xi32>
    %add3A_1323 = arith.addi %add3A_1322, %add3A_1313 : vector<16xi32>
    %mul3A_1324 = arith.constant 2048 : i32
    %mul3A_1325 = vector.broadcast %mul3A_1324 : i32 to vector<16xi32>
    %mul3A_1326 = arith.muli %add3A_1323, %mul3A_1325 : vector<16xi32>
    %add3A_1327 = arith.addi %mul3A_1326, %add3A_1318 : vector<16xi32>
    %swap3A_1328 = arith.constant 4192 : index
    %swap3A_1329 = tpu.vector_load %arg17[%swap3A_1328] {strides = array<i32>} : memref<4224xi32, #tpu.memory_space<vmem>>, vector<16xi32>,
    tpu.vector_store %arg17[%swap3A_1328], %add3A_1327 {strides = array<i32>} : memref<4224xi32, #tpu.memory_space<vmem>>, vector<16xi32>,
    %swap3A_1330 = arith.constant 4192 : index
    %swap3A_1331 = tpu.vector_load %arg18[%swap3A_1330] {strides = array<i32>} : memref<4224xf32, #tpu.memory_space<vmem>>, vector<16xf32>,
    tpu.vector_store %arg18[%swap3A_1330], %broadcast_in_dim3A_0 {strides = array<i32>} : memref<4224xf32, #tpu.memory_space<vmem>>, vector<16xf32>,
    %add3A_1332 = arith.constant 16 : i32
    %add3A_1333 = vector.broadcast %add3A_1332 : i32 to vector<16xi32>
    %add3A_1334 = arith.addi %iota3A, %add3A_1333 : vector<16xi32>
    %mul3A_1335 = arith.constant 32 : i32
    %mul3A_1336 = arith.muli %arg1, %mul3A_1335 : i32
    %add3A_1337 = arith.addi %mul3A_1176, %mul3A_1336 : i32
    %add3A_1338 = vector.broadcast %add3A_1337 : i32 to vector<16xi32>
    %add3A_1339 = arith.addi %add3A_1338, %add3A_1334 : vector<16xi32>
    %gather3A_1340 = tpu.vector_load_idx %arg11[%add3A_1339] : memref<2048xf32, #tpu.memory_space<vmem>>[vector<16xi32>], vector<16xf32>,
    %mul3A_1341 = arith.constant 32 : i32
    %mul3A_1342 = arith.muli %arg1, %mul3A_1341 : i32
    %add3A_1343 = vector.broadcast %mul3A_1342 : i32 to vector<16xi32>
    %add3A_1344 = arith.addi %add3A_1343, %add3A_1334 : vector<16xi32>
    %mul3A_1345 = arith.constant 2048 : i32
    %mul3A_1346 = vector.broadcast %mul3A_1345 : i32 to vector<16xi32>
    %mul3A_1347 = arith.muli %add3A_1344, %mul3A_1346 : vector<16xi32>
    %add3A_1348 = arith.addi %mul3A_1347, %add3A_1339 : vector<16xi32>
    %swap3A_1349 = arith.constant 4208 : index
    %swap3A_1350 = tpu.vector_load %arg17[%swap3A_1349] {strides = array<i32>} : memref<4224xi32, #tpu.memory_space<vmem>>, vector<16xi32>,
    tpu.vector_store %arg17[%swap3A_1349], %add3A_1348 {strides = array<i32>} : memref<4224xi32, #tpu.memory_space<vmem>>, vector<16xi32>,
    %swap3A_1351 = arith.constant 4208 : index
    %swap3A_1352 = tpu.vector_load %arg18[%swap3A_1351] {strides = array<i32>} : memref<4224xf32, #tpu.memory_space<vmem>>, vector<16xf32>,
    tpu.vector_store %arg18[%swap3A_1351], %broadcast_in_dim3A_0 {strides = array<i32>} : memref<4224xf32, #tpu.memory_space<vmem>>, vector<16xf32>,
    "tpu.trace_start"() <{level = 10 : i32, message = "ph_gen"}> : () -> ()
    %scan3A_1353 = arith.constant 0 : i32
    %scan3A_1354 = arith.constant 128 : i32
    %scan3A_1355 = arith.addi %scan3A_1353, %scan3A_1354 : i32
    %scan3A_1356 = arith.constant 1 : i32
    scf.for %scan3A_1379 = %scan3A_1353 to %scan3A_1355 step %scan3A_1356  : i32 {
      %mul3A_1380 = arith.constant 1 : i32
      %mul3A_1381 = arith.muli %scan3A_1379, %mul3A_1380 : i32
      %add3A_1382 = arith.constant 0 : i32
      %add3A_1383 = arith.addi %add3A_1382, %mul3A_1381 : i32
      %mul3A_1384 = arith.constant 16 : i32
      %mul3A_1385 = arith.muli %add3A_1383, %mul3A_1384 : i32
      %get3A_1386 = arith.index_cast %mul3A_1385 : i32 to index
      %get3A_1387 = tpu.vector_load %arg7[%get3A_1386] {strides = array<i32>} : memref<2048xi32, #tpu.memory_space<vmem>>, vector<16xi32>,
      %get3A_1388 = arith.index_cast %mul3A_1385 : i32 to index
      %get3A_1389 = tpu.vector_load %arg8[%get3A_1388] {strides = array<i32>} : memref<2048xi32, #tpu.memory_space<vmem>>, vector<16xi32>,
      %get3A_1390 = arith.index_cast %mul3A_1385 : i32 to index
      %get3A_1391 = tpu.vector_load %arg9[%get3A_1390] {strides = array<i32>} : memref<2048xf32, #tpu.memory_space<vmem>>, vector<16xf32>,
      %eq3A = arith.constant 0.000000e+00 : f32
      %eq3A_1392 = vector.broadcast %eq3A : f32 to vector<16xf32>
      %eq3A_1393 = arith.cmpf oeq, %get3A_1391, %eq3A_1392 : vector<16xf32>
      %add3A_1394 = arith.constant 1.000000e+00 : f32
      %add3A_1395 = vector.broadcast %add3A_1394 : f32 to vector<16xf32>
      %add3A_1396 = arith.addf %add3A_1395, %get3A_1391 : vector<16xf32>
      %gather3A_1397 = tpu.vector_load_idx %arg11[%get3A_1387] : memref<2048xf32, #tpu.memory_space<vmem>>[vector<16xi32>], vector<16xf32>,
      %gather3A_1398 = tpu.vector_load_idx %arg11[%get3A_1389] : memref<2048xf32, #tpu.memory_space<vmem>>[vector<16xi32>], vector<16xf32>,
      %mul3A_1399 = arith.mulf %gather3A_1397, %gather3A_1398 : vector<16xf32>
      %select_n3A = arith.select %eq3A_1393, %get3A_1387, %get3A_1389 : vector<16xi1>, vector<16xi32>
      %neg3A_1400 = arith.constant 0.000000e+00 : f32
      %neg3A_1401 = vector.broadcast %neg3A_1400 : f32 to vector<16xf32>
      %neg3A_1402 = arith.subf %neg3A_1401, %add3A_1396 : vector<16xf32>
      %mul3A_1403 = arith.mulf %gather3A_1397, %gather3A_1397 : vector<16xf32>
      %select_n3A_1404 = arith.select %eq3A_1393, %mul3A_1403, %mul3A_1399 : vector<16xi1>, vector<16xf32>
      %mul3A_1405 = arith.mulf %neg3A_1402, %select_n3A_1404 : vector<16xf32>
      %select_n3A_1406 = arith.select %eq3A_1393, %get3A_1389, %get3A_1387 : vector<16xi1>, vector<16xi32>
      %neg3A_1407 = arith.constant 0.000000e+00 : f32
      %neg3A_1408 = vector.broadcast %neg3A_1407 : f32 to vector<16xf32>
      %neg3A_1409 = arith.subf %neg3A_1408, %add3A_1396 : vector<16xf32>
      %mul3A_1410 = arith.mulf %gather3A_1398, %gather3A_1398 : vector<16xf32>
      %select_n3A_1411 = arith.select %eq3A_1393, %mul3A_1410, %mul3A_1399 : vector<16xi1>, vector<16xf32>
      %mul3A_1412 = arith.mulf %neg3A_1409, %select_n3A_1411 : vector<16xf32>
      %shift_right_logical3A_1413 = arith.constant 9 : i32
      %shift_right_logical3A_1414 = vector.broadcast %shift_right_logical3A_1413 : i32 to vector<16xi32>
      %shift_right_logical3A_1415 = arith.shrui %get3A_1387, %shift_right_logical3A_1414 : vector<16xi32>
      %eq3A_1416 = vector.broadcast %add3A_1174 : i32 to vector<16xi32>
      %eq3A_1417 = arith.cmpi eq, %shift_right_logical3A_1415, %eq3A_1416 : vector<16xi32>
      %mul3A_1418 = arith.constant 16 : i32
      %mul3A_1419 = arith.muli %add3A_1383, %mul3A_1418 : i32
      %add3A_1420 = vector.broadcast %mul3A_1419 : i32 to vector<16xi32>
      %add3A_1421 = arith.addi %iota3A, %add3A_1420 : vector<16xi32>
      %add3A_1422 = arith.constant 0 : i32
      %add3A_1423 = vector.broadcast %add3A_1422 : i32 to vector<16xi32>
      %add3A_1424 = arith.addi %add3A_1421, %add3A_1423 : vector<16xi32>
      %sub3A_1425 = vector.broadcast %mul3A_1176 : i32 to vector<16xi32>
      %sub3A_1426 = arith.subi %get3A_1387, %sub3A_1425 : vector<16xi32>
      %mul3A_1427 = arith.constant 2048 : i32
      %mul3A_1428 = vector.broadcast %mul3A_1427 : i32 to vector<16xi32>
      %mul3A_1429 = arith.muli %sub3A_1426, %mul3A_1428 : vector<16xi32>
      %add3A_1430 = arith.addi %mul3A_1429, %select_n3A : vector<16xi32>
      %mul3A_1431 = arith.constant 1024 : i32
      %mul3A_1432 = arith.muli %arg1, %mul3A_1431 : i32
      %add3A_1433 = arith.constant 1048576 : i32
      %add3A_1434 = arith.addi %add3A_1433, %mul3A_1432 : i32
      %and3A = arith.constant 1023 : i32
      %and3A_1435 = vector.broadcast %and3A : i32 to vector<16xi32>
      %and3A_1436 = arith.andi %add3A_1424, %and3A_1435 : vector<16xi32>
      %add3A_1437 = vector.broadcast %add3A_1434 : i32 to vector<16xi32>
      %add3A_1438 = arith.addi %add3A_1437, %and3A_1436 : vector<16xi32>
      %select_n3A_1439 = arith.select %eq3A_1417, %add3A_1430, %add3A_1438 : vector<16xi1>, vector<16xi32>
      %mul3A_1440 = arith.constant 16 : i32
      %mul3A_1441 = arith.muli %add3A_1383, %mul3A_1440 : i32
      %add3A_1442 = arith.constant 0 : i32
      %add3A_1443 = arith.addi %add3A_1442, %mul3A_1441 : i32
      %swap3A_1444 = arith.index_cast %add3A_1443 : i32 to index
      %swap3A_1445 = tpu.vector_load %arg17[%swap3A_1444] {strides = array<i32>} : memref<4224xi32, #tpu.memory_space<vmem>>, vector<16xi32>,
      tpu.vector_store %arg17[%swap3A_1444], %select_n3A_1439 {strides = array<i32>} : memref<4224xi32, #tpu.memory_space<vmem>>, vector<16xi32>,
      %swap3A_1446 = arith.index_cast %add3A_1443 : i32 to index
      %swap3A_1447 = tpu.vector_load %arg18[%swap3A_1446] {strides = array<i32>} : memref<4224xf32, #tpu.memory_space<vmem>>, vector<16xf32>,
      tpu.vector_store %arg18[%swap3A_1446], %mul3A_1405 {strides = array<i32>} : memref<4224xf32, #tpu.memory_space<vmem>>, vector<16xf32>,
      %shift_right_logical3A_1448 = arith.constant 9 : i32
      %shift_right_logical3A_1449 = vector.broadcast %shift_right_logical3A_1448 : i32 to vector<16xi32>
      %shift_right_logical3A_1450 = arith.shrui %get3A_1389, %shift_right_logical3A_1449 : vector<16xi32>
      %eq3A_1451 = vector.broadcast %add3A_1174 : i32 to vector<16xi32>
      %eq3A_1452 = arith.cmpi eq, %shift_right_logical3A_1450, %eq3A_1451 : vector<16xi32>
      %mul3A_1453 = arith.constant 16 : i32
      %mul3A_1454 = arith.muli %add3A_1383, %mul3A_1453 : i32
      %add3A_1455 = vector.broadcast %mul3A_1454 : i32 to vector<16xi32>
      %add3A_1456 = arith.addi %iota3A, %add3A_1455 : vector<16xi32>
      %add3A_1457 = arith.constant 2048 : i32
      %add3A_1458 = vector.broadcast %add3A_1457 : i32 to vector<16xi32>
      %add3A_1459 = arith.addi %add3A_1456, %add3A_1458 : vector<16xi32>
      %sub3A_1460 = vector.broadcast %mul3A_1176 : i32 to vector<16xi32>
      %sub3A_1461 = arith.subi %get3A_1389, %sub3A_1460 : vector<16xi32>
      %mul3A_1462 = arith.constant 2048 : i32
      %mul3A_1463 = vector.broadcast %mul3A_1462 : i32 to vector<16xi32>
      %mul3A_1464 = arith.muli %sub3A_1461, %mul3A_1463 : vector<16xi32>
      %add3A_1465 = arith.addi %mul3A_1464, %select_n3A_1406 : vector<16xi32>
      %mul3A_1466 = arith.constant 1024 : i32
      %mul3A_1467 = arith.muli %arg1, %mul3A_1466 : i32
      %add3A_1468 = arith.constant 1048576 : i32
      %add3A_1469 = arith.addi %add3A_1468, %mul3A_1467 : i32
      %and3A_1470 = arith.constant 1023 : i32
      %and3A_1471 = vector.broadcast %and3A_1470 : i32 to vector<16xi32>
      %and3A_1472 = arith.andi %add3A_1459, %and3A_1471 : vector<16xi32>
      %add3A_1473 = vector.broadcast %add3A_1469 : i32 to vector<16xi32>
      %add3A_1474 = arith.addi %add3A_1473, %and3A_1472 : vector<16xi32>
      %select_n3A_1475 = arith.select %eq3A_1452, %add3A_1465, %add3A_1474 : vector<16xi1>, vector<16xi32>
      %mul3A_1476 = arith.constant 16 : i32
      %mul3A_1477 = arith.muli %add3A_1383, %mul3A_1476 : i32
      %add3A_1478 = arith.constant 2048 : i32
      %add3A_1479 = arith.addi %add3A_1478, %mul3A_1477 : i32
      %swap3A_1480 = arith.index_cast %add3A_1479 : i32 to index
      %swap3A_1481 = tpu.vector_load %arg17[%swap3A_1480] {strides = array<i32>} : memref<4224xi32, #tpu.memory_space<vmem>>, vector<16xi32>,
      tpu.vector_store %arg17[%swap3A_1480], %select_n3A_1475 {strides = array<i32>} : memref<4224xi32, #tpu.memory_space<vmem>>, vector<16xi32>,
      %swap3A_1482 = arith.index_cast %add3A_1479 : i32 to index
      %swap3A_1483 = tpu.vector_load %arg18[%swap3A_1482] {strides = array<i32>} : memref<4224xf32, #tpu.memory_space<vmem>>, vector<16xf32>,
      tpu.vector_store %arg18[%swap3A_1482], %mul3A_1412 {strides = array<i32>} : memref<4224xf32, #tpu.memory_space<vmem>>, vector<16xf32>,
    }
    %scan3A_1357 = arith.constant 128 : i32
    "tpu.trace_stop"() : () -> ()
    "tpu.trace_start"() <{level = 10 : i32, message = "ph_spzero"}> : () -> ()
    %dma_wait3A = tpu.memref_slice %arg22[%mul3A_3] : memref<1064960xf32, #tpu.memory_space<vmem_shared>> -> memref<65536xf32, #tpu.memory_space<vmem_shared>>
    tpu.wait_dma2 semaphore(%arg23 : memref<!tpu.dma_semaphore, #tpu.memory_space<semaphore_mem>>) src(%arg5 : memref<65536xf32, #tpu.memory_space<hbm>>) dst(%dma_wait3A : memref<65536xf32, #tpu.memory_space<vmem_shared>>)
    %barrier3A_1358 = arith.constant 0 : index
    tpu.barrier barrier_id(%barrier3A_1358)
    "tpu.trace_stop"() : () -> ()
    "tpu.trace_start"() <{level = 10 : i32, message = "ph_spadd"}> : () -> ()
    "tpu.region"() ({
      %run_scoped3A_1379 = tpu.sem_alloc : memref<!tpu.dma_semaphore, #tpu.memory_space<semaphore_mem>>
      %dma_start3A_1380 = arith.constant 0 : i32
      %dma_start3A_1381 = tpu.memref_slice %arg22[%dma_start3A_1380] : memref<1064960xf32, #tpu.memory_space<vmem_shared>> -> memref<1064960xf32, #tpu.memory_space<vmem_shared>>
      tpu.enqueue_indirect_dma source(%arg16 : memref<4224xf32, #tpu.memory_space<vmem>>) target(%dma_start3A_1381 : memref<1064960xf32, #tpu.memory_space<vmem_shared>>) offsets(%arg15 : memref<4224xi32, #tpu.memory_space<vmem>>) semaphore(%run_scoped3A_1379 : memref<!tpu.dma_semaphore, #tpu.memory_space<semaphore_mem>>) {add = true}
      %dma_wait3A_1382 = arith.constant 0 : i32
      %dma_wait3A_1383 = tpu.memref_slice %arg22[%dma_wait3A_1382] : memref<1064960xf32, #tpu.memory_space<vmem_shared>> -> memref<1064960xf32, #tpu.memory_space<vmem_shared>>
      tpu.wait_indirect_dma semaphore(%run_scoped3A_1379 : memref<!tpu.dma_semaphore, #tpu.memory_space<semaphore_mem>>) src(%arg16 : memref<4224xf32, #tpu.memory_space<vmem>>) dst(%dma_wait3A_1383 : memref<1064960xf32, #tpu.memory_space<vmem_shared>>)
      tpu.yield
    }) : () -> ()
    %barrier3A_1359 = arith.constant 0 : index
    tpu.barrier barrier_id(%barrier3A_1359)
    "tpu.trace_stop"() : () -> ()
    "tpu.trace_start"() <{level = 10 : i32, message = "ph_out"}> : () -> ()
    %mul3A_1360 = arith.constant 2 : i32
    %mul3A_1361 = arith.muli %arg0, %mul3A_1360 : i32
    %mul3A_1362 = arith.constant 512 : i32
    %mul3A_1363 = arith.muli %mul3A_1361, %mul3A_1362 : i32
    %mul3A_1364 = arith.constant 2048 : i32
    %mul3A_1365 = arith.muli %mul3A_1363, %mul3A_1364 : i32
    %add3A_1366 = arith.addi %mul3A_1365, %mul3A_3 : i32
    "tpu.region"() ({
      %run_scoped3A_1379 = tpu.sem_alloc : memref<!tpu.dma_semaphore, #tpu.memory_space<semaphore_mem>>
      %dma_start3A_1380 = tpu.memref_slice %arg6[%add3A_1366] : memref<4194304xf32, #tpu.memory_space<hbm>> -> memref<65536xf32, #tpu.memory_space<hbm>>
      %dma_start3A_1381 = tpu.memref_slice %arg22[%mul3A_3] : memref<1064960xf32, #tpu.memory_space<vmem_shared>> -> memref<65536xf32, #tpu.memory_space<vmem_shared>>
      tpu.enqueue_dma source(%dma_start3A_1381 : memref<65536xf32, #tpu.memory_space<vmem_shared>>) target(%dma_start3A_1380 : memref<65536xf32, #tpu.memory_space<hbm>>) target_semaphore(%run_scoped3A_1379 : memref<!tpu.dma_semaphore, #tpu.memory_space<semaphore_mem>>)
      %dma_wait3A_1382 = tpu.memref_slice %arg6[%add3A_1366] : memref<4194304xf32, #tpu.memory_space<hbm>> -> memref<65536xf32, #tpu.memory_space<hbm>>
      %dma_wait3A_1383 = tpu.memref_slice %arg22[%mul3A_3] : memref<1064960xf32, #tpu.memory_space<vmem_shared>> -> memref<65536xf32, #tpu.memory_space<vmem_shared>>
      tpu.wait_dma2 semaphore(%run_scoped3A_1379 : memref<!tpu.dma_semaphore, #tpu.memory_space<semaphore_mem>>) src(%dma_wait3A_1383 : memref<65536xf32, #tpu.memory_space<vmem_shared>>) dst(%dma_wait3A_1382 : memref<65536xf32, #tpu.memory_space<hbm>>)
      tpu.yield
    }) : () -> ()
    %barrier3A_1367 = arith.constant 0 : index
    tpu.barrier barrier_id(%barrier3A_1367)
    "tpu.trace_stop"() : () -> ()
    "tpu.trace_start"() <{level = 10 : i32, message = "ph_spzero"}> : () -> ()
    "tpu.region"() ({
      %run_scoped3A_1379 = tpu.sem_alloc : memref<!tpu.dma_semaphore, #tpu.memory_space<semaphore_mem>>
      %dma_start3A_1380 = arith.constant 0 : i32
      %dma_start3A_1381 = tpu.memref_slice %arg22[%dma_start3A_1380] : memref<1064960xf32, #tpu.memory_space<vmem_shared>> -> memref<1064960xf32, #tpu.memory_space<vmem_shared>>
      tpu.enqueue_indirect_dma source(%arg19 : memref<4224xf32, #tpu.memory_space<vmem>>) target(%dma_start3A_1381 : memref<1064960xf32, #tpu.memory_space<vmem_shared>>) offsets(%arg15 : memref<4224xi32, #tpu.memory_space<vmem>>) semaphore(%run_scoped3A_1379 : memref<!tpu.dma_semaphore, #tpu.memory_space<semaphore_mem>>)
      %dma_wait3A_1382 = arith.constant 0 : i32
      %dma_wait3A_1383 = tpu.memref_slice %arg22[%dma_wait3A_1382] : memref<1064960xf32, #tpu.memory_space<vmem_shared>> -> memref<1064960xf32, #tpu.memory_space<vmem_shared>>
      tpu.wait_indirect_dma semaphore(%run_scoped3A_1379 : memref<!tpu.dma_semaphore, #tpu.memory_space<semaphore_mem>>) src(%arg19 : memref<4224xf32, #tpu.memory_space<vmem>>) dst(%dma_wait3A_1383 : memref<1064960xf32, #tpu.memory_space<vmem_shared>>)
      tpu.yield
    }) : () -> ()
    %barrier3A_1368 = arith.constant 0 : index
    tpu.barrier barrier_id(%barrier3A_1368)
    "tpu.trace_stop"() : () -> ()
    "tpu.trace_start"() <{level = 10 : i32, message = "ph_spadd"}> : () -> ()
    "tpu.region"() ({
      %run_scoped3A_1379 = tpu.sem_alloc : memref<!tpu.dma_semaphore, #tpu.memory_space<semaphore_mem>>
      %dma_start3A_1380 = arith.constant 0 : i32
      %dma_start3A_1381 = tpu.memref_slice %arg22[%dma_start3A_1380] : memref<1064960xf32, #tpu.memory_space<vmem_shared>> -> memref<1064960xf32, #tpu.memory_space<vmem_shared>>
      tpu.enqueue_indirect_dma source(%arg18 : memref<4224xf32, #tpu.memory_space<vmem>>) target(%dma_start3A_1381 : memref<1064960xf32, #tpu.memory_space<vmem_shared>>) offsets(%arg17 : memref<4224xi32, #tpu.memory_space<vmem>>) semaphore(%run_scoped3A_1379 : memref<!tpu.dma_semaphore, #tpu.memory_space<semaphore_mem>>) {add = true}
      %dma_wait3A_1382 = arith.constant 0 : i32
      %dma_wait3A_1383 = tpu.memref_slice %arg22[%dma_wait3A_1382] : memref<1064960xf32, #tpu.memory_space<vmem_shared>> -> memref<1064960xf32, #tpu.memory_space<vmem_shared>>
      tpu.wait_indirect_dma semaphore(%run_scoped3A_1379 : memref<!tpu.dma_semaphore, #tpu.memory_space<semaphore_mem>>) src(%arg18 : memref<4224xf32, #tpu.memory_space<vmem>>) dst(%dma_wait3A_1383 : memref<1064960xf32, #tpu.memory_space<vmem_shared>>)
      tpu.yield
    }) : () -> ()
    %barrier3A_1369 = arith.constant 0 : index
    tpu.barrier barrier_id(%barrier3A_1369)
    "tpu.trace_stop"() : () -> ()
    "tpu.trace_start"() <{level = 10 : i32, message = "ph_out"}> : () -> ()
    %mul3A_1370 = arith.constant 2 : i32
    %mul3A_1371 = arith.muli %arg0, %mul3A_1370 : i32
    %add3A_1372 = arith.constant 1 : i32
    %add3A_1373 = arith.addi %mul3A_1371, %add3A_1372 : i32
    %mul3A_1374 = arith.constant 512 : i32
    %mul3A_1375 = arith.muli %add3A_1373, %mul3A_1374 : i32
    %mul3A_1376 = arith.constant 2048 : i32
    %mul3A_1377 = arith.muli %mul3A_1375, %mul3A_1376 : i32
    %add3A_1378 = arith.addi %mul3A_1377, %mul3A_3 : i32
    "tpu.region"() ({
      %run_scoped3A_1379 = tpu.sem_alloc : memref<!tpu.dma_semaphore, #tpu.memory_space<semaphore_mem>>
      %dma_start3A_1380 = tpu.memref_slice %arg6[%add3A_1378] : memref<4194304xf32, #tpu.memory_space<hbm>> -> memref<65536xf32, #tpu.memory_space<hbm>>
      %dma_start3A_1381 = tpu.memref_slice %arg22[%mul3A_3] : memref<1064960xf32, #tpu.memory_space<vmem_shared>> -> memref<65536xf32, #tpu.memory_space<vmem_shared>>
      tpu.enqueue_dma source(%dma_start3A_1381 : memref<65536xf32, #tpu.memory_space<vmem_shared>>) target(%dma_start3A_1380 : memref<65536xf32, #tpu.memory_space<hbm>>) target_semaphore(%run_scoped3A_1379 : memref<!tpu.dma_semaphore, #tpu.memory_space<semaphore_mem>>)
      %dma_wait3A_1382 = tpu.memref_slice %arg6[%add3A_1378] : memref<4194304xf32, #tpu.memory_space<hbm>> -> memref<65536xf32, #tpu.memory_space<hbm>>
      %dma_wait3A_1383 = tpu.memref_slice %arg22[%mul3A_3] : memref<1064960xf32, #tpu.memory_space<vmem_shared>> -> memref<65536xf32, #tpu.memory_space<vmem_shared>>
      tpu.wait_dma2 semaphore(%run_scoped3A_1379 : memref<!tpu.dma_semaphore, #tpu.memory_space<semaphore_mem>>) src(%dma_wait3A_1383 : memref<65536xf32, #tpu.memory_space<vmem_shared>>) dst(%dma_wait3A_1382 : memref<65536xf32, #tpu.memory_space<hbm>>)
      tpu.yield
    }) : () -> ()
    "tpu.trace_stop"() : () -> ()
    return
  }
}

module attributes {stable_mosaic.version = 14 : i64} {
  func.func @_final_body(%arg0: i32, %arg1: memref<1048576xf32, #tpu.memory_space<vmem>>, %arg2: memref<2x2x512x2048xf32, #tpu.memory_space<vmem>>) attributes {dimension_semantics = [#tpu.dimension_semantics<arbitrary>], iteration_bounds = array<i64: 4>, scalar_prefetch = 0 : i64, scratch_operands = 0 : i64, tpu.core_type = #tpu.core_type<tc>, window_params = [{transform_indices = @transform_0, window_bounds = array<i64: 1048576>}, {transform_indices = @transform_1, window_bounds = array<i64: 2, 2, 512, 2048>}]} {
    %iota3A = tpu.iota {dimensions = array<i32: 0>} : vector<512x2048xi32>
    %mul3A = arith.constant 512 : i32
    %mul3A_0 = arith.muli %arg0, %mul3A : i32
    %add3A = vector.broadcast %mul3A_0 : i32 to vector<512x2048xi32>
    %add3A_1 = arith.addi %iota3A, %add3A : vector<512x2048xi32>
    %iota3A_2 = tpu.iota {dimensions = array<i32: 1>} : vector<512x2048xi32>
    %broadcast_in_dim3A = arith.constant 0.000000e+00 : f32
    %broadcast_in_dim3A_3 = vector.broadcast %broadcast_in_dim3A : f32 to vector<512x2048xf32>
    %eq3A = arith.cmpi eq, %add3A_1, %iota3A_2 : vector<512x2048xi32>
    %jit3A = arith.constant 1.000000e+00 : f32
    %jit3A_4 = arith.constant 0.000000e+00 : f32
    %broadcast_in_dim3A_5 = vector.broadcast %jit3A : f32 to vector<512x2048xf32>
    %broadcast_in_dim3A_6 = vector.broadcast %jit3A_4 : f32 to vector<512x2048xf32>
    %select_n3A = arith.select %eq3A, %broadcast_in_dim3A_5, %broadcast_in_dim3A_6 : vector<512x2048xi1>, vector<512x2048xf32>
    %swap3A = arith.constant 0 : index
    %swap3A_7 = arith.constant 0 : index
    %swap3A_8 = arith.constant 0 : index
    %swap3A_9 = arith.constant 0 : index
    %swap3A_10 = vector.load %arg2[%swap3A, %swap3A_7, %swap3A_8, %swap3A_9] : memref<2x2x512x2048xf32, #tpu.memory_space<vmem>>, vector<1x1x512x2048xf32>
    %swap3A_11 = vector.shape_cast %swap3A_10 : vector<1x1x512x2048xf32> to vector<512x2048xf32>
    %swap3A_12 = vector.shape_cast %select_n3A : vector<512x2048xf32> to vector<1x1x512x2048xf32>
    tpu.vector_store %arg2[%swap3A, %swap3A_7, %swap3A_8, %swap3A_9], %swap3A_12 {strides = array<i32>} : memref<2x2x512x2048xf32, #tpu.memory_space<vmem>>, vector<1x1x512x2048xf32>,
    %get3A = arith.constant 0 : index
    %get3A_13 = vector.load %arg1[%get3A] : memref<1048576xf32, #tpu.memory_space<vmem>>, vector<1048576xf32>
    %reshape3A = vector.shape_cast %get3A_13 : vector<1048576xf32> to vector<512x2048xf32>
    %swap3A_14 = arith.constant 0 : index
    %swap3A_15 = arith.constant 1 : index
    %swap3A_16 = arith.constant 0 : index
    %swap3A_17 = arith.constant 0 : index
    %swap3A_18 = vector.load %arg2[%swap3A_14, %swap3A_15, %swap3A_16, %swap3A_17] : memref<2x2x512x2048xf32, #tpu.memory_space<vmem>>, vector<1x1x512x2048xf32>
    %swap3A_19 = vector.shape_cast %swap3A_18 : vector<1x1x512x2048xf32> to vector<512x2048xf32>
    %swap3A_20 = vector.shape_cast %reshape3A : vector<512x2048xf32> to vector<1x1x512x2048xf32>
    tpu.vector_store %arg2[%swap3A_14, %swap3A_15, %swap3A_16, %swap3A_17], %swap3A_20 {strides = array<i32>} : memref<2x2x512x2048xf32, #tpu.memory_space<vmem>>, vector<1x1x512x2048xf32>,
    %swap3A_21 = arith.constant 1 : index
    %swap3A_22 = arith.constant 0 : index
    %swap3A_23 = arith.constant 0 : index
    %swap3A_24 = arith.constant 0 : index
    %swap3A_25 = vector.load %arg2[%swap3A_21, %swap3A_22, %swap3A_23, %swap3A_24] : memref<2x2x512x2048xf32, #tpu.memory_space<vmem>>, vector<1x1x512x2048xf32>
    %swap3A_26 = vector.shape_cast %swap3A_25 : vector<1x1x512x2048xf32> to vector<512x2048xf32>
    %swap3A_27 = vector.shape_cast %broadcast_in_dim3A_3 : vector<512x2048xf32> to vector<1x1x512x2048xf32>
    tpu.vector_store %arg2[%swap3A_21, %swap3A_22, %swap3A_23, %swap3A_24], %swap3A_27 {strides = array<i32>} : memref<2x2x512x2048xf32, #tpu.memory_space<vmem>>, vector<1x1x512x2048xf32>,
    %swap3A_28 = arith.constant 1 : index
    %swap3A_29 = arith.constant 1 : index
    %swap3A_30 = arith.constant 0 : index
    %swap3A_31 = arith.constant 0 : index
    %swap3A_32 = vector.load %arg2[%swap3A_28, %swap3A_29, %swap3A_30, %swap3A_31] : memref<2x2x512x2048xf32, #tpu.memory_space<vmem>>, vector<1x1x512x2048xf32>
    %swap3A_33 = vector.shape_cast %swap3A_32 : vector<1x1x512x2048xf32> to vector<512x2048xf32>
    %swap3A_34 = vector.shape_cast %broadcast_in_dim3A_3 : vector<512x2048xf32> to vector<1x1x512x2048xf32>
    tpu.vector_store %arg2[%swap3A_28, %swap3A_29, %swap3A_30, %swap3A_31], %swap3A_34 {strides = array<i32>} : memref<2x2x512x2048xf32, #tpu.memory_space<vmem>>, vector<1x1x512x2048xf32>,
    return
  }
  func.func @transform_0(%arg0: i32) -> i32 {
    %c0_i32 = arith.constant 0 : i32
    return %arg0 : i32
  }
  func.func @transform_1(%arg0: i32) -> (i32, i32, i32, i32) {
    %c0_i32 = arith.constant 0 : i32
    %c0_i32_0 = arith.constant 0 : i32
    %c0_i32_1 = arith.constant 0 : i32
    %c0_i32_2 = arith.constant 0 : i32
    return %c0_i32, %c0_i32_0, %arg0, %c0_i32_1 : i32, i32, i32, i32
  }
}

module attributes {stable_mosaic.version = 14 : i64} {
  func.func @_p_body(%arg0: memref<2048x512xf32, #tpu.memory_space<vmem>>, %arg1: memref<1x512xf32, #tpu.memory_space<vmem>>, %arg2: memref<1x1xf32, #tpu.memory_space<vmem>>, %arg3: memref<2048xf32, #tpu.memory_space<vmem>>) attributes {dimension_semantics = [], scalar_prefetch = 0 : i64, scratch_operands = 0 : i64, tpu.core_type = #tpu.core_type<tc>} {
    %get3A = arith.constant 0 : index
    %get3A_0 = arith.constant 0 : index
    %get3A_1 = vector.load %arg0[%get3A, %get3A_0] : memref<2048x512xf32, #tpu.memory_space<vmem>>, vector<2048x512xf32>
    %convert_element_type3A = arith.truncf %get3A_1 : vector<2048x512xf32> to vector<2048x512xbf16>
    %convert_element_type3A_2 = arith.extf %convert_element_type3A : vector<2048x512xbf16> to vector<2048x512xf32>
    %get3A_3 = arith.constant 0 : index
    %get3A_4 = arith.constant 0 : index
    %get3A_5 = vector.load %arg1[%get3A_3, %get3A_4] : memref<1x512xf32, #tpu.memory_space<vmem>>, vector<1x512xf32>
    %convert_element_type3A_6 = arith.truncf %get3A_5 : vector<1x512xf32> to vector<1x512xbf16>
    %convert_element_type3A_7 = arith.extf %convert_element_type3A_6 : vector<1x512xbf16> to vector<1x512xf32>
    %mul3A = vector.broadcast %convert_element_type3A_7 : vector<1x512xf32> to vector<2048x512xf32>
    %mul3A_8 = arith.mulf %convert_element_type3A_2, %mul3A : vector<2048x512xf32>
    %reduce_sum3A = arith.constant dense<0.000000e+00> : vector<2048xf32>
    %reduce_sum3A_9 = vector.multi_reduction <add>, %mul3A_8, %reduce_sum3A [1] : vector<2048x512xf32> to vector<2048xf32>
    %get3A_10 = arith.constant 0 : index
    %get3A_11 = arith.constant 0 : index
    %get3A_12 = vector.load %arg2[%get3A_10, %get3A_11] : memref<1x1xf32, #tpu.memory_space<vmem>>, vector<1x1xf32>
    %get3A_13 = vector.extract %get3A_12[0, 0] : f32 from vector<1x1xf32>
    %add3A = vector.broadcast %get3A_13 : f32 to vector<2048xf32>
    %add3A_14 = arith.addf %reduce_sum3A_9, %add3A : vector<2048xf32>
    %swap3A = arith.constant 0 : index
    %swap3A_15 = vector.load %arg3[%swap3A] : memref<2048xf32, #tpu.memory_space<vmem>>, vector<2048xf32>
    tpu.vector_store %arg3[%swap3A], %add3A_14 {strides = array<i32>} : memref<2048xf32, #tpu.memory_space<vmem>>, vector<2048xf32>,
    return
  }
}

</mosaic_0001>

<sc_bundles>
// kernel: kernel.5.cloned.1.call-start
scs
__scs_entry_jumppad:
0x0: {  	(pc) =	sbr.rel $0x88, $3  }
0x1: {  	(tag) =	ssettag $0x0;
	lr =	simm.s32 $0x1  }
0x2: {  	[smem:$0x3F9D] =	sst lr;
	_ =	strace $0xD0000000  }
0x3: {  	_ = 	snop  }
0x4: {  	_ = 	snop  }
0x5: {  	_ = 	snop  }
0x6: {  	_ = 	snop  }
0x7: {  	_ = 	snop  }
__scs_overlays_trampoline_lowered:
0x8: {  	[smem:$0x3FAC] =	sst s0  }
0x9: {  	[smem:$0x3FAD] =	sst s1  }
0xa: {  	[smem:$0x3FAE] =	sst s2  }
0xb: {  	[smem:$0x3FAF] =	sst s3  }
0xc: {  	[smem:$0x3FB0] =	sst s4  }
0xd: {  	[smem:$0x3FB1] =	sst s5  }
0xe: {  	[smem:$0x3FB2] =	sst s6  }
0xf: {  	[smem:$0x3FB3] =	sst s7  }
0x10: {  	[smem:$0x3FB4] =	sst s8  }
0x11: {  	[smem:$0x3FB5] =	sst s9;
	s0 =	simm.s32 @!p0 $0x0  }
0x12: {  	s1 =	sld [smem:$0x3F9B];
	s0 =	simm.s32 @p0 $0x1  }
0x13: {  	[smem:$0x3FB6] =	sst s0;
	s0 =	simm.s32 @!p1 $0x0  }
0x14: {  	s2 =	sld [smem:$0x3F9A];
	s0 =	simm.s32 @p1 $0x1  }
0x15: {  	[smem:$0x3FB7] =	sst s0;
	s0 =	simm.s32 @!p2 $0x0  }
0x16: {  	s3 =	sld [smem:$0x3FDB];
	s0 =	simm.s32 @p2 $0x1  }
0x17: {  	s4 =	simm.s32 $0x1BF5;
	[smem:$0x3FB9] =	sst s0  }
0x18: {  	s0 =	sld [smem:$0x3F9C];
	_ =	swait.ge [sflag:s4], $0x0  }
0x19: {  	s7 =	sld [smem:$0x3F9D]  }
0x1a: {  	s8 =	sadd.s32 $0xFFFFE003, lr  }
0x1b: {  	s9 =	sadd.s32 $0xFFFFFEF7, lr;
	s5 =	simm.s32 $0xFFFFFFFF;
	p2 =	slt.u32 s8, $0xFFFFF086  }
0x1c: {  	p1 =	slt.u32 s9, $0xF7A;
	s5 =	simm.s32 @!p2 $0x0  }
0x1d: {  	s5 =	simm.s32 @p1 $0x1;
	p0 =	seq.s32 s7, s2  }
0x1e: {  	s7 =	smul.u32 @!p0 $0xF7A, s2;
	p2 =	seq.s32 @!p0 s5, $0x0  }
0x1f: {  	s9 =	smul.u32 $0xF7A, s1;
	s8 =	simm.s32 @!p0 $0x1BF5;
	p2 =	por !p2, p0  }
0x20: {  	[sflag:s8] =	ssyncset.s32 @!p0 $0xFFFFF086;
	s6 =	sadd.s32 @!p0 s3, s7;
	s7 =	simm.s32 @!p0 $0x108  }
0x21: {  	s3 =	sadd.s32 s3, s9;
	s6 =	sadd.s32 @!p0 $0x88, s6;
	s7 =	simm.s32 @p2 $0x1082  }
0x22: {  	[simem:s7], [sflag:s8] =	dma.local @!p0 [hbm:s6], $0xF7A  }
0x23: {  	s9 =	sor.u32 $0xD0000000, s2;
	s6 =	simm.s32 $0x108;
	_ =	swait.ge @!p0 [sflag:s8], $0x0  }
0x24: {  	s3 =	sadd.s32 $0x88, s3;
	s6 =	simm.s32 @!p1 $0x1082;
	[sflag:s4] =	ssyncset.s32 $0xFFFFF086  }
0x25: {  	[simem:s6], [sflag:s4] =	dma.local [hbm:s3], $0xF7A  }
0x26: {  	[smem:$0x3F9D] =	sst s1;
	(tag) =	ssettag s2;
	_ =	strace s9  }
0x27: {  	s1 =	sld [smem:$0x3FAD]  }
0x28: {  	s2 =	sld [smem:$0x3FAE]  }
0x29: {  	s4 =	sld [smem:$0x3FB0]  }
0x2a: {  	p0 =	seq.s32 s5, $0x0;
	s5 =	sld [smem:$0x3FB1]  }
0x2b: {  	s6 =	sld [smem:$0x3FB2]  }
0x2c: {  	s7 =	sld [smem:$0x3FB3]  }
0x2d: {  	s3 =	simm.s32 $0x108;
	s8 =	sld [smem:$0x3FB4]  }
0x2e: {  	s3 =	simm.s32 @!p0 $0x1082;
	s9 =	sld [smem:$0x3FB5]  }
0x2f: {  	lr =	sadd.s32 s0, s3;
	s0 =	sld [smem:$0x3FAC]  }
0x30: {  	s3 =	sld [smem:$0x3FAF]  }
0x31: {  	[smem:$0x3FB8] =	sst s10  }
0x32: {  	s10 =	sld [smem:$0x3FB6];
	_ =	sdelay $0x3  }
0x33: {  	p0 =	seq.s32 s10, $0x1;
	s10 =	sld [smem:$0x3FB8];
	_ =	sdelay $0x3  }
0x34: {  	[smem:$0x3FB8] =	sst s10  }
0x35: {  	s10 =	sld [smem:$0x3FB7];
	_ =	sdelay $0x3  }
0x36: {  	p1 =	seq.s32 s10, $0x1;
	s10 =	sld [smem:$0x3FB8];
	_ =	sdelay $0x3  }
0x37: {  	[smem:$0x3FB8] =	sst s10  }
0x38: {  	s10 =	sld [smem:$0x3FB9]  }
0x39: {  	_ = 	snop;
	(pc) =	sbr.ind lr, $3  }
0x3a: {  	_ = 	snop  }
0x3b: {  	_ = 	snop  }
0x3c: {  	p2 =	seq.s32 s10, $0x1;
	s10 =	sld [smem:$0x3FB8]  }
0x3d: {  	_ =	shalt  }
0x3e: {  	_ =	shalt  }
0x3f: {  	_ =	shalt  }
0x40: {  	_ =	shalt  }
0x41: {  	_ =	shalt  }
0x42: {  	_ =	shalt  }
0x43: {  	_ =	shalt  }
0x44: {  	_ =	shalt  }
0x45: {  	_ =	shalt  }
0x46: {  	_ =	shalt  }
0x47: {  	_ =	shalt  }
0x48: {  	_ =	shalt  }
0x49: {  	_ =	shalt  }
0x4a: {  	_ =	shalt  }
0x4b: {  	_ =	shalt  }
0x4c: {  	_ =	shalt  }
0x4d: {  	_ =	shalt  }
0x4e: {  	_ =	shalt  }
0x4f: {  	_ =	shalt  }
0x50: {  	_ =	shalt  }
0x51: {  	_ =	shalt  }
0x52: {  	_ =	shalt  }
0x53: {  	_ =	shalt  }
0x54: {  	_ =	shalt  }
0x55: {  	_ =	shalt  }
0x56: {  	_ =	shalt  }
0x57: {  	_ =	shalt  }
0x58: {  	_ =	shalt  }
0x59: {  	_ =	shalt  }
0x5a: {  	_ =	shalt  }
0x5b: {  	_ =	shalt  }
0x5c: {  	_ =	shalt  }
0x5d: {  	_ =	shalt  }
0x5e: {  	_ =	shalt  }
0x5f: {  	_ =	shalt  }
0x60: {  	_ =	shalt  }
0x61: {  	_ =	shalt  }
0x62: {  	_ =	shalt  }
0x63: {  	_ =	shalt  }
0x64: {  	_ =	shalt  }
0x65: {  	_ =	shalt  }
0x66: {  	_ =	shalt  }
0x67: {  	_ =	shalt  }
0x68: {  	_ =	shalt  }
0x69: {  	_ =	shalt  }
0x6a: {  	_ =	shalt  }
0x6b: {  	_ =	shalt  }
0x6c: {  	_ =	shalt  }
0x6d: {  	_ =	shalt  }
0x6e: {  	_ =	shalt  }
0x6f: {  	_ =	shalt  }
0x70: {  	_ =	shalt  }
0x71: {  	_ =	shalt  }
0x72: {  	_ =	shalt  }
0x73: {  	_ =	shalt  }
0x74: {  	_ =	shalt  }
0x75: {  	_ =	shalt  }
0x76: {  	_ =	shalt  }
0x77: {  	_ =	shalt  }
0x78: {  	_ =	shalt  }
0x79: {  	_ =	shalt  }
0x7a: {  	_ =	shalt  }
0x7b: {  	_ =	shalt  }
0x7c: {  	_ =	shalt  }
0x7d: {  	_ =	shalt  }
0x7e: {  	_ =	shalt  }
0x7f: {  	_ =	shalt  }
0x80: {  	_ =	shalt  }
0x81: {  	_ =	shalt  }
0x82: {  	_ =	shalt  }
0x83: {  	_ =	shalt  }
0x84: {  	_ =	shalt  }
0x85: {  	_ =	shalt  }
0x86: {  	_ =	shalt  }
0x87: {  	_ =	shalt  }
.Lfunc_end0:
.L_simem_size_0:
called_computation_lowered:
.L_overlay_start_0:
0x88: {  	s2 =	sld [smem:$0x3FD9]  }
0x89: {  	s3 =	sld [smem:$0x3FFE];
	_ =	sdelay $0x1  }
0x8a: {  	s1 =	srdreg.scid  }
0x8b: {  	s0 =	sand.u32 $0x1, s1  }
0x8c: {  	s17 =	sshll.u32 s0, $0xA;
	s2 =	sadd.s32 s3, s2  }
0x8d: {  	s2 =	sadd.s32 s2, s17  }
0x8e: {  	[smem:$0x3FC4] =	sst s2  }
0x8f: {  	_ = 	snop  }
0x90: {  	s2 =	sld [smem:$0x3FD0];
	(tm) =	ssettm $0x1  }
0x91: {  	s18 =	sld [smem:$0x3FFB];
	_ =	sdelay $0x3  }
0x92: {  	_ =	strace s18  }
0x93: {  	s3 =	sld [smem:$0x3FFC];
	_ =	sdelay $0x3  }
0x94: {  	_ =	strace s3  }
0x95: {  	s3 =	sld [smem:$0x3FFD];
	_ =	sdelay $0x3  }
0x96: {  	_ =	strace s3  }
0x97: {  	_ =	strace $0x8FFFFFFF  }
0x98: {  	s19 =	sld [smem:$0x3FDB];
	_ =	sdelay $0x1  }
0x99: {  	s4 =	simm.s32 $_scs_section_size  }
0x9a: {  	s5 =	simm.s32 $_size__tile_overlayer_lowered;
	s6 =	simm.s32 $_tile_overlayer_lowered  }
0x9b: {  	s22 =	simm.s32 $0x1BFF;
	s21 =	sshll.u32 s6, $0x1;
	s3 =	sadd.s32 s4, s19  }
0x9c: {  	s7 =	simm.s32 $0x0;
	s20 =	sshll.u32 s5, $0x1;
	s5 =	sadd.s32 s21, s3  }
0x9d: {  	[timem:s7], [sflag:s22] =	dma.local [hbm:s5], s20  }
0x9e: {  	_ =	swait.ge [sflag:s22], s20  }
0x9f: {  	s4 =	ssub.s32 $0x0, s20;
	[sflag:s22] =	ssyncset.done $0x0  }
0xa0: {  	[sflag:s22] =	ssyncadd.s32 s4;
	_ =	sdelay $0x1  }
0xa1: {  	s23 =	simm.s32 $0x1B8B  }
0xa2: {  	_ =	swait.ge [sflag:s23], $0x1  }
0xa3: {  	[sflag:s23] =	ssyncset.done $0x0  }
0xa4: {  	s25 =	simm.s32 $0x1B8E;
	s24 =	sld [smem:$0x3FFE];
	[sflag:s23] =	ssyncadd.s32 $0xFFFFFFFF  }
0xa5: {  	s26 =	simm.s32 $execute0_lowered;
	[smem:$0x3FD2] =	sst s25  }
0xa6: {  	s5 =	sshll.u32 s26, $0x1;
	_ =	strace $0x80000046;
	[dreg:$0x1] =	wrdreg $0xFFFFFFFF  }
0xa7: {  	s28 =	simm.s32 $_size_execute0_lowered;
	s3 =	sadd.s32 s3, s5;
	[dreg:$0x0] =	wrdreg $0x0  }
0xa8: {  	s5 =	sshll.u32 s28, $0x1;
	[dreg:$0x2] =	wrdreg s3  }
0xa9: {  	[dreg:$0x3] =	wrdreg s5  }
0xaa: {  	[dreg:$0x4] =	wrdreg $0xC0  }
0xab: {  	_ =	task [dreg:s7], $0x5FFFF  }
0xac: {  	[dreg:$0x1] =	wrdreg $0xFFFFFFFF  }
0xad: {  	[dreg:$0x0] =	wrdreg $0x60  }
0xae: {  	[dreg:$0x2] =	wrdreg s24  }
0xaf: {  	[dreg:$0x3] =	wrdreg s2  }
0xb0: {  	[dreg:$0x4] =	wrdreg $0x8B000  }
0xb1: {  	[dreg:$0x5] =	wrdreg $0x93800  }
0xb2: {  	[dreg:$0x6] =	wrdreg $0x93000  }
0xb3: {  	[dreg:$0x7] =	wrdreg $0x9  }
0xb4: {  	_ =	task.clear_ibuf [dreg:s7], $0x8FFFF;
	_ =	strace $0x90000046  }
0xb5: {  	s29 =	simm.s32 $0x9;
	_ =	strace $0x80000053  }
0xb6: {  	_ =	swait.ge [sflag:s29], $0x1  }
0xb7: {  	[sflag:s29] =	ssyncadd.s32 $0xFFFFFFFF  }
0xb8: {  	_ =	strace $0x90000053  }
0xb9: {  	_ =	sfence  }
0xba: {  	s30 =	sld [smem:$0x0];
	_ =	sdelay $0x2  }
0xbb: {  	s31 =	sshll.u32 s1, $0xD;
	s1 =	sshrl.u32 s1, $0x2  }
0xbc: {  	s3 =	sand.u32 $0x4000, s31;
	s1 =	sadd.s32 s1, s30  }
0xbd: {  	s0 =	sor.u32 s3, s0;
	s1 =	sshll.u32 s1, $0x11  }
0xbe: {  	s0 =	sor.u32 s1, s0  }
0xbf: {  	s0 =	sadd.s32 $0x8F2B, s0  }
0xc0: {  	[sflag:s0] =	ssyncadd.remote.s32 $0x1  }
0xc1: {  	_ =	sfence.sel $0xFFFF  }
0xc2: {  	[dreg:$0x0] =	wrdreg $0xFFFFFFFF;
	(pc) =	sbr.abs _section_cstart, $3  }
0xc3: {  	[dreg:$0x1] =	wrdreg $0xFFFFFFFF  }
0xc4: {  	_ =	task.clear_ibuf [dreg:s7], $0x2FFFF;
	_ =	strace $0x9FFFFFFF  }
0xc5: {  	(tm) =	ssettm $0x7FFFFFFF  }
tec
execute0_lowered:
.L_overlay_start_1:
0x0: {  	(tag) =	ssettag $0x1  }
0x1: {  	s0 =	rddreg [dreg:$0x0]  }
0x2: {  	s2 =	rddreg [dreg:$0x1]  }
0x3: {  	s3 =	rddreg [dreg:$0x2]  }
0x4: {  	s1 =	rddreg [dreg:$0x3]  }
0x5: {  	s11 =	rddreg [dreg:$0x4];
	s5 =	srdreg.scid;
	s4 =	simm.s32 $0x0  }
0x6: {  	s9 =	stileid.u32;
	s5 =	sand.u32 $0x1, s5;
	[smem:$0x7FF] =	sst s4  }
0x7: {  	s6 =	sshll.u32 s9, $0x8;
	s10 =	sadd.s32 $0x2E00, s0;
	s17 =	sshll.u32 s9, $0x10  }
0x8: {  	s19 =	sshll.u32 s9, $0x7;
	s26 =	sshll.u32 s9, $0xB;
	s16 =	sshll.u32 s9, $0xA  }
0x9: {  	s9 =	sshll.u32 s9, $0x5;
	s7 =	ssub.s32 $0x2, s5;
	_ =	strace $0x80000047  }
0xa: {  	s6 =	sadd.s32 s6, s0;
	[dreg:$0x6] =	wrdreg s10;
	s0 =	sadd.s32 $0x3000, s0  }
0xb: {  	s20 =	sadd.s32 s17, s1;
	s10 =	sadd.s32 s19, s3;
	s3 =	sadd.s32 s26, s3  }
0xc: {  	s13 =	sshll.u32 s5, $0x15;
	s15 =	sshll.u32 s5, $0x1;
	[dreg:$0x7] =	wrdreg s0  }
0xd: {  	s8 =	sshrl.u32 s7, $0x1;
	s18 =	sadd.s32 $0x1E00, s6;
	[dreg:$0xa] =	wrdreg s20  }
0xe: {  	s6 =	sadd.s32 $0xE00, s6;
	s21 =	sadd.s32 $0x800, s10;
	[dreg:$0x11] =	wrdreg s3  }
0xf: {  	s22 =	sadd.s32 $0x1000, s10;
	s23 =	sadd.s32 $0x1800, s10;
	[dreg:$0x8] =	wrdreg s18  }
0x10: {  	s24 =	sadd.s32 $0x2000, s10;
	s25 =	sadd.s32 $0x2800, s10;
	[dreg:$0x9] =	wrdreg s6  }
0x11: {  	s12 =	sadd.s32 $0x3000, s10;
	s3 =	sor.u32 s17, s13;
	[dreg:$0xb] =	wrdreg s21  }
0x12: {  	s26 =	sadd.s32 $0x5800, s10;
	s28 =	sadd.s32 $0x6000, s10;
	[dreg:$0xc] =	wrdreg s22  }
0x13: {  	s29 =	sadd.s32 $0x6800, s10;
	s30 =	sadd.s32 $0x7000, s10;
	[dreg:$0xd] =	wrdreg s23  }
0x14: {  	v0 =	vlaneseq.u32;
	[dreg:$0xe] =	wrdreg s24;
	s6 =	sshllo.u32 s5, $0x1;
	s5 =	sshll.u32 s5, $0xA  }
0x15: {  	v9 =	vmul.u32 $0x800, v0;
	v8 =	vmov s9;
	[dreg:$0x10] =	wrdreg s12;
	s12 =	sadd.s32 s19, s11;
	s19 =	sor.u32 s9, s5  }
0x16: {  	v7 =	vor.u32 $0x10, v0;
	s31 =	sadd.s32 $0x7800, s10;
	v10 =	vshll.u32 v8, $0xB;
	s0 =	ssub.s32 s7, s8;
	[dreg:$0xf] =	wrdreg s25;
	v1 =	vor.u32 s19, v0  }
0x17: {  	s3 =	sshrl.u32 s3, $0x3;
	s22 =	sadd.s32 $0x3800, s10;
	v12 =	vor.u32 v9, v10;
	s18 =	sshll.u32 s6, $0x9;
	v2 =	vor.u32 s19, v7;
	[tilespmem:$0x1FF80] =	vst v1  }
0x18: {  	s23 =	sadd.s32 $0x4000, s10;
	s24 =	sadd.s32 $0x4800, s10;
	s13 =	sor.u32 s9, s18;
	v1 =	vor.u32 v1, v12;
	[tilespmem:$0x1FFA0] =	vst v2  }
0x19: {  	v11 =	vor.u32 $0x8000, v9;
	s25 =	sadd.s32 $0x5000, s10;
	s8 =	simm.s32 $0x3880;
	[dreg:$0x12] =	wrdreg s12;
	v6 =	vor.u32 s13, v0;
	[tilespmem:$0x1FF90] =	vst v1  }
0x1a: {  	v13 =	vor.u32 v11, v10;
	s14 =	sshll.u32 s6, $0x14;
	s3 =	sadd.s32 s2, s3;
	s21 =	smax.u32 s0, $0x1;
	v7 =	vor.u32 s13, v7;
	[tilespmem:$0x1FFC0] =	vst v6  }
0x1b: {  	s0 =	simm.s32 $0x2;
	v4 =	vmov s5;
	v8 =	vmov s6;
	s5 =	simm.s32 $0x2000;
	s6 =	simm.s32 $0x1;
	v1 =	vor.u32 v2, v13;
	[tilespmem:$0x1FFE0] =	vst v7  }
0x1c: {  	s7 =	sor.u32 s17, s14;
	[dreg:$0x13] =	wrdreg s3;
	s17 =	sor.u32 $0x100000, s16;
	[tilespmem:$0x1FFB0] =	vst v1;
	v1 =	vadd.s32 v12, v6  }
0x1d: {  	v14 =	vimm.f32 $0.0e+00;
	s3 =	simm.s32 $0x1800;
	s9 =	simm.s32 $0x0;
	s7 =	sshrl.u32 s7, $0x3;
	[tilespmem:$0x1FFD0] =	vst v1;
	v1 =	vadd.s32 v13, v7  }
0x1e: {  	v3 =	vmov s15;
	v9 =	vmov s18;
	v5 =	vmov s17;
	s20 =	sadd.s32 s2, s7;
	s2 =	simm.s32 $0x2800;
	s7 =	simm.s32 $0x1080;
	[tilespmem:$0x1FFF0] =	vst v1  }
.LBB2_1:
0x1f: {  	_ =	strace $0x80000048  }
0x20: {  	s11 =	rddreg [dreg:$0x8]  }
0x21: {  	[tilespmem:s4], [sflag:$0x2] =	stream.linear.gather [hbm4b:s11+s4], $0x800, $0x200038;
	[tilespmem:$0x19780] =	vst v63  }
0x22: {  	_ =	swait.ge [sflag:s0], $0x800  }
0x23: {  	[sflag:s0] =	ssyncset.done $0x0  }
0x24: {  	s12 =	simm.s32 $0x800;
	s16 =	rddreg [dreg:$0x9];
	[sflag:s0] =	ssyncadd.s32 $0xFFFFF800  }
0x25: {  	[tilespmem:s12], [sflag:$0x2] =	stream.linear.gather [hbm4b:s16+s4], $0x800, $0x200038;
	[tilespmem:$0x19780] =	vst v63  }
0x26: {  	_ =	swait.ge [sflag:s0], $0x800  }
0x27: {  	[sflag:s0] =	ssyncset.done $0x0  }
0x28: {  	s18 =	stileid.u32;
	s17 =	rddreg [dreg:$0x6];
	[sflag:s0] =	ssyncadd.s32 $0xFFFFF800  }
0x29: {  	[tilespmem:s3], [sflag:$0x2] =	stream.linear.gather [hbm4b:s17+s4], $0x800, $0x200038;
	[tilespmem:$0x19780] =	vst v63  }
0x2a: {  	s12 =	sshll.u32 s18, $0x6;
	_ =	swait.ge [sflag:s0], $0x800  }
0x2b: {  	s13 =	sor.u32 $0x1C01, s12;
	[sflag:s0] =	ssyncset.done $0x0;
	s19 =	rddreg [dreg:$0xa]  }
0x2c: {  	s14 =	rddreg [dreg:$0x7];
	[sflag:s0] =	ssyncadd.s32 $0xFFFFF800;
	s11 =	sshrl.u32 s19, $0x3  }
0x2d: {  	[spmem:s11], [sflag:s13] =	dma.local [hbm:s14], $0x2000  }
0x2e: {  	s13 =	simm.s32 $0x0  }
.LBB2_2:
0x2f: {  	p0 =	sne.s32 s13, $0x1FC0  }
.Ltmp0:
0x30: {  	_ = 	snop;
	(pc) =	sbr.rel @p0 .LBB2_2-.Ltmp0, $3  }
0x31: {  	_ =	sdelay $0x1  }
0x32: {  	s14 =	sshra.s32 s13, $0x2  }
0x33: {  	s13 =	sadd.s32 $0x40, s13;
	[tilespmem:s14+$0x2800] =	vst v14  }
0x34: {  	s13 =	simm.s32 $0x40;
	s14 =	simm.s32 $0x0  }
.LBB2_4:
0x35: {  	p0 =	sne.s32 s13, $0x41C0;
	[tilespmem:s14+$0x7A80] =	vst v14;
	s14 =	smov.u32 s13;
	s13 =	sadd.s32 $0x40, s13  }
.Ltmp1:
0x36: {  	(pc) =	sbr.rel @p0 .LBB2_4-.Ltmp1, $2  }
0x37: {  	_ =	sdelay $0x2  }
0x38: {  	s14 =	sshra.s32 s14, $0x2  }
0x39: {  	[tilespmem:s14+$0x7A80] =	vst v14  }
0x3a: {  	_ =	strace $0x90000048  }
0x3b: {  	s13 =	simm.s32 $0x0;
	_ =	strace $0x80000049  }
0x3c: {  	v16 =	vld [tilespmem:s13+$0x0]  }
0x3d: {  	s14 =	simm.s32 $0x40;
	v15 =	vld [tilespmem:s13+$0x800]  }
.LBB2_6:
0x3e: {  	p0 =	sne.s32 s14, $0x1FC0;
	_ =	sdelay $0x5  }
0x3f: {  	v17 =	vld.idx.msk [tilespmem:v16+s3+$0x0], $0xffff  }
0x40: {  	v18 =	vld.idx.msk [tilespmem:v15+s3+$0x0], $0xffff;
	_ =	sdelay $0x5  }
0x41: {  	v17 =	vsub.f32 v17, v18;
	_ =	sdelay $0x1  }
0x42: {  	v17 =	vmax.f32 v17, $0.0e+00  }
0x43: {  	[tilespmem:s13+$0x1000] =	vst v17;
	v17 =	vadd.f32 $1.000000000e+00, v17  }
.Ltmp2:
0x44: {  	(pc) =	sbr.rel @p0 .LBB2_6-.Ltmp2, $4  }
0x45: {  	[tilespmem:v16+s2+$0x0] =	vst.idx.add.f32.msk $0xffff, v17  }
0x46: {  	s13 =	sshra.s32 s14, $0x2;
	[tilespmem:v15+s2+$0x0] =	vst.idx.add.f32.msk $0xffff, v17  }
0x47: {  	v16 =	vld [tilespmem:s13+$0x0]  }
0x48: {  	s14 =	sadd.s32 $0x40, s14;
	v15 =	vld [tilespmem:s13+$0x800]  }
0x49: {  	_ =	sdelay $0x6  }
0x4a: {  	v17 =	vld.idx.msk [tilespmem:v16+s3+$0x0], $0xffff  }
0x4b: {  	v18 =	vld.idx.msk [tilespmem:v15+s3+$0x0], $0xffff;
	_ =	sdelay $0x4  }
0x4c: {  	v17 =	vsub.f32 v17, v18;
	_ =	sdelay $0x1  }
0x4d: {  	v17 =	vmax.f32 v17, $0.0e+00  }
0x4e: {  	v62 =	vadd.f32 $1.000000000e+00, v17  }
0x4f: {  	[tilespmem:s13+$0x1000] =	vst v17  }
0x50: {  	[tilespmem:v16+s2+$0x0] =	vst.idx.add.f32.msk $0xffff, v62  }
0x51: {  	[tilespmem:v15+s2+$0x0] =	vst.idx.add.f32.msk $0xffff, v62  }
0x52: {  	_ =	strace $0x90000049  }
0x53: {  	_ =	strace $0x8000004A  }
0x54: {  	[spmem:s10] =	stream.linear.scatter [tilespmem:s2], [sflag:$0x2], $0x80, $0x200038;
	[tilespmem:$0x19780] =	vst v63  }
0x55: {  	_ =	swait.ge [sflag:s0], $0x80  }
0x56: {  	[sflag:s0] =	ssyncset.done $0x0  }
0x57: {  	s14 =	simm.s32 $0x2880;
	s19 =	rddreg [dreg:$0xb];
	[sflag:s0] =	ssyncadd.s32 $0xFFFFFF80  }
0x58: {  	[spmem:s19] =	stream.linear.scatter [tilespmem:s14], [sflag:$0x2], $0x80, $0x200038;
	[tilespmem:$0x19780] =	vst v63  }
0x59: {  	_ =	swait.ge [sflag:s0], $0x80  }
0x5a: {  	[sflag:s0] =	ssyncset.done $0x0  }
0x5b: {  	s15 =	simm.s32 $0x2900;
	s14 =	rddreg [dreg:$0xc];
	[sflag:s0] =	ssyncadd.s32 $0xFFFFFF80  }
0x5c: {  	[spmem:s14] =	stream.linear.scatter [tilespmem:s15], [sflag:$0x2], $0x80, $0x200038;
	[tilespmem:$0x19780] =	vst v63  }
0x5d: {  	_ =	swait.ge [sflag:s0], $0x80  }
0x5e: {  	[sflag:s0] =	ssyncset.done $0x0  }
0x5f: {  	s17 =	simm.s32 $0x2980;
	s16 =	rddreg [dreg:$0xd];
	[sflag:s0] =	ssyncadd.s32 $0xFFFFFF80  }
0x60: {  	[spmem:s16] =	stream.linear.scatter [tilespmem:s17], [sflag:$0x2], $0x80, $0x200038;
	[tilespmem:$0x19780] =	vst v63  }
0x61: {  	_ =	swait.ge [sflag:s0], $0x80  }
0x62: {  	[sflag:s0] =	ssyncset.done $0x0  }
0x63: {  	s19 =	simm.s32 $0x2A00;
	s18 =	rddreg [dreg:$0xe];
	[sflag:s0] =	ssyncadd.s32 $0xFFFFFF80  }
0x64: {  	[spmem:s18] =	stream.linear.scatter [tilespmem:s19], [sflag:$0x2], $0x80, $0x200038;
	[tilespmem:$0x19780] =	vst v63  }
0x65: {  	_ =	swait.ge [sflag:s0], $0x80  }
0x66: {  	[sflag:s0] =	ssyncset.done $0x0  }
0x67: {  	s15 =	simm.s32 $0x2A80;
	s14 =	rddreg [dreg:$0xf];
	[sflag:s0] =	ssyncadd.s32 $0xFFFFFF80  }
0x68: {  	[spmem:s14] =	stream.linear.scatter [tilespmem:s15], [sflag:$0x2], $0x80, $0x200038;
	[tilespmem:$0x19780] =	vst v63  }
0x69: {  	_ =	swait.ge [sflag:s0], $0x80  }
0x6a: {  	[sflag:s0] =	ssyncset.done $0x0  }
0x6b: {  	s17 =	simm.s32 $0x2B00;
	s16 =	rddreg [dreg:$0x10];
	[sflag:s0] =	ssyncadd.s32 $0xFFFFFF80  }
0x6c: {  	[spmem:s16] =	stream.linear.scatter [tilespmem:s17], [sflag:$0x2], $0x80, $0x200038;
	[tilespmem:$0x19780] =	vst v63  }
0x6d: {  	_ =	swait.ge [sflag:s0], $0x80  }
0x6e: {  	[sflag:s0] =	ssyncset.done $0x0  }
0x6f: {  	s18 =	simm.s32 $0x2B80;
	[sflag:s0] =	ssyncadd.s32 $0xFFFFFF80  }
0x70: {  	[spmem:s22] =	stream.linear.scatter [tilespmem:s18], [sflag:$0x2], $0x80, $0x200038;
	[tilespmem:$0x19780] =	vst v63  }
0x71: {  	_ =	swait.ge [sflag:s0], $0x80  }
0x72: {  	[sflag:s0] =	ssyncset.done $0x0  }
0x73: {  	s19 =	simm.s32 $0x2C00;
	[sflag:s0] =	ssyncadd.s32 $0xFFFFFF80  }
0x74: {  	[spmem:s23] =	stream.linear.scatter [tilespmem:s19], [sflag:$0x2], $0x80, $0x200038;
	[tilespmem:$0x19780] =	vst v63  }
0x75: {  	_ =	swait.ge [sflag:s0], $0x80  }
0x76: {  	[sflag:s0] =	ssyncset.done $0x0  }
0x77: {  	s14 =	simm.s32 $0x2C80;
	[sflag:s0] =	ssyncadd.s32 $0xFFFFFF80  }
0x78: {  	[spmem:s24] =	stream.linear.scatter [tilespmem:s14], [sflag:$0x2], $0x80, $0x200038;
	[tilespmem:$0x19780] =	vst v63  }
0x79: {  	_ =	swait.ge [sflag:s0], $0x80  }
0x7a: {  	[sflag:s0] =	ssyncset.done $0x0  }
0x7b: {  	s15 =	simm.s32 $0x2D00;
	[sflag:s0] =	ssyncadd.s32 $0xFFFFFF80  }
0x7c: {  	[spmem:s25] =	stream.linear.scatter [tilespmem:s15], [sflag:$0x2], $0x80, $0x200038;
	[tilespmem:$0x19780] =	vst v63  }
0x7d: {  	_ =	swait.ge [sflag:s0], $0x80  }
0x7e: {  	[sflag:s0] =	ssyncset.done $0x0  }
0x7f: {  	s16 =	simm.s32 $0x2D80;
	[sflag:s0] =	ssyncadd.s32 $0xFFFFFF80  }
0x80: {  	[spmem:s26] =	stream.linear.scatter [tilespmem:s16], [sflag:$0x2], $0x80, $0x200038;
	[tilespmem:$0x19780] =	vst v63  }
0x81: {  	_ =	swait.ge [sflag:s0], $0x80  }
0x82: {  	[sflag:s0] =	ssyncset.done $0x0  }
0x83: {  	s17 =	simm.s32 $0x2E00;
	[sflag:s0] =	ssyncadd.s32 $0xFFFFFF80  }
0x84: {  	[spmem:s28] =	stream.linear.scatter [tilespmem:s17], [sflag:$0x2], $0x80, $0x200038;
	[tilespmem:$0x19780] =	vst v63  }
0x85: {  	_ =	swait.ge [sflag:s0], $0x80  }
0x86: {  	[sflag:s0] =	ssyncset.done $0x0  }
0x87: {  	s18 =	simm.s32 $0x2E80;
	[sflag:s0] =	ssyncadd.s32 $0xFFFFFF80  }
0x88: {  	[spmem:s29] =	stream.linear.scatter [tilespmem:s18], [sflag:$0x2], $0x80, $0x200038;
	[tilespmem:$0x19780] =	vst v63  }
0x89: {  	_ =	swait.ge [sflag:s0], $0x80  }
0x8a: {  	[sflag:s0] =	ssyncset.done $0x0  }
0x8b: {  	s19 =	simm.s32 $0x2F00;
	[sflag:s0] =	ssyncadd.s32 $0xFFFFFF80  }
0x8c: {  	[spmem:s30] =	stream.linear.scatter [tilespmem:s19], [sflag:$0x2], $0x80, $0x200038;
	[tilespmem:$0x19780] =	vst v63  }
0x8d: {  	_ =	swait.ge [sflag:s0], $0x80  }
0x8e: {  	[sflag:s0] =	ssyncset.done $0x0  }
0x8f: {  	s14 =	simm.s32 $0x2F80;
	[sflag:s0] =	ssyncadd.s32 $0xFFFFFF80  }
0x90: {  	[spmem:s31] =	stream.linear.scatter [tilespmem:s14], [sflag:$0x2], $0x80, $0x200038;
	[tilespmem:$0x19780] =	vst v63  }
0x91: {  	_ =	swait.ge [sflag:s0], $0x80  }
0x92: {  	[sflag:s0] =	ssyncset.done $0x0  }
0x93: {  	[sflag:s0] =	ssyncadd.s32 $0xFFFFFF80  }
0x94: {  	[bflag:$0x0] =	sbarrier.arrive $0xFFFF  }
0x95: {  	s16 =	simm.s32 $0x3000;
	s15 =	rddreg [dreg:$0x11]  }
0x96: {  	[tilespmem:s16], [sflag:$0x2] =	stream.linear.gather [spmem:s15], $0x800, $0x200038;
	[tilespmem:$0x19780] =	vst v63  }
0x97: {  	_ =	swait.ge [sflag:s0], $0x800  }
0x98: {  	[sflag:s0] =	ssyncset.done $0x0  }
0x99: {  	[sflag:s0] =	ssyncadd.s32 $0xFFFFF800  }
0x9a: {  	v15 =	vld [tilespmem:$0x3000]  }
0x9b: {  	v17 =	vld [tilespmem:$0x3080]  }
0x9c: {  	v18 =	vld [tilespmem:$0x3100]  }
0x9d: {  	v19 =	vld [tilespmem:$0x3180]  }
0x9e: {  	v20 =	vld [tilespmem:$0x3200]  }
0x9f: {  	v21 =	vld [tilespmem:$0x3280]  }
0xa0: {  	v22 =	vld [tilespmem:$0x3300]  }
0xa1: {  	v23 =	vld [tilespmem:$0x3380]  }
0xa2: {  	v24 =	vld [tilespmem:$0x3400]  }
0xa3: {  	v25 =	vld [tilespmem:$0x3480]  }
0xa4: {  	v26 =	vld [tilespmem:$0x3500]  }
0xa5: {  	v27 =	vld [tilespmem:$0x3580]  }
0xa6: {  	v28 =	vld [tilespmem:$0x3600]  }
0xa7: {  	v29 =	vld [tilespmem:$0x3680]  }
0xa8: {  	v30 =	vld [tilespmem:$0x3700]  }
0xa9: {  	v31 =	vld [tilespmem:$0x3780]  }
0xaa: {  	v32 =	vld [tilespmem:$0x3010]  }
0xab: {  	v33 =	vld [tilespmem:$0x3090]  }
0xac: {  	v34 =	vld [tilespmem:$0x3110]  }
0xad: {  	v35 =	vld [tilespmem:$0x3190]  }
0xae: {  	v36 =	vld [tilespmem:$0x3210]  }
0xaf: {  	v37 =	vld [tilespmem:$0x3290]  }
0xb0: {  	v38 =	vld [tilespmem:$0x3310]  }
0xb1: {  	v39 =	vld [tilespmem:$0x3390]  }
0xb2: {  	v40 =	vld [tilespmem:$0x3410]  }
0xb3: {  	v41 =	vld [tilespmem:$0x3490]  }
0xb4: {  	v42 =	vld [tilespmem:$0x3510]  }
0xb5: {  	v43 =	vld [tilespmem:$0x3590]  }
0xb6: {  	v44 =	vld [tilespmem:$0x3610]  }
0xb7: {  	v45 =	vld [tilespmem:$0x3690]  }
0xb8: {  	v46 =	vld [tilespmem:$0x3710]  }
0xb9: {  	v47 =	vld [tilespmem:$0x3790]  }
0xba: {  	v48 =	vld [tilespmem:$0x3020]  }
0xbb: {  	v49 =	vld [tilespmem:$0x30A0]  }
0xbc: {  	v50 =	vld [tilespmem:$0x3120]  }
0xbd: {  	v51 =	vld [tilespmem:$0x31A0]  }
0xbe: {  	v52 =	vld [tilespmem:$0x3220]  }
0xbf: {  	v53 =	vld [tilespmem:$0x32A0]  }
0xc0: {  	v54 =	vld [tilespmem:$0x3320]  }
0xc1: {  	v55 =	vld [tilespmem:$0x33A0]  }
0xc2: {  	v56 =	vld [tilespmem:$0x3420]  }
0xc3: {  	v57 =	vld [tilespmem:$0x34A0]  }
0xc4: {  	v58 =	vld [tilespmem:$0x3520]  }
0xc5: {  	v59 =	vld [tilespmem:$0x35A0]  }
0xc6: {  	v60 =	vld [tilespmem:$0x3620]  }
0xc7: {  	v61 =	vld [tilespmem:$0x36A0]  }
0xc8: {  	v62 =	vld [tilespmem:$0x3720]  }
0xc9: {  	v1 =	vld [tilespmem:$0x37A0]  }
0xca: {  	v63 =	vld [tilespmem:$0x3030]  }
0xcb: {  	v2 =	vld [tilespmem:$0x3130]  }
0xcc: {  	v6 =	vld [tilespmem:$0x31B0]  }
0xcd: {  	v7 =	vld [tilespmem:$0x3230]  }
0xce: {  	v10 =	vld [tilespmem:$0x32B0]  }
0xcf: {  	v11 =	vld [tilespmem:$0x3330]  }
0xd0: {  	v12 =	vld [tilespmem:$0x3430]  }
0xd1: {  	v13 =	vld [tilespmem:$0x3530]  }
0xd2: {  	v16 =	vld [tilespmem:$0x3630]  }
0xd3: {  	[tilespmem:$0x1FF70] =	vst v1;
	v1 =	vld [tilespmem:$0x30B0]  }
0xd4: {  	v15 =	vadd.f32 v17, v15;
	v17 =	vld [tilespmem:$0x33B0]  }
0xd5: {  	v32 =	vadd.f32 v33, v32;
	v33 =	vld [tilespmem:$0x3730]  }
0xd6: {  	v15 =	vadd.f32 v18, v15;
	v18 =	vld [tilespmem:$0x34B0]  }
0xd7: {  	v32 =	vadd.f32 v34, v32;
	v34 =	vld [tilespmem:$0x3040]  }
0xd8: {  	v15 =	vadd.f32 v19, v15;
	v19 =	vld [tilespmem:$0x35B0]  }
0xd9: {  	v32 =	vadd.f32 v35, v32;
	v35 =	vadd.f32 v49, v48;
	v48 =	vld [tilespmem:$0x3140]  }
0xda: {  	v1 =	vadd.f32 v1, v63;
	v63 =	vld [tilespmem:$0x33C0]  }
0xdb: {  	v15 =	vadd.f32 v20, v15;
	v20 =	vld [tilespmem:$0x36B0]  }
0xdc: {  	v32 =	vadd.f32 v36, v32;
	v36 =	vld [tilespmem:$0x3240];
	v1 =	vadd.f32 v2, v1  }
0xdd: {  	v2 =	vld [tilespmem:$0x34C0];
	v15 =	vadd.f32 v21, v15  }
0xde: {  	v35 =	vadd.f32 v50, v35;
	v21 =	vld [tilespmem:$0x37B0];
	v1 =	vadd.f32 v6, v1  }
0xdf: {  	v32 =	vadd.f32 v37, v32;
	v37 =	vld [tilespmem:$0x3340];
	v15 =	vadd.f32 v22, v15  }
0xe0: {  	v6 =	vld [tilespmem:$0x35C0];
	v1 =	vadd.f32 v7, v1  }
0xe1: {  	v35 =	vadd.f32 v51, v35;
	v22 =	vld [tilespmem:$0x30C0];
	v15 =	vadd.f32 v23, v15  }
0xe2: {  	v32 =	vadd.f32 v38, v32;
	v38 =	vld [tilespmem:$0x3440];
	v1 =	vadd.f32 v10, v1  }
0xe3: {  	v35 =	vadd.f32 v52, v35;
	v7 =	vld [tilespmem:$0x36C0];
	v15 =	vadd.f32 v24, v15  }
0xe4: {  	v23 =	vld [tilespmem:$0x31C0];
	v1 =	vadd.f32 v11, v1  }
0xe5: {  	v50 =	vadd.f32 v53, v35;
	v53 =	vld [tilespmem:$0x3050];
	v15 =	vadd.f32 v25, v15  }
0xe6: {  	v49 =	vadd.f32 v39, v32;
	v11 =	vld [tilespmem:$0x30D0];
	v1 =	vadd.f32 v17, v1  }
0xe7: {  	v35 =	vld [tilespmem:$0x3540];
	v51 =	vadd.f32 v54, v50;
	v15 =	vadd.f32 v26, v15  }
0xe8: {  	v32 =	vld [tilespmem:$0x3640];
	v26 =	vadd.f32 v40, v49;
	v1 =	vadd.f32 v12, v1  }
0xe9: {  	v54 =	vld [tilespmem:$0x3150];
	v12 =	vadd.f32 v22, v34;
	v15 =	vadd.f32 v27, v15  }
0xea: {  	v24 =	vld [tilespmem:$0x32C0];
	v26 =	vadd.f32 v41, v26;
	v27 =	vadd.f32 v55, v51  }
0xeb: {  	v17 =	vld [tilespmem:$0x31D0];
	v11 =	vadd.f32 v11, v53;
	v1 =	vadd.f32 v18, v1  }
0xec: {  	v49 =	vld [tilespmem:$0x3160];
	v12 =	vadd.f32 v48, v12;
	v15 =	vadd.f32 v28, v15  }
0xed: {  	v55 =	vld [tilespmem:$0x3250];
	v10 =	vadd.f32 v42, v26;
	v52 =	vadd.f32 v56, v27  }
0xee: {  	v51 =	vld [tilespmem:$0x31E0];
	v11 =	vadd.f32 v54, v11;
	v1 =	vadd.f32 v13, v1  }
0xef: {  	v48 =	vld [tilespmem:$0x1FF70];
	v12 =	vadd.f32 v23, v12;
	v29 =	vadd.f32 v29, v15  }
0xf0: {  	v28 =	vld [tilespmem:$0x3740];
	v10 =	vadd.f32 v43, v10;
	v26 =	vadd.f32 v57, v52  }
0xf1: {  	v56 =	vld [tilespmem:$0x32D0];
	v11 =	vadd.f32 v17, v11;
	v1 =	vadd.f32 v19, v1  }
0xf2: {  	v27 =	vld [tilespmem:$0x3650];
	v12 =	vadd.f32 v36, v12;
	v29 =	vadd.f32 v30, v29  }
0xf3: {  	v54 =	vld [tilespmem:$0x3260];
	v10 =	vadd.f32 v44, v10;
	v26 =	vadd.f32 v58, v26  }
0xf4: {  	v13 =	vld [tilespmem:$0x34D0];
	v11 =	vadd.f32 v55, v11;
	v1 =	vadd.f32 v16, v1  }
0xf5: {  	v57 =	vld [tilespmem:$0x3350];
	v12 =	vadd.f32 v24, v12;
	v29 =	vadd.f32 v31, v29  }
0xf6: {  	v15 =	vld [tilespmem:$0x37C0];
	v10 =	vadd.f32 v45, v10;
	v26 =	vadd.f32 v59, v26  }
0xf7: {  	v58 =	vld [tilespmem:$0x33D0];
	v11 =	vadd.f32 v56, v11;
	v12 =	vadd.f32 v37, v12  }
0xf8: {  	v17 =	vld [tilespmem:$0x3060];
	v1 =	vadd.f32 v20, v1;
	v10 =	vadd.f32 v46, v10  }
0xf9: {  	v52 =	vld [tilespmem:$0x31F0];
	v26 =	vadd.f32 v60, v26;
	v29 =	vadd.f32 $1.000000000e+00, v29  }
0xfa: {  	v59 =	vld [tilespmem:$0x3450];
	v11 =	vadd.f32 v57, v11;
	v12 =	vadd.f32 v63, v12  }
0xfb: {  	v45 =	vld [tilespmem:$0x3070];
	v1 =	vadd.f32 v33, v1;
	v10 =	vadd.f32 v47, v10  }
0xfc: {  	v63 =	vld [tilespmem:$0x30E0];
	v60 =	vadd.f32 v61, v26;
	v61 =	vshrl.u32 v29, $0x1;
	v11 =	vadd.f32 v58, v11  }
0xfd: {  	v29 =	vmul.f32 $5.000000000e-01, v29;
	v47 =	vld [tilespmem:$0x30F0];
	v12 =	vadd.f32 v38, v12;
	v1 =	vadd.f32 v21, v1  }
0xfe: {  	v19 =	vld [tilespmem:$0x35D0];
	v24 =	vsub.s32 $0x5F3759DF, v61;
	v10 =	vadd.f32 $1.000000000e+00, v10;
	v23 =	vadd.f32 v62, v60  }
0xff: {  	v26 =	vld [tilespmem:$0x3550];
	v44 =	vmul.f32 v24, v29;
	v11 =	vadd.f32 v59, v11;
	v2 =	vadd.f32 v2, v12  }
0x100: {  	v12 =	vld [tilespmem:$0x3170];
	v1 =	vadd.f32 $1.000000000e+00, v1;
	v62 =	vshrl.u32 v10, $0x1;
	v23 =	vadd.f32 v48, v23  }
0x101: {  	v36 =	vld [tilespmem:$0x37D0];
	v25 =	vmul.f32 v24, v44;
	v17 =	vadd.f32 v63, v17;
	v11 =	vadd.f32 v13, v11  }
0x102: {  	v30 =	vld [tilespmem:$0x3750];
	v10 =	vmul.f32 $5.000000000e-01, v10;
	v2 =	vadd.f32 v35, v2;
	v53 =	vadd.f32 v47, v45  }
0x103: {  	v55 =	vld [tilespmem:$0x3270];
	v37 =	vsub.s32 $0x5F3759DF, v62;
	v25 =	vsub.f32 $1.500000000e+00, v25;
	v17 =	vadd.f32 v49, v17  }
0x104: {  	v16 =	vld [tilespmem:$0x36D0];
	v46 =	vmul.f32 v37, v10;
	v11 =	vadd.f32 v26, v11;
	v34 =	vadd.f32 $1.000000000e+00, v23  }
0x105: {  	v56 =	vld [tilespmem:$0x32E0];
	v2 =	vadd.f32 v6, v2;
	v12 =	vadd.f32 v12, v53  }
0x106: {  	v58 =	vld [tilespmem:$0x32F0];
	v50 =	vmul.f32 v37, v46;
	v17 =	vadd.f32 v51, v17;
	v11 =	vadd.f32 v19, v11  }
0x107: {  	v59 =	vld [tilespmem:$0x3360];
	v24 =	vmul.f32 v24, v25;
	v2 =	vadd.f32 v32, v2;
	v12 =	vadd.f32 v52, v12  }
0x108: {  	v60 =	vld [tilespmem:$0x3370];
	v21 =	vsub.f32 $1.500000000e+00, v50;
	v17 =	vadd.f32 v54, v17  }
0x109: {  	v61 =	vld [tilespmem:$0x33E0];
	v6 =	vmul.f32 v24, v29;
	v11 =	vadd.f32 v27, v11;
	v12 =	vadd.f32 v55, v12  }
0x10a: {  	v62 =	vld [tilespmem:$0x33F0];
	v2 =	vadd.f32 v7, v2;
	v17 =	vadd.f32 v56, v17  }
0x10b: {  	v6 =	vmul.f32 v6, v24;
	v11 =	vadd.f32 v16, v11;
	v7 =	vadd.f32 v58, v12;
	v12 =	vld [tilespmem:$0x3460]  }
0x10c: {  	v63 =	vld [tilespmem:$0x3470];
	v23 =	vshrl.u32 v34, $0x1;
	v2 =	vadd.f32 v28, v2;
	v17 =	vadd.f32 v59, v17  }
0x10d: {  	v31 =	vld [tilespmem:$0x34E0];
	v21 =	vmul.f32 v37, v21;
	v6 =	vsub.f32 $1.500000000e+00, v6;
	v7 =	vadd.f32 v60, v7  }
0x10e: {  	v32 =	vld [tilespmem:$0x34F0];
	v23 =	vsub.s32 $0x5F3759DF, v23;
	v11 =	vadd.f32 v30, v11;
	v17 =	vadd.f32 v61, v17  }
0x10f: {  	v35 =	vld [tilespmem:$0x3560];
	v57 =	vmul.f32 v21, v10;
	v2 =	vadd.f32 v15, v2;
	v7 =	vadd.f32 v62, v7  }
0x110: {  	v15 =	vshrl.u32 v1, $0x1;
	v1 =	vmul.f32 $5.000000000e-01, v1;
	v12 =	vadd.f32 v12, v17;
	v17 =	vld [tilespmem:$0x3570]  }
0x111: {  	v37 =	vld [tilespmem:$0x35E0];
	v13 =	vmul.f32 v57, v21;
	v6 =	vmul.f32 v6, v24;
	v7 =	vadd.f32 v63, v7  }
0x112: {  	v38 =	vld [tilespmem:$0x35F0];
	v15 =	vsub.s32 $0x5F3759DF, v15;
	v11 =	vadd.f32 v36, v11;
	v12 =	vadd.f32 v31, v12  }
0x113: {  	v39 =	vld [tilespmem:$0x3660];
	v41 =	vmul.f32 v15, v1;
	v13 =	vsub.f32 $1.500000000e+00, v13;
	v7 =	vadd.f32 v32, v7  }
0x114: {  	v16 =	vld [tilespmem:$0x3670];
	v2 =	vadd.f32 $1.000000000e+00, v2;
	v29 =	vmul.f32 v6, v29;
	v12 =	vadd.f32 v35, v12  }
0x115: {  	v11 =	vadd.f32 $1.000000000e+00, v11;
	v13 =	vmul.f32 v13, v21;
	v7 =	vadd.f32 v17, v7;
	v17 =	vld [tilespmem:$0x36E0]  }
0x116: {  	v42 =	vld [tilespmem:$0x36F0];
	v25 =	vmul.f32 v15, v41;
	v21 =	vmul.f32 $5.000000000e-01, v34;
	v12 =	vadd.f32 v37, v12  }
0x117: {  	v43 =	vld [tilespmem:$0x3760];
	v45 =	vshrl.u32 v2, $0x1;
	v10 =	vmul.f32 v13, v10;
	v7 =	vadd.f32 v38, v7  }
0x118: {  	v44 =	vld [tilespmem:$0x3770];
	v33 =	vmul.f32 v29, v6;
	v40 =	vmul.f32 v23, v21;
	v12 =	vadd.f32 v39, v12  }
0x119: {  	v25 =	vsub.f32 $1.500000000e+00, v25;
	v10 =	vmul.f32 v10, v13;
	v7 =	vadd.f32 v16, v7;
	v16 =	vld [tilespmem:$0x37E0]  }
0x11a: {  	v19 =	vsub.f32 $1.500000000e+00, v33;
	v22 =	vmul.f32 v23, v40;
	v12 =	vadd.f32 v17, v12;
	v17 =	vld [tilespmem:$0x37F0]  }
0x11b: {  	v2 =	vmul.f32 $5.000000000e-01, v2;
	v10 =	vsub.f32 $1.500000000e+00, v10;
	v7 =	vadd.f32 v42, v7  }
0x11c: {  	v15 =	vmul.f32 v15, v25;
	v22 =	vsub.f32 $1.500000000e+00, v22;
	v12 =	vadd.f32 v43, v12  }
0x11d: {  	v6 =	vmul.f32 v19, v6;
	v10 =	vmul.f32 v10, v13;
	v7 =	vadd.f32 v44, v7  }
0x11e: {  	v13 =	vmul.f32 v23, v22;
	v12 =	vadd.f32 v16, v12;
	v16 =	vsub.s32 $0x5F3759DF, v45  }
0x11f: {  	v7 =	vadd.f32 v17, v7;
	v17 =	vshrl.u32 v11, $0x1;
	v11 =	vmul.f32 $5.000000000e-01, v11  }
0x120: {  	v18 =	vmul.f32 v16, v2;
	v12 =	vadd.f32 $1.000000000e+00, v12;
	v17 =	vsub.s32 $0x5F3759DF, v17  }
0x121: {  	v51 =	vmul.f32 v13, v21;
	v7 =	vadd.f32 $1.000000000e+00, v7;
	v46 =	vmul.f32 v17, v11  }
0x122: {  	v18 =	vmul.f32 v16, v18;
	v47 =	vshrl.u32 v12, $0x1;
	v12 =	vmul.f32 $5.000000000e-01, v12  }
0x123: {  	v20 =	vsub.s32 $0x5F3759DF, v47;
	v48 =	vshrl.u32 v7, $0x1;
	v7 =	vmul.f32 $5.000000000e-01, v7  }
0x124: {  	v19 =	vmul.f32 v17, v46;
	v49 =	vmul.f32 v20, v12;
	v22 =	vsub.s32 $0x5F3759DF, v48  }
0x125: {  	v25 =	vmul.f32 v51, v13;
	v18 =	vsub.f32 $1.500000000e+00, v18;
	v50 =	vmul.f32 v22, v7  }
0x126: {  	v52 =	vmul.f32 v15, v1;
	v19 =	vsub.f32 $1.500000000e+00, v19;
	v23 =	vmul.f32 v20, v49  }
0x127: {  	v25 =	vsub.f32 $1.500000000e+00, v25;
	v16 =	vmul.f32 v16, v18;
	v24 =	vmul.f32 v22, v50  }
0x128: {  	v54 =	vmul.f32 v52, v15;
	v17 =	vmul.f32 v17, v19;
	v53 =	vsub.f32 $1.500000000e+00, v23  }
0x129: {  	v13 =	vmul.f32 v25, v13;
	v56 =	vmul.f32 v16, v2;
	v55 =	vsub.f32 $1.500000000e+00, v24  }
0x12a: {  	v23 =	vsub.f32 $1.500000000e+00, v54;
	v57 =	vmul.f32 v17, v11;
	v18 =	vmul.f32 v20, v53  }
0x12b: {  	v58 =	vmul.f32 v56, v16;
	v19 =	vmul.f32 v22, v55  }
0x12c: {  	v15 =	vmul.f32 v23, v15;
	v59 =	vmul.f32 v18, v12  }
0x12d: {  	v20 =	vmul.f32 v57, v17;
	v60 =	vmul.f32 v19, v7  }
0x12e: {  	v21 =	vmul.f32 v13, v21;
	v22 =	vsub.f32 $1.500000000e+00, v58;
	v24 =	vmul.f32 v59, v18  }
0x12f: {  	v1 =	vmul.f32 v15, v1;
	v20 =	vsub.f32 $1.500000000e+00, v20;
	v26 =	vmul.f32 v60, v19  }
0x130: {  	v63 =	vmul.f32 v21, v13;
	v16 =	vmul.f32 v22, v16;
	v61 =	vsub.f32 $1.500000000e+00, v24  }
0x131: {  	v1 =	vmul.f32 v1, v15;
	v17 =	vmul.f32 v20, v17;
	v62 =	vsub.f32 $1.500000000e+00, v26  }
0x132: {  	v2 =	vmul.f32 v16, v2;
	v18 =	vmul.f32 v61, v18  }
0x133: {  	v11 =	vmul.f32 v17, v11;
	v19 =	vmul.f32 v62, v19  }
0x134: {  	v20 =	vsub.f32 $1.500000000e+00, v63;
	v2 =	vmul.f32 v2, v16;
	v12 =	vmul.f32 v18, v12  }
0x135: {  	v1 =	vsub.f32 $1.500000000e+00, v1;
	v11 =	vmul.f32 v11, v17;
	v7 =	vmul.f32 v19, v7  }
0x136: {  	[tilespmem:$0x3800] =	vst v6;
	v6 =	vmul.f32 v20, v13;
	v2 =	vsub.f32 $1.500000000e+00, v2;
	v12 =	vmul.f32 v12, v18  }
0x137: {  	[tilespmem:$0x3810] =	vst v10;
	v1 =	vmul.f32 v1, v15;
	v10 =	vsub.f32 $1.500000000e+00, v11;
	v7 =	vmul.f32 v7, v19  }
0x138: {  	[tilespmem:$0x3820] =	vst v6;
	v2 =	vmul.f32 v2, v16;
	v6 =	vsub.f32 $1.500000000e+00, v12  }
0x139: {  	[tilespmem:$0x3830] =	vst v1;
	v1 =	vmul.f32 v10, v17;
	v7 =	vsub.f32 $1.500000000e+00, v7  }
0x13a: {  	[tilespmem:$0x3840] =	vst v2;
	v2 =	vmul.f32 v6, v18  }
0x13b: {  	[tilespmem:$0x3850] =	vst v1;
	v1 =	vmul.f32 v7, v19  }
0x13c: {  	[tilespmem:$0x3860] =	vst v2  }
0x13d: {  	s18 =	simm.s32 $0x3800;
	s17 =	rddreg [dreg:$0x12];
	[tilespmem:$0x3870] =	vst v1  }
0x13e: {  	[spmem:s17] =	stream.linear.scatter [tilespmem:s18], [sflag:$0x2], $0x80, $0x200038;
	[tilespmem:$0x19780] =	vst v63  }
0x13f: {  	_ =	swait.ge [sflag:s0], $0x80  }
0x140: {  	[sflag:s0] =	ssyncset.done $0x0  }
0x141: {  	[sflag:s0] =	ssyncadd.s32 $0xFFFFFF80  }
0x142: {  	[bflag:$0x0] =	sbarrier.arrive $0xFFFF  }
0x143: {  	s19 =	rddreg [dreg:$0x4]  }
0x144: {  	[tilespmem:s5], [sflag:$0x2] =	stream.linear.gather [spmem:s19], $0x800, $0x200038;
	[tilespmem:$0x19780] =	vst v63  }
0x145: {  	_ =	swait.ge [sflag:s0], $0x800  }
0x146: {  	[sflag:s0] =	ssyncset.done $0x0  }
0x147: {  	[sflag:s0] =	ssyncadd.s32 $0xFFFFF800  }
0x148: {  	_ =	strace $0x9000004A  }
0x149: {  	v1 =	vld [tilespmem:$0x1FF80];
	_ =	sdelay $0x7  }
0x14a: {  	v1 =	vld.idx.msk [tilespmem:v1+s5+$0x0], $0xffff;
	_ =	sdelay $0x4  }
0x14b: {  	v2 =	vsub.f32 $0.0e+00, v1;
	_ =	sdelay $0x1  }
0x14c: {  	v1 =	vmul.f32 v2, v1;
	_ =	sdelay $0x1  }
0x14d: {  	[tilespmem:$0x5900] =	vst v1;
	v1 =	vld [tilespmem:$0x1FFA0];
	_ =	sdelay $0x1  }
0x14e: {  	v6 =	vld [tilespmem:$0x1FF90];
	_ =	sdelay $0x4  }
0x14f: {  	[tilespmem:$0x4880] =	vst v6  }
0x150: {  	v1 =	vld.idx.msk [tilespmem:v1+s5+$0x0], $0xffff;
	_ =	sdelay $0x1  }
0x151: {  	[tilespmem:$0x48A0] =	vst v6  }
0x152: {  	[tilespmem:$0x5920] =	vst v14  }
0x153: {  	[tilespmem:$0x5930] =	vst v14  }
0x154: {  	[tilespmem:$0x48C0] =	vst v6;
	v2 =	vsub.f32 $0.0e+00, v1  }
0x155: {  	[tilespmem:$0x5940] =	vst v14  }
0x156: {  	[tilespmem:$0x5950] =	vst v14;
	v1 =	vmul.f32 v2, v1;
	v2 =	vld [tilespmem:$0x1FFB0]  }
0x157: {  	[tilespmem:$0x48E0] =	vst v6  }
0x158: {  	[tilespmem:$0x5960] =	vst v14  }
0x159: {  	[tilespmem:$0x5970] =	vst v14  }
0x15a: {  	[tilespmem:$0x5910] =	vst v1  }
0x15b: {  	[tilespmem:$0x4890] =	vst v2  }
0x15c: {  	[tilespmem:$0x48B0] =	vst v2  }
0x15d: {  	[tilespmem:$0x48D0] =	vst v2  }
0x15e: {  	[tilespmem:$0x48F0] =	vst v2  }
0x15f: {  	s13 =	simm.s32 $0x0;
	_ =	strace $0x8000004B  }
0x160: {  	s14 =	simm.s32 $0x800;
	v1 =	vld [tilespmem:s13+$0x0]  }
0x161: {  	v2 =	vld [tilespmem:s14+$0x0];
	_ =	sdelay $0x4  }
0x162: {  	s15 =	simm.s32 $0x1000  }
0x163: {  	v6 =	vld [tilespmem:s15+$0x0]  }
0x164: {  	v7 =	vld.idx.msk [tilespmem:v1+s5+$0x0], $0xffff  }
0x165: {  	v16 =	vor.u32 s13, v0;
	v10 =	vld.idx.msk [tilespmem:v2+s5+$0x0], $0xffff  }
0x166: {  	v16 =	vand.u32 $0x3FF, v16  }
0x167: {  	v16 =	vor.u32 v5, v16;
	v11 =	vshrl.u32 v1, $0x9  }
0x168: {  	v12 =	vsub.s32 v1, v4;
	v13 =	vshrl.u32 v2, $0x9;
	vm0 =	veq.f32 v6, $0.0e+00  }
0x169: {  	v15 =	vsub.s32 v2, v4;
	v6 =	vadd.f32 $1.000000000e+00, v6;
	v17 =	vsel vm0, v1, v2  }
0x16a: {  	v1 =	vsel vm0, v2, v1;
	v2 =	vmul.f32 v10, v7;
	v7 =	vmul.f32 v7, v7  }
0x16b: {  	v12 =	vshll.u32 v12, $0xB;
	vm1 =	veq.s32 v11, v3;
	v6 =	vsub.f32 $0.0e+00, v6  }
0x16c: {  	v11 =	vadd.s32 v12, v17;
	v10 =	vmul.f32 v10, v10;
	v7 =	vsel vm0, v7, v2  }
0x16d: {  	s17 =	simm.s32 $0x4080;
	v15 =	vshll.u32 v15, $0xB;
	v11 =	vsel vm1, v11, v16;
	v7 =	vmul.f32 v7, v6  }
0x16e: {  	s15 =	simm.s32 $0x5100;
	vm15 =	veq.s32 v13, v3;
	v1 =	vadd.s32 v15, v1;
	[tilespmem:s17+$0xFFFFF800] =	vst v11;
	v2 =	vsel vm0, v10, v2  }
0x16f: {  	v1 =	vsel vm15, v1, v16;
	v15 =	vmul.f32 v2, v6;
	[tilespmem:s15+$0xFFFFF800] =	vst v7  }
0x170: {  	s16 =	simm.s32 $0x10;
	s18 =	simm.s32 $0x4090;
	[tilespmem:s17+$0x0] =	vst v1;
	s17 =	simm.s32 $0x1010  }
.LBB2_8:
0x171: {  	[tilespmem:s15+$0x0] =	vst v15;
	s15 =	sadd.s32 $0x10, s15;
	s13 =	sadd.s32 $0x10, s13;
	s14 =	sadd.s32 $0x10, s14  }
0x172: {  	p0 =	sne.s32 s16, $0x7F0;
	s19 =	smov.u32 s16;
	s16 =	sadd.s32 $0x10, s16;
	v1 =	vld [tilespmem:s13+$0x0]  }
0x173: {  	v2 =	vld [tilespmem:s14+$0x0];
	_ =	sdelay $0x3  }
0x174: {  	v6 =	vshrl.u32 v1, $0x9;
	v7 =	vsub.s32 v1, v4  }
0x175: {  	v10 =	vshrl.u32 v2, $0x9;
	v11 =	vsub.s32 v2, v4  }
0x176: {  	v12 =	vld [tilespmem:s17+$0x0]  }
0x177: {  	v13 =	vld.idx.msk [tilespmem:v1+s5+$0x0], $0xffff  }
0x178: {  	v15 =	vld.idx.msk [tilespmem:v2+s5+$0x0], $0xffff;
	_ =	sdelay $0x1  }
0x179: {  	v16 =	vor.u32 s19, v0;
	v7 =	vshll.u32 v7, $0xB;
	v11 =	vshll.u32 v11, $0xB  }
0x17a: {  	v16 =	vand.u32 $0x3FF, v16;
	vm0 =	veq.f32 v12, $0.0e+00;
	v12 =	vadd.f32 $1.000000000e+00, v12  }
0x17b: {  	v17 =	vsel vm0, v1, v2;
	v1 =	vsel vm0, v2, v1;
	v2 =	vor.u32 v5, v16  }
0x17c: {  	vm1 =	veq.s32 v6, v3;
	v6 =	vadd.s32 v7, v17;
	v1 =	vadd.s32 v11, v1  }
0x17d: {  	v7 =	vmul.f32 v15, v13;
	v11 =	vmul.f32 v13, v13;
	v6 =	vsel vm1, v6, v2  }
0x17e: {  	v12 =	vsub.f32 $0.0e+00, v12;
	v13 =	vmul.f32 v15, v15;
	[tilespmem:s18+$0xFFFFF800] =	vst v6  }
.Ltmp3:
0x17f: {  	v6 =	vsel vm0, v11, v7;
	(pc) =	sbr.rel @p0 .LBB2_8-.Ltmp3, $4  }
0x180: {  	v7 =	vsel vm0, v13, v7;
	v6 =	vmul.f32 v6, v12  }
0x181: {  	vm0 =	veq.s32 v10, v3  }
0x182: {  	v15 =	vmul.f32 v7, v12;
	v1 =	vsel vm0, v1, v2;
	[tilespmem:s15+$0xFFFFF800] =	vst v6  }
0x183: {  	s17 =	sadd.s32 $0x10, s17;
	[tilespmem:s18+$0x0] =	vst v1;
	s18 =	sadd.s32 $0x10, s18  }
0x184: {  	[tilespmem:s15+$0x0] =	vst v15  }
0x185: {  	_ =	strace $0x9000004B  }
0x186: {  	v1 =	vld [tilespmem:$0x1FFC0];
	_ =	sdelay $0x7  }
0x187: {  	v1 =	vld.idx.msk [tilespmem:v1+s5+$0x0], $0xffff;
	_ =	sdelay $0x4  }
0x188: {  	v2 =	vsub.f32 $0.0e+00, v1;
	_ =	sdelay $0x1  }
0x189: {  	v1 =	vmul.f32 v2, v1;
	_ =	sdelay $0x1  }
0x18a: {  	[tilespmem:$0x7A00] =	vst v1;
	v1 =	vld [tilespmem:$0x1FFE0];
	_ =	sdelay $0x1  }
0x18b: {  	v6 =	vld [tilespmem:$0x1FFD0];
	_ =	sdelay $0x4  }
0x18c: {  	[tilespmem:$0x6980] =	vst v6  }
0x18d: {  	v1 =	vld.idx.msk [tilespmem:v1+s5+$0x0], $0xffff;
	_ =	sdelay $0x1  }
0x18e: {  	[tilespmem:$0x69A0] =	vst v6  }
0x18f: {  	[tilespmem:$0x7A20] =	vst v14  }
0x190: {  	[tilespmem:$0x7A30] =	vst v14  }
0x191: {  	[tilespmem:$0x69C0] =	vst v6;
	v2 =	vsub.f32 $0.0e+00, v1  }
0x192: {  	[tilespmem:$0x7A40] =	vst v14  }
0x193: {  	[tilespmem:$0x7A50] =	vst v14;
	v1 =	vmul.f32 v2, v1;
	v2 =	vld [tilespmem:$0x1FFF0]  }
0x194: {  	[tilespmem:$0x69E0] =	vst v6  }
0x195: {  	[tilespmem:$0x7A60] =	vst v14  }
0x196: {  	[tilespmem:$0x7A70] =	vst v14  }
0x197: {  	[tilespmem:$0x7A10] =	vst v1  }
0x198: {  	[tilespmem:$0x6990] =	vst v2  }
0x199: {  	[tilespmem:$0x69B0] =	vst v2  }
0x19a: {  	[tilespmem:$0x69D0] =	vst v2  }
0x19b: {  	[tilespmem:$0x69F0] =	vst v2  }
0x19c: {  	s13 =	simm.s32 $0x0;
	_ =	strace $0x8000004C  }
0x19d: {  	s14 =	simm.s32 $0x800;
	v1 =	vld [tilespmem:s13+$0x0]  }
0x19e: {  	v2 =	vld [tilespmem:s14+$0x0];
	_ =	sdelay $0x4  }
0x19f: {  	s19 =	simm.s32 $0x1000  }
0x1a0: {  	v6 =	vld [tilespmem:s19+$0x0]  }
0x1a1: {  	v7 =	vld.idx.msk [tilespmem:v1+s5+$0x0], $0xffff  }
0x1a2: {  	v16 =	vor.u32 s13, v0;
	v10 =	vld.idx.msk [tilespmem:v2+s5+$0x0], $0xffff  }
0x1a3: {  	v16 =	vand.u32 $0x3FF, v16  }
0x1a4: {  	v16 =	vor.u32 v5, v16;
	v11 =	vshrl.u32 v1, $0x9  }
0x1a5: {  	v12 =	vsub.s32 v1, v9;
	v13 =	vshrl.u32 v2, $0x9;
	vm0 =	veq.f32 v6, $0.0e+00  }
0x1a6: {  	v15 =	vsub.s32 v2, v9;
	v6 =	vadd.f32 $1.000000000e+00, v6;
	v17 =	vsel vm0, v1, v2  }
0x1a7: {  	v1 =	vsel vm0, v2, v1;
	v2 =	vmul.f32 v10, v7;
	v7 =	vmul.f32 v7, v7  }
0x1a8: {  	v12 =	vshll.u32 v12, $0xB;
	vm1 =	veq.s32 v11, v8;
	v6 =	vsub.f32 $0.0e+00, v6  }
0x1a9: {  	v11 =	vadd.s32 v12, v17;
	v10 =	vmul.f32 v10, v10;
	v7 =	vsel vm0, v7, v2  }
0x1aa: {  	s17 =	simm.s32 $0x6180;
	v15 =	vshll.u32 v15, $0xB;
	v11 =	vsel vm1, v11, v16;
	v7 =	vmul.f32 v7, v6  }
0x1ab: {  	s15 =	simm.s32 $0x7200;
	vm15 =	veq.s32 v13, v8;
	v1 =	vadd.s32 v15, v1;
	[tilespmem:s17+$0xFFFFF800] =	vst v11;
	v2 =	vsel vm0, v10, v2  }
0x1ac: {  	v1 =	vsel vm15, v1, v16;
	v15 =	vmul.f32 v2, v6;
	[tilespmem:s15+$0xFFFFF800] =	vst v7  }
0x1ad: {  	s16 =	simm.s32 $0x10;
	s18 =	simm.s32 $0x6190;
	[tilespmem:s17+$0x0] =	vst v1;
	s17 =	simm.s32 $0x1010  }
.LBB2_10:
0x1ae: {  	[tilespmem:s15+$0x0] =	vst v15;
	s15 =	sadd.s32 $0x10, s15;
	s13 =	sadd.s32 $0x10, s13;
	s14 =	sadd.s32 $0x10, s14  }
0x1af: {  	p0 =	sne.s32 s16, $0x7F0;
	s19 =	smov.u32 s16;
	s16 =	sadd.s32 $0x10, s16;
	v1 =	vld [tilespmem:s13+$0x0]  }
0x1b0: {  	v2 =	vld [tilespmem:s14+$0x0];
	_ =	sdelay $0x3  }
0x1b1: {  	v6 =	vshrl.u32 v1, $0x9;
	v7 =	vsub.s32 v1, v9  }
0x1b2: {  	v10 =	vshrl.u32 v2, $0x9;
	v11 =	vsub.s32 v2, v9  }
0x1b3: {  	v12 =	vld [tilespmem:s17+$0x0]  }
0x1b4: {  	v13 =	vld.idx.msk [tilespmem:v1+s5+$0x0], $0xffff  }
0x1b5: {  	v15 =	vld.idx.msk [tilespmem:v2+s5+$0x0], $0xffff;
	_ =	sdelay $0x1  }
0x1b6: {  	v16 =	vor.u32 s19, v0;
	v7 =	vshll.u32 v7, $0xB;
	v11 =	vshll.u32 v11, $0xB  }
0x1b7: {  	v16 =	vand.u32 $0x3FF, v16;
	vm0 =	veq.f32 v12, $0.0e+00;
	v12 =	vadd.f32 $1.000000000e+00, v12  }
0x1b8: {  	v17 =	vsel vm0, v1, v2;
	v1 =	vsel vm0, v2, v1;
	v2 =	vor.u32 v5, v16  }
0x1b9: {  	vm1 =	veq.s32 v6, v8;
	v6 =	vadd.s32 v7, v17;
	v1 =	vadd.s32 v11, v1  }
0x1ba: {  	v7 =	vmul.f32 v15, v13;
	v11 =	vmul.f32 v13, v13;
	v6 =	vsel vm1, v6, v2  }
0x1bb: {  	v12 =	vsub.f32 $0.0e+00, v12;
	v13 =	vmul.f32 v15, v15;
	[tilespmem:s18+$0xFFFFF800] =	vst v6  }
.Ltmp4:
0x1bc: {  	v6 =	vsel vm0, v11, v7;
	(pc) =	sbr.rel @p0 .LBB2_10-.Ltmp4, $4  }
0x1bd: {  	v7 =	vsel vm0, v13, v7;
	v6 =	vmul.f32 v6, v12  }
0x1be: {  	vm0 =	veq.s32 v10, v8  }
0x1bf: {  	v15 =	vmul.f32 v7, v12;
	v1 =	vsel vm0, v1, v2;
	[tilespmem:s15+$0xFFFFF800] =	vst v6  }
0x1c0: {  	s17 =	sadd.s32 $0x10, s17;
	[tilespmem:s18+$0x0] =	vst v1;
	s18 =	sadd.s32 $0x10, s18  }
0x1c1: {  	[tilespmem:s15+$0x0] =	vst v15  }
0x1c2: {  	_ =	strace $0x9000004C  }
0x1c3: {  	_ =	strace $0x8000004D  }
0x1c4: {  	_ =	swait.ge [sflag:s6], $0x2000  }
0x1c5: {  	[sflag:s6] =	ssyncset.done $0x0  }
0x1c6: {  	[sflag:s6] =	ssyncadd.s32 $0xFFFFE000  }
0x1c7: {  	[bflag:$0x0] =	sbarrier.arrive $0xFFFF  }
0x1c8: {  	_ =	strace $0x9000004D  }
0x1c9: {  	s13 =	simm.s32 $0x4900;
	_ =	strace $0x8000004E  }
0x1ca: {  	[spmem:s1] =	stream.indirect.scatter.add.f32 [tilespmem:s13], [sflag:$0x2], $0x1, s8, s7, $0x2000b8;
	[tilespmem:$0x19780] =	vst v63  }
0x1cb: {  	_ =	swait.ge [sflag:s0], $0x1080  }
0x1cc: {  	[sflag:s0] =	ssyncset.done $0x0  }
0x1cd: {  	[sflag:s0] =	ssyncadd.s32 $0xFFFFEF80  }
0x1ce: {  	[bflag:$0x0] =	sbarrier.arrive $0xFFFF  }
0x1cf: {  	_ =	strace $0x9000004E  }
0x1d0: {  	_ =	strace $0x8000004F  }
0x1d1: {  	s12 =	sor.u32 $0x1C02, s12;
	s17 =	rddreg [dreg:$0x13]  }
0x1d2: {  	[hbm:s17], [sflag:s12] =	dma.local [spmem:s11], $0x2000  }
0x1d3: {  	_ =	swait.ge [sflag:s0], $0x2000  }
0x1d4: {  	[sflag:s0] =	ssyncset.done $0x0  }
0x1d5: {  	[sflag:s0] =	ssyncadd.s32 $0xFFFFE000  }
0x1d6: {  	[bflag:$0x0] =	sbarrier.arrive $0xFFFF  }
0x1d7: {  	_ =	strace $0x9000004F  }
0x1d8: {  	s18 =	simm.s32 $0x7A80;
	_ =	strace $0x80000050  }
0x1d9: {  	[spmem:s1] =	stream.indirect.scatter [tilespmem:s18], [sflag:$0x2], $0x1, s8, s7, $0x2000b8;
	[tilespmem:$0x19780] =	vst v63  }
0x1da: {  	_ =	swait.ge [sflag:s0], $0x1080  }
0x1db: {  	[sflag:s0] =	ssyncset.done $0x0  }
0x1dc: {  	[sflag:s0] =	ssyncadd.s32 $0xFFFFEF80  }
0x1dd: {  	[bflag:$0x0] =	sbarrier.arrive $0xFFFF  }
0x1de: {  	_ =	strace $0x90000050  }
0x1df: {  	s19 =	simm.s32 $0x5980;
	s14 =	simm.s32 $0x6A00;
	_ =	strace $0x80000051  }
0x1e0: {  	[spmem:s1] =	stream.indirect.scatter.add.f32 [tilespmem:s14], [sflag:$0x2], $0x1, s19, s7, $0x2000b8;
	[tilespmem:$0x19780] =	vst v63  }
0x1e1: {  	_ =	swait.ge [sflag:s0], $0x1080  }
0x1e2: {  	[sflag:s0] =	ssyncset.done $0x0  }
0x1e3: {  	[sflag:s0] =	ssyncadd.s32 $0xFFFFEF80  }
0x1e4: {  	[bflag:$0x0] =	sbarrier.arrive $0xFFFF  }
0x1e5: {  	s9 =	sadd.s32 $0x1, s9;
	_ =	strace $0x90000051  }
0x1e6: {  	p0 =	sne.s32 s9, s21;
	_ =	strace $0x80000052  }
0x1e7: {  	[hbm:s20], [sflag:s12] =	dma.local [spmem:s11], $0x2000  }
.Ltmp5:
0x1e8: {  	_ = 	snop;
	(pc) =	sbr.rel @p0 .LBB2_1-.Ltmp5, $4  }
0x1e9: {  	_ =	swait.ge [sflag:s0], $0x2000  }
0x1ea: {  	[sflag:s0] =	ssyncset.done $0x0  }
0x1eb: {  	[sflag:s0] =	ssyncadd.s32 $0xFFFFE000  }
0x1ec: {  	_ =	strace $0x90000052  }
0x1ed: {  	_ =	sfence.sel $0x180000  }
0x1ee: {  	[bflag:$0x0] =	sbarrier.arrive $0xFFFF  }
0x1ef: {  	_ =	strace $0x90000047  }
0x1f0: {  	s0 =	stileid.u32;
	[bflag:$0x2] =	sbarrier.arrive $0xFFFF  }
0x1f1: {  	p0 =	sne.s32 s0, $0x0;
	s0 =	rddreg [dreg:$0x5]  }
0x1f2: {  	s0 =	sadd.s32 @!p0 $0x100000, s0  }
0x1f3: {  	[sflag:s0] =	ssyncadd.tile.s32 @!p0 $0x1;
	_ =	shalt  }
.Lfunc_end2:
_tile_overlayer_lowered:
.L_overlay_start_2:
0x1f4: {  	(tag) =	ssettag $0x2  }
0x1f5: {  	s0 =	rddreg [dreg:$0x0];
	s2 =	stileid.u32  }
0x1f6: {  	s1 =	rddreg [dreg:$0x1];
	p0 =	sne.s32 s2, $0x0  }
0x1f7: {  	s3 =	rddreg [dreg:$0x2];
	[bflag:$0x3] =	sbarrier.arrive $0xFFFF;
	s2 =	simm.s32 @!p0 $0x1C02  }
0x1f8: {  	[timem:s3], [sflag:s2] =	dma.local @!p0 [hbm:s0], s1  }
0x1f9: {  	s0 =	simm.s32 @!p0 $0x2  }
0x1fa: {  	_ =	swait.ge @!p0 [sflag:s0], s1  }
0x1fb: {  	s1 =	ssub.s32 @!p0 $0x0, s1;
	[sflag:s0] =	ssyncset.done @!p0 $0x0  }
0x1fc: {  	[sflag:s0] =	ssyncadd.s32 @!p0 s1  }
0x1fd: {  	[bflag:$0x3] =	sbarrier.arrive $0xFFFF  }
0x1fe: {  	_ =	shalt  }

</sc_bundles>
